<compile_context>
chip_gen: v7x
topology: tpu7x:2x2x1
jax: 0.10.2.dev20260603
libtpu: 0.0.44.dev20260713+nightly
codegen_flags: <defaults>
</compile_context>

<pallas_src>
import functools

import jax
import jax.numpy as jnp
from jax import lax
from jax.experimental import pallas as pl
from jax.experimental.pallas import tpu as pltpu
from jax.experimental.pallas import tpu_sc as plsc

N_NODES = 10000
N_EDGES = 320000
D_IN = 128
D_H = 32

NC, NS = 2, 16
NW = NC * NS
K = 128
CHUNKS = N_EDGES // (NW * K)
EXTRA = (N_EDGES // K) % NW
N_PAD = 10240
RPS = N_PAD // NS
RB = 4
IR = 8

ROW_BLK = 2000



def _project_body(x_ref, wl_ref, wr_ref, p_ref, r_ref):
    xb = x_ref[...]
    p_ref[...] = jnp.dot(xb, wl_ref[...], preferred_element_type=jnp.float32)
    r_ref[...] = jnp.dot(xb, wr_ref[...], preferred_element_type=jnp.float32)


def _project(x, w_l, w_r):
    n, d = x.shape
    return pl.pallas_call(
        _project_body,
        grid=(n // ROW_BLK,),
        in_specs=[
            pl.BlockSpec((ROW_BLK, d), lambda i: (i, 0)),
            pl.BlockSpec((d, D_H), lambda i: (0, 0)),
            pl.BlockSpec((d, D_H), lambda i: (0, 0)),
        ],
        out_specs=[
            pl.BlockSpec((ROW_BLK, D_H), lambda i: (i, 0)),
            pl.BlockSpec((ROW_BLK, D_H), lambda i: (i, 0)),
        ],
        out_shape=[jax.ShapeDtypeStruct((n, D_H), jnp.float32)] * 2,
    )(x, w_l, w_r)


def _combine1_body(agg_ref, degp_ref, b_ref, r_ref, wl_ref, wr_ref,
                   p2_ref, r2_ref, rdeg_ref):
    deg = degp_ref[0][:, :1] + degp_ref[1][:, :1]
    rdeg = 1.0 / jnp.maximum(deg, 1.0)
    h = jnp.maximum(
        (agg_ref[0] + agg_ref[1]) * rdeg + b_ref[...] + r_ref[...], 0.0)
    p2_ref[...] = jnp.dot(h, wl_ref[...], preferred_element_type=jnp.float32)
    r2_ref[...] = jnp.dot(h, wr_ref[...], preferred_element_type=jnp.float32)
    rdeg_ref[...] = rdeg


def _combine1(agg, degp, b, r, w_l, w_r):
    return pl.pallas_call(
        _combine1_body,
        grid=(N_NODES // ROW_BLK,),
        in_specs=[
            pl.BlockSpec((NC, ROW_BLK, D_H), lambda i: (0, i, 0)),
            pl.BlockSpec((NC, ROW_BLK, 16), lambda i: (0, i, 0)),
            pl.BlockSpec((D_H,), lambda i: (0,)),
            pl.BlockSpec((ROW_BLK, D_H), lambda i: (i, 0)),
            pl.BlockSpec((D_H, D_H), lambda i: (0, 0)),
            pl.BlockSpec((D_H, D_H), lambda i: (0, 0)),
        ],
        out_specs=[
            pl.BlockSpec((ROW_BLK, D_H), lambda i: (i, 0)),
            pl.BlockSpec((ROW_BLK, D_H), lambda i: (i, 0)),
            pl.BlockSpec((ROW_BLK, 1), lambda i: (i, 0)),
        ],
        out_shape=[
            jax.ShapeDtypeStruct((N_NODES, D_H), jnp.float32),
            jax.ShapeDtypeStruct((N_NODES, D_H), jnp.float32),
            jax.ShapeDtypeStruct((N_NODES, 1), jnp.float32),
        ],
    )(agg, degp, b, r, w_l, w_r)


def _combine2_body(agg_ref, rdeg_ref, b_ref, r_ref, o_ref):
    o_ref[...] = jnp.maximum(
        (agg_ref[0] + agg_ref[1]) * rdeg_ref[...] + b_ref[...] + r_ref[...],
        0.0)


def _combine2(agg, rdeg, b, r):
    return pl.pallas_call(
        _combine2_body,
        grid=(N_NODES // ROW_BLK,),
        in_specs=[
            pl.BlockSpec((NC, ROW_BLK, D_H), lambda i: (0, i, 0)),
            pl.BlockSpec((ROW_BLK, 1), lambda i: (i, 0)),
            pl.BlockSpec((D_H,), lambda i: (0,)),
            pl.BlockSpec((ROW_BLK, D_H), lambda i: (i, 0)),
        ],
        out_specs=pl.BlockSpec((ROW_BLK, D_H), lambda i: (i, 0)),
        out_shape=jax.ShapeDtypeStruct((N_NODES, D_H), jnp.float32),
    )(agg, rdeg, b, r)



def _make_sc_aggregate(with_deg):
    mesh = plsc.VectorSubcoreMesh(core_axis_name="c", subcore_axis_name="s")
    out_type = [jax.ShapeDtypeStruct((NC, N_PAD, D_H), jnp.float32)]
    scratch = (
        [pltpu.VMEM((K,), jnp.int32) for _ in range(IR)]
        + [pltpu.VMEM((K,), jnp.int32) for _ in range(IR)]
        + [pltpu.VMEM((K, D_H), jnp.float32) for _ in range(RB)]
        + [pltpu.VMEM_SHARED((N_PAD, D_H), jnp.float32)]
        + [pltpu.SemaphoreType.DMA] * (IR + 2 * RB)
    )
    if with_deg:
        out_type.append(jax.ShapeDtypeStruct((NC, N_PAD, 16), jnp.float32))
        scratch += [
            pltpu.VMEM((N_PAD,), jnp.float32),
            pltpu.VMEM_SHARED((NS, N_PAD), jnp.float32),
            pltpu.VMEM((RPS + 16,), jnp.float32),
            pltpu.VMEM((RPS,), jnp.float32),
            pltpu.VMEM((RPS, 16), jnp.float32),
        ]

    def body(p_hbm, eflat_hbm, zeros_hbm, *rest):
        if with_deg:
            agg_out, deg_out = rest[0], rest[1]
            rest = rest[2:]
        else:
            agg_out = rest[0]
            rest = rest[1:]
        sidx = rest[0:IR]
        didx = rest[IR:2 * IR]
        rows = rest[2 * IR:2 * IR + RB]
        aggsh = rest[2 * IR + RB]
        o = 2 * IR + RB + 1
        sem_i = rest[o:o + IR]
        sem_g = rest[o + IR:o + IR + RB]
        sem_s = rest[o + IR + RB:o + IR + 2 * RB]
        if with_deg:
            ldeg, parts_sh, racc, rtmp, rspread = rest[o + IR + 2 * RB:]
        c = lax.axis_index("c")
        s = lax.axis_index("s")
        wid = c * NS + s

        pltpu.sync_copy(zeros_hbm.at[pl.ds(s * RPS, RPS)],
                        aggsh.at[pl.ds(s * RPS, RPS)])
        if with_deg:
            z16 = jnp.zeros((16,), jnp.float32)

            def zero_deg(i, carry):
                ldeg[pl.ds(i * 16, 16)] = z16
                return carry
            lax.fori_loop(0, N_PAD // 16, zero_deg, 0)
        plsc.subcore_barrier()

        ones16 = jnp.ones((16,), jnp.float32)
        nj = CHUNKS + jnp.where(wid < EXTRA, 1, 0)

        def fire_idx(j, slot):
            off = (wid + j * NW) * K
            pltpu.async_copy(eflat_hbm.at[pl.ds(off, K)],
                             sidx[slot], sem_i[slot])
            pltpu.async_copy(eflat_hbm.at[pl.ds(N_EDGES + off, K)],
                             didx[slot], sem_i[slot])

        def wait_idx(j, slot):
            off = (wid + j * NW) * K
            pltpu.make_async_copy(eflat_hbm.at[pl.ds(off, K)],
                                  sidx[slot], sem_i[slot]).wait()
            pltpu.make_async_copy(eflat_hbm.at[pl.ds(N_EDGES + off, K)],
                                  didx[slot], sem_i[slot]).wait()

        fire_idx(0, 0)
        wait_idx(0, 0)
        for jj in range(1, IR // 2):
            fire_idx(jj, jj)
        pltpu.async_copy(p_hbm.at[sidx[0]], rows[0], sem_g[0])

        def chunk_step(j, b):
            r = b % IR
            p = b % RB

            @pl.when(j + 1 < nj)
            def _launch_next_gather():
                wait_idx(j + 1, (b + 1) % IR)

                @pl.when(j + 1 >= RB)
                def _drain_old_scatter():
                    pltpu.make_async_copy(
                        rows[(b + 1) % RB], aggsh.at[didx[(b + 1) % IR]],
                        sem_s[(b + 1) % RB]).wait()
                pltpu.async_copy(
                    p_hbm.at[sidx[(b + 1) % IR]], rows[(b + 1) % RB],
                    sem_g[(b + 1) % RB])

            pltpu.make_async_copy(
                p_hbm.at[sidx[r]], rows[p], sem_g[p]).wait()
            pltpu.async_copy(rows[p], aggsh.at[didx[r]], sem_s[p], add=True)
            if with_deg:
                for t in range(K // 16):
                    plsc.addupdate_scatter(
                        ldeg, [didx[r][pl.ds(t * 16, 16)]], ones16)

            @pl.when(j + IR // 2 < nj)
            def _next_idx():
                fire_idx(j + IR // 2, (b + IR // 2) % IR)

        def step(i, carry):
            j0 = i * IR
            for b in range(IR):
                @pl.when(j0 + b < nj)
                def _do(jb=j0 + b, bb=b):
                    chunk_step(jb, bb)
            return carry
        lax.fori_loop(0, (CHUNKS + 1 + IR - 1) // IR, step, 0)

        for p in range(RB):
            pltpu.make_async_copy(rows[p], aggsh.at[didx[p]],
                                  sem_s[p]).wait()

        plsc.subcore_barrier()

        pltpu.sync_copy(aggsh.at[pl.ds(s * RPS, RPS)],
                        agg_out.at[c, pl.ds(s * RPS, RPS)])

        if with_deg:
            pltpu.sync_copy(ldeg, parts_sh.at[s])
            plsc.subcore_barrier()
            seg = s * RPS
            pltpu.sync_copy(parts_sh.at[0, pl.ds(seg, RPS)],
                            racc.at[pl.ds(0, RPS)])

            def red_k(k, carry):
                pltpu.sync_copy(parts_sh.at[k, pl.ds(seg, RPS)], rtmp)

                def red_v(t, carry2):
                    sl = pl.ds(t * 16, 16)
                    racc[sl] = racc[sl] + rtmp[sl]
                    return carry2
                lax.fori_loop(0, RPS // 16, red_v, 0)
                return carry
            lax.fori_loop(1, NS, red_k, 0)

            def spread(i, carry):
                rspread[i, pl.ds(0, 16)] = racc[pl.ds(i, 16)]
                return carry
            lax.fori_loop(0, RPS, spread, 0)
            pltpu.sync_copy(rspread, deg_out.at[c, pl.ds(seg, RPS)])

    return pl.kernel(
        body,
        out_type=tuple(out_type) if with_deg else out_type[0],
        mesh=mesh,
        scratch_types=scratch,
        compiler_params=pltpu.CompilerParams(use_tc_tiling_on_sc=False,
                                             needs_layout_passes=False),
    )


_sc_aggregate_deg = _make_sc_aggregate(with_deg=True)
_sc_aggregate = _make_sc_aggregate(with_deg=False)



def kernel(x, edge_index, W1_l, b1, W1_r, W2_l, b2, W2_r):
    eflat = edge_index.astype(jnp.int32).reshape(2 * N_EDGES)
    zeros = jnp.zeros((N_PAD, D_H), jnp.float32)

    p1, r1 = _project(x, W1_l, W1_r)
    agg1, degp = _sc_aggregate_deg(p1, eflat, zeros)
    p2, r2, rdeg = _combine1(agg1, degp, b1, r1, W2_l, W2_r)
    agg2 = _sc_aggregate(p2, eflat, zeros)
    return _combine2(agg2, rdeg, b2, r2)

# --- scband reference (transcript-rebuilt; emitter-appended) ---
"""Pipeline reference for scband-graph-sageencoder-34634616274989 (READ-ONLY COPY).

The authoritative reference and input builder live on the scoring server;
editing this copy changes nothing except your own understanding.
"""

import jax, jax.numpy as jnp
import numpy as np

N_NODES = 10000
N_EDGES = 320000
IN_DIM = 128
HIDDEN_DIM = 32
OUTPUT_DIM = 32


def setup_inputs(seed: int = 0) -> dict:
    key = jax.random.key(seed)
    k = jax.random.split(key, 8)
    x = jax.random.normal(k[0], (N_NODES, IN_DIM), dtype=jnp.float32)
    edge_index = jax.random.randint(k[1], (2, N_EDGES), 0, N_NODES, dtype=jnp.int64)
    # SAGEConv params: lin_l (with bias) applied to aggregated neighbors, lin_r (no bias) on root.
    s1 = 1.0 / np.sqrt(IN_DIM)
    s2 = 1.0 / np.sqrt(HIDDEN_DIM)
    W1_l = jax.random.normal(k[2], (IN_DIM, HIDDEN_DIM), dtype=jnp.float32) * s1
    b1 = jnp.zeros((HIDDEN_DIM,), dtype=jnp.float32)
    W1_r = jax.random.normal(k[3], (IN_DIM, HIDDEN_DIM), dtype=jnp.float32) * s1
    W2_l = jax.random.normal(k[4], (HIDDEN_DIM, OUTPUT_DIM), dtype=jnp.float32) * s2
    b2 = jnp.zeros((OUTPUT_DIM,), dtype=jnp.float32)
    W2_r = jax.random.normal(k[5], (HIDDEN_DIM, OUTPUT_DIM), dtype=jnp.float32) * s2
    return {"x": x, "edge_index": edge_index, "W1_l": W1_l, "b1": b1, "W1_r": W1_r,
            "W2_l": W2_l, "b2": b2, "W2_r": W2_r}


def _sage_conv(x, src, dst, W_l, b, W_r, num_nodes):
    # mean aggregation of source-node features at destination nodes
    msgs = jnp.take(x, src, axis=0)                      # gather  [E, d]
    agg = jnp.zeros((num_nodes, x.shape[1]), dtype=x.dtype).at[dst].add(msgs)  # scatter-add
    deg = jnp.zeros((num_nodes,), dtype=x.dtype).at[dst].add(1.0)
    agg = agg / jnp.clip(deg, 1.0, None)[:, None]
    return agg @ W_l + b + x @ W_r


def reference(x, edge_index, W1_l, b1, W1_r, W2_l, b2, W2_r):
    src = edge_index[0]
    dst = edge_index[1]
    n = x.shape[0]
    h = _sage_conv(x, src, dst, W1_l, b1, W1_r, n)
    h = jax.nn.relu(h)
    # dropout is identity in eval mode
    h = _sage_conv(h, src, dst, W2_l, b2, W2_r, n)
    h = jax.nn.relu(h)
    return h

if __name__ == "__main__":
    import jax
    _d = setup_inputs()
    print(jax.jit(kernel)(*tuple(_d.values())))

</pallas_src>

<mosaic_0001>
#map = affine_map<(d0, d1) -> (0, 0)>
#map1 = affine_map<(d0, d1) -> (0)>
#map2 = affine_map<(d0, d1) -> (0, 0, 0)>
module attributes {stable_mosaic.version = 14 : i64} {
  func.func @body(%arg0: i32, %arg1: i32, %arg2: memref<10000x32xf32, #tpu.memory_space<hbm>>, %arg3: memref<640000xi32, #tpu.memory_space<hbm>>, %arg4: memref<10240x32xf32, #tpu.memory_space<hbm>>, %arg5: memref<2x10240x32xf32, #tpu.memory_space<hbm>>, %arg6: memref<128xi32, #tpu.memory_space<vmem>>, %arg7: memref<128xi32, #tpu.memory_space<vmem>>, %arg8: memref<128xi32, #tpu.memory_space<vmem>>, %arg9: memref<128xi32, #tpu.memory_space<vmem>>, %arg10: memref<128xi32, #tpu.memory_space<vmem>>, %arg11: memref<128xi32, #tpu.memory_space<vmem>>, %arg12: memref<128xi32, #tpu.memory_space<vmem>>, %arg13: memref<128xi32, #tpu.memory_space<vmem>>, %arg14: memref<128xi32, #tpu.memory_space<vmem>>, %arg15: memref<128xi32, #tpu.memory_space<vmem>>, %arg16: memref<128xi32, #tpu.memory_space<vmem>>, %arg17: memref<128xi32, #tpu.memory_space<vmem>>, %arg18: memref<128xi32, #tpu.memory_space<vmem>>, %arg19: memref<128xi32, #tpu.memory_space<vmem>>, %arg20: memref<128xi32, #tpu.memory_space<vmem>>, %arg21: memref<128xi32, #tpu.memory_space<vmem>>, %arg22: memref<128x32xf32, #tpu.memory_space<vmem>>, %arg23: memref<128x32xf32, #tpu.memory_space<vmem>>, %arg24: memref<128x32xf32, #tpu.memory_space<vmem>>, %arg25: memref<128x32xf32, #tpu.memory_space<vmem>>, %arg26: memref<10240x32xf32, #tpu.memory_space<vmem_shared>>, %arg27: memref<!tpu.dma_semaphore, #tpu.memory_space<semaphore_mem>>, %arg28: memref<!tpu.dma_semaphore, #tpu.memory_space<semaphore_mem>>, %arg29: memref<!tpu.dma_semaphore, #tpu.memory_space<semaphore_mem>>, %arg30: memref<!tpu.dma_semaphore, #tpu.memory_space<semaphore_mem>>, %arg31: memref<!tpu.dma_semaphore, #tpu.memory_space<semaphore_mem>>, %arg32: memref<!tpu.dma_semaphore, #tpu.memory_space<semaphore_mem>>, %arg33: memref<!tpu.dma_semaphore, #tpu.memory_space<semaphore_mem>>, %arg34: memref<!tpu.dma_semaphore, #tpu.memory_space<semaphore_mem>>, %arg35: memref<!tpu.dma_semaphore, #tpu.memory_space<semaphore_mem>>, %arg36: memref<!tpu.dma_semaphore, #tpu.memory_space<semaphore_mem>>, %arg37: memref<!tpu.dma_semaphore, #tpu.memory_space<semaphore_mem>>, %arg38: memref<!tpu.dma_semaphore, #tpu.memory_space<semaphore_mem>>, %arg39: memref<!tpu.dma_semaphore, #tpu.memory_space<semaphore_mem>>, %arg40: memref<!tpu.dma_semaphore, #tpu.memory_space<semaphore_mem>>, %arg41: memref<!tpu.dma_semaphore, #tpu.memory_space<semaphore_mem>>, %arg42: memref<!tpu.dma_semaphore, #tpu.memory_space<semaphore_mem>>) attributes {dimension_semantics = [#tpu.dimension_semantics<core_parallel>, #tpu.dimension_semantics<subcore_parallel>], iteration_bounds = array<i64: 2, 16>, scalar_prefetch = 0 : i64, scratch_operands = 37 : i64, tpu.core_type = #tpu.core_type<sc_vector_subcore>, window_params = [{transform_indices = #map}, {transform_indices = #map1}, {transform_indices = #map}, {transform_indices = #map2}]} {
    %mul3A = arith.constant 16 : i32
    %mul3A_0 = arith.muli %arg0, %mul3A : i32
    %add3A = arith.addi %mul3A_0, %arg1 : i32
    %mul3A_1 = arith.constant 640 : i32
    %mul3A_2 = arith.muli %arg1, %mul3A_1 : i32
    %mul3A_3 = arith.constant 640 : i32
    %mul3A_4 = arith.muli %arg1, %mul3A_3 : i32
    "tpu.region"() ({
      %run_scoped3A = tpu.sem_alloc : memref<!tpu.dma_semaphore, #tpu.memory_space<semaphore_mem>>
      %dma_start3A_83 = arith.constant 0 : i32
      %dma_start3A_84 = tpu.memref_slice %arg26[%mul3A_4, %dma_start3A_83] : memref<10240x32xf32, #tpu.memory_space<vmem_shared>> -> memref<640x32xf32, #tpu.memory_space<vmem_shared>>
      %dma_start3A_85 = arith.constant 0 : i32
      %dma_start3A_86 = tpu.memref_slice %arg4[%mul3A_2, %dma_start3A_85] : memref<10240x32xf32, #tpu.memory_space<hbm>> -> memref<640x32xf32, #tpu.memory_space<hbm>>
      tpu.enqueue_dma source(%dma_start3A_86 : memref<640x32xf32, #tpu.memory_space<hbm>>) target(%dma_start3A_84 : memref<640x32xf32, #tpu.memory_space<vmem_shared>>) target_semaphore(%run_scoped3A : memref<!tpu.dma_semaphore, #tpu.memory_space<semaphore_mem>>)
      %dma_wait3A_87 = arith.constant 0 : i32
      %dma_wait3A_88 = tpu.memref_slice %arg26[%mul3A_4, %dma_wait3A_87] : memref<10240x32xf32, #tpu.memory_space<vmem_shared>> -> memref<640x32xf32, #tpu.memory_space<vmem_shared>>
      %dma_wait3A_89 = arith.constant 0 : i32
      %dma_wait3A_90 = tpu.memref_slice %arg4[%mul3A_2, %dma_wait3A_89] : memref<10240x32xf32, #tpu.memory_space<hbm>> -> memref<640x32xf32, #tpu.memory_space<hbm>>
      tpu.wait_dma2 semaphore(%run_scoped3A : memref<!tpu.dma_semaphore, #tpu.memory_space<semaphore_mem>>) src(%dma_wait3A_90 : memref<640x32xf32, #tpu.memory_space<hbm>>) dst(%dma_wait3A_88 : memref<640x32xf32, #tpu.memory_space<vmem_shared>>)
      tpu.yield
    }) : () -> ()
    %barrier3A = arith.constant 0 : index
    tpu.barrier barrier_id(%barrier3A)
    %broadcast_in_dim3A = arith.constant 1.000000e+00 : f32
    %broadcast_in_dim3A_5 = vector.broadcast %broadcast_in_dim3A : f32 to vector<16xf32>
    %lt3A = arith.constant 4 : i32
    %lt3A_6 = arith.cmpi slt, %add3A, %lt3A : i32
    %jit3A = arith.constant 1 : i32
    %jit3A_7 = arith.constant 0 : i32
    %select_n3A = arith.select %lt3A_6, %jit3A, %jit3A_7 : i32
    %add3A_8 = arith.constant 78 : i32
    %add3A_9 = arith.addi %add3A_8, %select_n3A : i32
    %add3A_10 = arith.constant 0 : i32
    %add3A_11 = arith.addi %add3A, %add3A_10 : i32
    %mul3A_12 = arith.constant 128 : i32
    %mul3A_13 = arith.muli %add3A_11, %mul3A_12 : i32
    %dma_start3A = tpu.memref_slice %arg3[%mul3A_13] : memref<640000xi32, #tpu.memory_space<hbm>> -> memref<128xi32, #tpu.memory_space<hbm>>
    %dma_start3A_14 = tpu.memref_slice %arg3[%mul3A_13] : memref<640000xi32, #tpu.memory_space<hbm>> -> memref<128xi32, #tpu.memory_space<hbm>>
    tpu.enqueue_dma source(%dma_start3A_14 : memref<128xi32, #tpu.memory_space<hbm>>) target(%arg6 : memref<128xi32, #tpu.memory_space<vmem>>) target_semaphore(%arg27 : memref<!tpu.dma_semaphore, #tpu.memory_space<semaphore_mem>>)
    %add3A_15 = arith.constant 320000 : i32
    %add3A_16 = arith.addi %add3A_15, %mul3A_13 : i32
    %dma_start3A_17 = tpu.memref_slice %arg3[%add3A_16] : memref<640000xi32, #tpu.memory_space<hbm>> -> memref<128xi32, #tpu.memory_space<hbm>>
    %dma_start3A_18 = tpu.memref_slice %arg3[%add3A_16] : memref<640000xi32, #tpu.memory_space<hbm>> -> memref<128xi32, #tpu.memory_space<hbm>>
    tpu.enqueue_dma source(%dma_start3A_18 : memref<128xi32, #tpu.memory_space<hbm>>) target(%arg14 : memref<128xi32, #tpu.memory_space<vmem>>) target_semaphore(%arg27 : memref<!tpu.dma_semaphore, #tpu.memory_space<semaphore_mem>>)
    %add3A_19 = arith.constant 0 : i32
    %add3A_20 = arith.addi %add3A, %add3A_19 : i32
    %mul3A_21 = arith.constant 128 : i32
    %mul3A_22 = arith.muli %add3A_20, %mul3A_21 : i32
    %dma_wait3A = tpu.memref_slice %arg3[%mul3A_22] : memref<640000xi32, #tpu.memory_space<hbm>> -> memref<128xi32, #tpu.memory_space<hbm>>
    %dma_wait3A_23 = tpu.memref_slice %arg3[%mul3A_22] : memref<640000xi32, #tpu.memory_space<hbm>> -> memref<128xi32, #tpu.memory_space<hbm>>
    tpu.wait_dma2 semaphore(%arg27 : memref<!tpu.dma_semaphore, #tpu.memory_space<semaphore_mem>>) src(%dma_wait3A_23 : memref<128xi32, #tpu.memory_space<hbm>>) dst(%arg6 : memref<128xi32, #tpu.memory_space<vmem>>)
    %add3A_24 = arith.constant 320000 : i32
    %add3A_25 = arith.addi %add3A_24, %mul3A_22 : i32
    %dma_wait3A_26 = tpu.memref_slice %arg3[%add3A_25] : memref<640000xi32, #tpu.memory_space<hbm>> -> memref<128xi32, #tpu.memory_space<hbm>>
    %dma_wait3A_27 = tpu.memref_slice %arg3[%add3A_25] : memref<640000xi32, #tpu.memory_space<hbm>> -> memref<128xi32, #tpu.memory_space<hbm>>
    tpu.wait_dma2 semaphore(%arg27 : memref<!tpu.dma_semaphore, #tpu.memory_space<semaphore_mem>>) src(%dma_wait3A_27 : memref<128xi32, #tpu.memory_space<hbm>>) dst(%arg14 : memref<128xi32, #tpu.memory_space<vmem>>)
    %add3A_28 = arith.constant 32 : i32
    %add3A_29 = arith.addi %add3A, %add3A_28 : i32
    %mul3A_30 = arith.constant 128 : i32
    %mul3A_31 = arith.muli %add3A_29, %mul3A_30 : i32
    %dma_start3A_32 = tpu.memref_slice %arg3[%mul3A_31] : memref<640000xi32, #tpu.memory_space<hbm>> -> memref<128xi32, #tpu.memory_space<hbm>>
    %dma_start3A_33 = tpu.memref_slice %arg3[%mul3A_31] : memref<640000xi32, #tpu.memory_space<hbm>> -> memref<128xi32, #tpu.memory_space<hbm>>
    tpu.enqueue_dma source(%dma_start3A_33 : memref<128xi32, #tpu.memory_space<hbm>>) target(%arg7 : memref<128xi32, #tpu.memory_space<vmem>>) target_semaphore(%arg28 : memref<!tpu.dma_semaphore, #tpu.memory_space<semaphore_mem>>)
    %add3A_34 = arith.constant 320000 : i32
    %add3A_35 = arith.addi %add3A_34, %mul3A_31 : i32
    %dma_start3A_36 = tpu.memref_slice %arg3[%add3A_35] : memref<640000xi32, #tpu.memory_space<hbm>> -> memref<128xi32, #tpu.memory_space<hbm>>
    %dma_start3A_37 = tpu.memref_slice %arg3[%add3A_35] : memref<640000xi32, #tpu.memory_space<hbm>> -> memref<128xi32, #tpu.memory_space<hbm>>
    tpu.enqueue_dma source(%dma_start3A_37 : memref<128xi32, #tpu.memory_space<hbm>>) target(%arg15 : memref<128xi32, #tpu.memory_space<vmem>>) target_semaphore(%arg28 : memref<!tpu.dma_semaphore, #tpu.memory_space<semaphore_mem>>)
    %add3A_38 = arith.constant 64 : i32
    %add3A_39 = arith.addi %add3A, %add3A_38 : i32
    %mul3A_40 = arith.constant 128 : i32
    %mul3A_41 = arith.muli %add3A_39, %mul3A_40 : i32
    %dma_start3A_42 = tpu.memref_slice %arg3[%mul3A_41] : memref<640000xi32, #tpu.memory_space<hbm>> -> memref<128xi32, #tpu.memory_space<hbm>>
    %dma_start3A_43 = tpu.memref_slice %arg3[%mul3A_41] : memref<640000xi32, #tpu.memory_space<hbm>> -> memref<128xi32, #tpu.memory_space<hbm>>
    tpu.enqueue_dma source(%dma_start3A_43 : memref<128xi32, #tpu.memory_space<hbm>>) target(%arg8 : memref<128xi32, #tpu.memory_space<vmem>>) target_semaphore(%arg29 : memref<!tpu.dma_semaphore, #tpu.memory_space<semaphore_mem>>)
    %add3A_44 = arith.constant 320000 : i32
    %add3A_45 = arith.addi %add3A_44, %mul3A_41 : i32
    %dma_start3A_46 = tpu.memref_slice %arg3[%add3A_45] : memref<640000xi32, #tpu.memory_space<hbm>> -> memref<128xi32, #tpu.memory_space<hbm>>
    %dma_start3A_47 = tpu.memref_slice %arg3[%add3A_45] : memref<640000xi32, #tpu.memory_space<hbm>> -> memref<128xi32, #tpu.memory_space<hbm>>
    tpu.enqueue_dma source(%dma_start3A_47 : memref<128xi32, #tpu.memory_space<hbm>>) target(%arg16 : memref<128xi32, #tpu.memory_space<vmem>>) target_semaphore(%arg29 : memref<!tpu.dma_semaphore, #tpu.memory_space<semaphore_mem>>)
    %add3A_48 = arith.constant 96 : i32
    %add3A_49 = arith.addi %add3A, %add3A_48 : i32
    %mul3A_50 = arith.constant 128 : i32
    %mul3A_51 = arith.muli %add3A_49, %mul3A_50 : i32
    %dma_start3A_52 = tpu.memref_slice %arg3[%mul3A_51] : memref<640000xi32, #tpu.memory_space<hbm>> -> memref<128xi32, #tpu.memory_space<hbm>>
    %dma_start3A_53 = tpu.memref_slice %arg3[%mul3A_51] : memref<640000xi32, #tpu.memory_space<hbm>> -> memref<128xi32, #tpu.memory_space<hbm>>
    tpu.enqueue_dma source(%dma_start3A_53 : memref<128xi32, #tpu.memory_space<hbm>>) target(%arg9 : memref<128xi32, #tpu.memory_space<vmem>>) target_semaphore(%arg30 : memref<!tpu.dma_semaphore, #tpu.memory_space<semaphore_mem>>)
    %add3A_54 = arith.constant 320000 : i32
    %add3A_55 = arith.addi %add3A_54, %mul3A_51 : i32
    %dma_start3A_56 = tpu.memref_slice %arg3[%add3A_55] : memref<640000xi32, #tpu.memory_space<hbm>> -> memref<128xi32, #tpu.memory_space<hbm>>
    %dma_start3A_57 = tpu.memref_slice %arg3[%add3A_55] : memref<640000xi32, #tpu.memory_space<hbm>> -> memref<128xi32, #tpu.memory_space<hbm>>
    tpu.enqueue_dma source(%dma_start3A_57 : memref<128xi32, #tpu.memory_space<hbm>>) target(%arg17 : memref<128xi32, #tpu.memory_space<vmem>>) target_semaphore(%arg30 : memref<!tpu.dma_semaphore, #tpu.memory_space<semaphore_mem>>)
    %dma_start3A_58 = arith.constant 0 : i32
    %dma_start3A_59 = arith.constant 0 : i32
    %dma_start3A_60 = tpu.memref_slice %arg2[%dma_start3A_58, %dma_start3A_59] : memref<10000x32xf32, #tpu.memory_space<hbm>> -> memref<10000x32xf32, #tpu.memory_space<hbm>>
    tpu.enqueue_indirect_dma source(%dma_start3A_60 : memref<10000x32xf32, #tpu.memory_space<hbm>>) target(%arg22 : memref<128x32xf32, #tpu.memory_space<vmem>>) offsets(%arg6 : memref<128xi32, #tpu.memory_space<vmem>>) semaphore(%arg35 : memref<!tpu.dma_semaphore, #tpu.memory_space<semaphore_mem>>)
    %scan3A = arith.constant 0 : i32
    %scan3A_61 = arith.constant 0 : i32
    %scan3A_62 = arith.constant 10 : i32
    %scan3A_63 = arith.addi %scan3A_61, %scan3A_62 : i32
    %scan3A_64 = arith.constant 1 : i32
    scf.for %scan3A_83 = %scan3A_61 to %scan3A_63 step %scan3A_64  : i32 {
      %mul3A_84 = arith.constant 8 : i32
      %mul3A_85 = arith.muli %scan3A_83, %mul3A_84 : i32
      %add3A_86 = arith.constant 0 : i32
      %add3A_87 = arith.addi %mul3A_85, %add3A_86 : i32
      %lt3A_88 = arith.cmpi slt, %add3A_87, %add3A_9 : i32
      %add3A_89 = arith.constant 0 : i32
      %add3A_90 = arith.addi %mul3A_85, %add3A_89 : i32
      %convert_element_type3A = arith.extui %lt3A_88 : i1 to i32
      %cond3A = arith.constant 0 : i32
      %cond3A_91 = arith.cmpi ne, %convert_element_type3A, %cond3A : i32
      scf.if %cond3A_91 {
        %add3A_148 = arith.constant 1 : i32
        %add3A_149 = arith.addi %add3A_90, %add3A_148 : i32
        %lt3A_150 = arith.cmpi slt, %add3A_149, %add3A_9 : i32
        %convert_element_type3A_151 = arith.extui %lt3A_150 : i1 to i32
        %cond3A_152 = arith.constant 0 : i32
        %cond3A_153 = arith.cmpi ne, %convert_element_type3A_151, %cond3A_152 : i32
        scf.if %cond3A_153 {
          %add3A_166 = arith.constant 1 : i32
          %add3A_167 = arith.addi %add3A_90, %add3A_166 : i32
          %mul3A_168 = arith.constant 32 : i32
          %mul3A_169 = arith.muli %add3A_167, %mul3A_168 : i32
          %add3A_170 = arith.addi %add3A, %mul3A_169 : i32
          %mul3A_171 = arith.constant 128 : i32
          %mul3A_172 = arith.muli %add3A_170, %mul3A_171 : i32
          %dma_wait3A_173 = tpu.memref_slice %arg3[%mul3A_172] : memref<640000xi32, #tpu.memory_space<hbm>> -> memref<128xi32, #tpu.memory_space<hbm>>
          %dma_wait3A_174 = tpu.memref_slice %arg3[%mul3A_172] : memref<640000xi32, #tpu.memory_space<hbm>> -> memref<128xi32, #tpu.memory_space<hbm>>
          tpu.wait_dma2 semaphore(%arg28 : memref<!tpu.dma_semaphore, #tpu.memory_space<semaphore_mem>>) src(%dma_wait3A_174 : memref<128xi32, #tpu.memory_space<hbm>>) dst(%arg7 : memref<128xi32, #tpu.memory_space<vmem>>)
          %add3A_175 = arith.constant 320000 : i32
          %add3A_176 = arith.addi %add3A_175, %mul3A_172 : i32
          %dma_wait3A_177 = tpu.memref_slice %arg3[%add3A_176] : memref<640000xi32, #tpu.memory_space<hbm>> -> memref<128xi32, #tpu.memory_space<hbm>>
          %dma_wait3A_178 = tpu.memref_slice %arg3[%add3A_176] : memref<640000xi32, #tpu.memory_space<hbm>> -> memref<128xi32, #tpu.memory_space<hbm>>
          tpu.wait_dma2 semaphore(%arg28 : memref<!tpu.dma_semaphore, #tpu.memory_space<semaphore_mem>>) src(%dma_wait3A_178 : memref<128xi32, #tpu.memory_space<hbm>>) dst(%arg15 : memref<128xi32, #tpu.memory_space<vmem>>)
          %add3A_179 = arith.constant 1 : i32
          %add3A_180 = arith.addi %add3A_90, %add3A_179 : i32
          %ge3A = arith.constant 4 : i32
          %ge3A_181 = arith.cmpi sge, %add3A_180, %ge3A : i32
          %convert_element_type3A_182 = arith.extui %ge3A_181 : i1 to i32
          %cond3A_183 = arith.constant 0 : i32
          %cond3A_184 = arith.cmpi ne, %convert_element_type3A_182, %cond3A_183 : i32
          scf.if %cond3A_184 {
            %dma_wait3A_188 = arith.constant 0 : i32
            %dma_wait3A_189 = arith.constant 0 : i32
            %dma_wait3A_190 = tpu.memref_slice %arg26[%dma_wait3A_188, %dma_wait3A_189] : memref<10240x32xf32, #tpu.memory_space<vmem_shared>> -> memref<10240x32xf32, #tpu.memory_space<vmem_shared>>
            tpu.wait_indirect_dma semaphore(%arg40 : memref<!tpu.dma_semaphore, #tpu.memory_space<semaphore_mem>>) src(%arg23 : memref<128x32xf32, #tpu.memory_space<vmem>>) dst(%dma_wait3A_190 : memref<10240x32xf32, #tpu.memory_space<vmem_shared>>)
          } else {
          }
          %dma_start3A_185 = arith.constant 0 : i32
          %dma_start3A_186 = arith.constant 0 : i32
          %dma_start3A_187 = tpu.memref_slice %arg2[%dma_start3A_185, %dma_start3A_186] : memref<10000x32xf32, #tpu.memory_space<hbm>> -> memref<10000x32xf32, #tpu.memory_space<hbm>>
          tpu.enqueue_indirect_dma source(%dma_start3A_187 : memref<10000x32xf32, #tpu.memory_space<hbm>>) target(%arg23 : memref<128x32xf32, #tpu.memory_space<vmem>>) offsets(%arg7 : memref<128xi32, #tpu.memory_space<vmem>>) semaphore(%arg36 : memref<!tpu.dma_semaphore, #tpu.memory_space<semaphore_mem>>)
        } else {
        }
        %dma_wait3A_154 = arith.constant 0 : i32
        %dma_wait3A_155 = arith.constant 0 : i32
        %dma_wait3A_156 = tpu.memref_slice %arg2[%dma_wait3A_154, %dma_wait3A_155] : memref<10000x32xf32, #tpu.memory_space<hbm>> -> memref<10000x32xf32, #tpu.memory_space<hbm>>
        tpu.wait_indirect_dma semaphore(%arg35 : memref<!tpu.dma_semaphore, #tpu.memory_space<semaphore_mem>>) src(%dma_wait3A_156 : memref<10000x32xf32, #tpu.memory_space<hbm>>) dst(%arg22 : memref<128x32xf32, #tpu.memory_space<vmem>>)
        %dma_start3A_157 = arith.constant 0 : i32
        %dma_start3A_158 = arith.constant 0 : i32
        %dma_start3A_159 = tpu.memref_slice %arg26[%dma_start3A_157, %dma_start3A_158] : memref<10240x32xf32, #tpu.memory_space<vmem_shared>> -> memref<10240x32xf32, #tpu.memory_space<vmem_shared>>
        tpu.enqueue_indirect_dma source(%arg22 : memref<128x32xf32, #tpu.memory_space<vmem>>) target(%dma_start3A_159 : memref<10240x32xf32, #tpu.memory_space<vmem_shared>>) offsets(%arg14 : memref<128xi32, #tpu.memory_space<vmem>>) semaphore(%arg39 : memref<!tpu.dma_semaphore, #tpu.memory_space<semaphore_mem>>) {add = true}
        %add3A_160 = arith.constant 4 : i32
        %add3A_161 = arith.addi %add3A_90, %add3A_160 : i32
        %lt3A_162 = arith.cmpi slt, %add3A_161, %add3A_9 : i32
        %convert_element_type3A_163 = arith.extui %lt3A_162 : i1 to i32
        %cond3A_164 = arith.constant 0 : i32
        %cond3A_165 = arith.cmpi ne, %convert_element_type3A_163, %cond3A_164 : i32
        scf.if %cond3A_165 {
          %add3A_166 = arith.constant 4 : i32
          %add3A_167 = arith.addi %add3A_90, %add3A_166 : i32
          %mul3A_168 = arith.constant 32 : i32
          %mul3A_169 = arith.muli %add3A_167, %mul3A_168 : i32
          %add3A_170 = arith.addi %add3A, %mul3A_169 : i32
          %mul3A_171 = arith.constant 128 : i32
          %mul3A_172 = arith.muli %add3A_170, %mul3A_171 : i32
          %dma_start3A_173 = tpu.memref_slice %arg3[%mul3A_172] : memref<640000xi32, #tpu.memory_space<hbm>> -> memref<128xi32, #tpu.memory_space<hbm>>
          %dma_start3A_174 = tpu.memref_slice %arg3[%mul3A_172] : memref<640000xi32, #tpu.memory_space<hbm>> -> memref<128xi32, #tpu.memory_space<hbm>>
          tpu.enqueue_dma source(%dma_start3A_174 : memref<128xi32, #tpu.memory_space<hbm>>) target(%arg10 : memref<128xi32, #tpu.memory_space<vmem>>) target_semaphore(%arg31 : memref<!tpu.dma_semaphore, #tpu.memory_space<semaphore_mem>>)
          %add3A_175 = arith.constant 320000 : i32
          %add3A_176 = arith.addi %add3A_175, %mul3A_172 : i32
          %dma_start3A_177 = tpu.memref_slice %arg3[%add3A_176] : memref<640000xi32, #tpu.memory_space<hbm>> -> memref<128xi32, #tpu.memory_space<hbm>>
          %dma_start3A_178 = tpu.memref_slice %arg3[%add3A_176] : memref<640000xi32, #tpu.memory_space<hbm>> -> memref<128xi32, #tpu.memory_space<hbm>>
          tpu.enqueue_dma source(%dma_start3A_178 : memref<128xi32, #tpu.memory_space<hbm>>) target(%arg18 : memref<128xi32, #tpu.memory_space<vmem>>) target_semaphore(%arg31 : memref<!tpu.dma_semaphore, #tpu.memory_space<semaphore_mem>>)
        } else {
        }
      } else {
      }
      %add3A_92 = arith.constant 1 : i32
      %add3A_93 = arith.addi %mul3A_85, %add3A_92 : i32
      %lt3A_94 = arith.cmpi slt, %add3A_93, %add3A_9 : i32
      %add3A_95 = arith.constant 1 : i32
      %add3A_96 = arith.addi %mul3A_85, %add3A_95 : i32
      %convert_element_type3A_97 = arith.extui %lt3A_94 : i1 to i32
      %cond3A_98 = arith.constant 0 : i32
      %cond3A_99 = arith.cmpi ne, %convert_element_type3A_97, %cond3A_98 : i32
      scf.if %cond3A_99 {
        %add3A_148 = arith.constant 1 : i32
        %add3A_149 = arith.addi %add3A_96, %add3A_148 : i32
        %lt3A_150 = arith.cmpi slt, %add3A_149, %add3A_9 : i32
        %convert_element_type3A_151 = arith.extui %lt3A_150 : i1 to i32
        %cond3A_152 = arith.constant 0 : i32
        %cond3A_153 = arith.cmpi ne, %convert_element_type3A_151, %cond3A_152 : i32
        scf.if %cond3A_153 {
          %add3A_166 = arith.constant 1 : i32
          %add3A_167 = arith.addi %add3A_96, %add3A_166 : i32
          %mul3A_168 = arith.constant 32 : i32
          %mul3A_169 = arith.muli %add3A_167, %mul3A_168 : i32
          %add3A_170 = arith.addi %add3A, %mul3A_169 : i32
          %mul3A_171 = arith.constant 128 : i32
          %mul3A_172 = arith.muli %add3A_170, %mul3A_171 : i32
          %dma_wait3A_173 = tpu.memref_slice %arg3[%mul3A_172] : memref<640000xi32, #tpu.memory_space<hbm>> -> memref<128xi32, #tpu.memory_space<hbm>>
          %dma_wait3A_174 = tpu.memref_slice %arg3[%mul3A_172] : memref<640000xi32, #tpu.memory_space<hbm>> -> memref<128xi32, #tpu.memory_space<hbm>>
          tpu.wait_dma2 semaphore(%arg29 : memref<!tpu.dma_semaphore, #tpu.memory_space<semaphore_mem>>) src(%dma_wait3A_174 : memref<128xi32, #tpu.memory_space<hbm>>) dst(%arg8 : memref<128xi32, #tpu.memory_space<vmem>>)
          %add3A_175 = arith.constant 320000 : i32
          %add3A_176 = arith.addi %add3A_175, %mul3A_172 : i32
          %dma_wait3A_177 = tpu.memref_slice %arg3[%add3A_176] : memref<640000xi32, #tpu.memory_space<hbm>> -> memref<128xi32, #tpu.memory_space<hbm>>
          %dma_wait3A_178 = tpu.memref_slice %arg3[%add3A_176] : memref<640000xi32, #tpu.memory_space<hbm>> -> memref<128xi32, #tpu.memory_space<hbm>>
          tpu.wait_dma2 semaphore(%arg29 : memref<!tpu.dma_semaphore, #tpu.memory_space<semaphore_mem>>) src(%dma_wait3A_178 : memref<128xi32, #tpu.memory_space<hbm>>) dst(%arg16 : memref<128xi32, #tpu.memory_space<vmem>>)
          %add3A_179 = arith.constant 1 : i32
          %add3A_180 = arith.addi %add3A_96, %add3A_179 : i32
          %ge3A = arith.constant 4 : i32
          %ge3A_181 = arith.cmpi sge, %add3A_180, %ge3A : i32
          %convert_element_type3A_182 = arith.extui %ge3A_181 : i1 to i32
          %cond3A_183 = arith.constant 0 : i32
          %cond3A_184 = arith.cmpi ne, %convert_element_type3A_182, %cond3A_183 : i32
          scf.if %cond3A_184 {
            %dma_wait3A_188 = arith.constant 0 : i32
            %dma_wait3A_189 = arith.constant 0 : i32
            %dma_wait3A_190 = tpu.memref_slice %arg26[%dma_wait3A_188, %dma_wait3A_189] : memref<10240x32xf32, #tpu.memory_space<vmem_shared>> -> memref<10240x32xf32, #tpu.memory_space<vmem_shared>>
            tpu.wait_indirect_dma semaphore(%arg41 : memref<!tpu.dma_semaphore, #tpu.memory_space<semaphore_mem>>) src(%arg24 : memref<128x32xf32, #tpu.memory_space<vmem>>) dst(%dma_wait3A_190 : memref<10240x32xf32, #tpu.memory_space<vmem_shared>>)
          } else {
          }
          %dma_start3A_185 = arith.constant 0 : i32
          %dma_start3A_186 = arith.constant 0 : i32
          %dma_start3A_187 = tpu.memref_slice %arg2[%dma_start3A_185, %dma_start3A_186] : memref<10000x32xf32, #tpu.memory_space<hbm>> -> memref<10000x32xf32, #tpu.memory_space<hbm>>
          tpu.enqueue_indirect_dma source(%dma_start3A_187 : memref<10000x32xf32, #tpu.memory_space<hbm>>) target(%arg24 : memref<128x32xf32, #tpu.memory_space<vmem>>) offsets(%arg8 : memref<128xi32, #tpu.memory_space<vmem>>) semaphore(%arg37 : memref<!tpu.dma_semaphore, #tpu.memory_space<semaphore_mem>>)
        } else {
        }
        %dma_wait3A_154 = arith.constant 0 : i32
        %dma_wait3A_155 = arith.constant 0 : i32
        %dma_wait3A_156 = tpu.memref_slice %arg2[%dma_wait3A_154, %dma_wait3A_155] : memref<10000x32xf32, #tpu.memory_space<hbm>> -> memref<10000x32xf32, #tpu.memory_space<hbm>>
        tpu.wait_indirect_dma semaphore(%arg36 : memref<!tpu.dma_semaphore, #tpu.memory_space<semaphore_mem>>) src(%dma_wait3A_156 : memref<10000x32xf32, #tpu.memory_space<hbm>>) dst(%arg23 : memref<128x32xf32, #tpu.memory_space<vmem>>)
        %dma_start3A_157 = arith.constant 0 : i32
        %dma_start3A_158 = arith.constant 0 : i32
        %dma_start3A_159 = tpu.memref_slice %arg26[%dma_start3A_157, %dma_start3A_158] : memref<10240x32xf32, #tpu.memory_space<vmem_shared>> -> memref<10240x32xf32, #tpu.memory_space<vmem_shared>>
        tpu.enqueue_indirect_dma source(%arg23 : memref<128x32xf32, #tpu.memory_space<vmem>>) target(%dma_start3A_159 : memref<10240x32xf32, #tpu.memory_space<vmem_shared>>) offsets(%arg15 : memref<128xi32, #tpu.memory_space<vmem>>) semaphore(%arg40 : memref<!tpu.dma_semaphore, #tpu.memory_space<semaphore_mem>>) {add = true}
        %add3A_160 = arith.constant 4 : i32
        %add3A_161 = arith.addi %add3A_96, %add3A_160 : i32
        %lt3A_162 = arith.cmpi slt, %add3A_161, %add3A_9 : i32
        %convert_element_type3A_163 = arith.extui %lt3A_162 : i1 to i32
        %cond3A_164 = arith.constant 0 : i32
        %cond3A_165 = arith.cmpi ne, %convert_element_type3A_163, %cond3A_164 : i32
        scf.if %cond3A_165 {
          %add3A_166 = arith.constant 4 : i32
          %add3A_167 = arith.addi %add3A_96, %add3A_166 : i32
          %mul3A_168 = arith.constant 32 : i32
          %mul3A_169 = arith.muli %add3A_167, %mul3A_168 : i32
          %add3A_170 = arith.addi %add3A, %mul3A_169 : i32
          %mul3A_171 = arith.constant 128 : i32
          %mul3A_172 = arith.muli %add3A_170, %mul3A_171 : i32
          %dma_start3A_173 = tpu.memref_slice %arg3[%mul3A_172] : memref<640000xi32, #tpu.memory_space<hbm>> -> memref<128xi32, #tpu.memory_space<hbm>>
          %dma_start3A_174 = tpu.memref_slice %arg3[%mul3A_172] : memref<640000xi32, #tpu.memory_space<hbm>> -> memref<128xi32, #tpu.memory_space<hbm>>
          tpu.enqueue_dma source(%dma_start3A_174 : memref<128xi32, #tpu.memory_space<hbm>>) target(%arg11 : memref<128xi32, #tpu.memory_space<vmem>>) target_semaphore(%arg32 : memref<!tpu.dma_semaphore, #tpu.memory_space<semaphore_mem>>)
          %add3A_175 = arith.constant 320000 : i32
          %add3A_176 = arith.addi %add3A_175, %mul3A_172 : i32
          %dma_start3A_177 = tpu.memref_slice %arg3[%add3A_176] : memref<640000xi32, #tpu.memory_space<hbm>> -> memref<128xi32, #tpu.memory_space<hbm>>
          %dma_start3A_178 = tpu.memref_slice %arg3[%add3A_176] : memref<640000xi32, #tpu.memory_space<hbm>> -> memref<128xi32, #tpu.memory_space<hbm>>
          tpu.enqueue_dma source(%dma_start3A_178 : memref<128xi32, #tpu.memory_space<hbm>>) target(%arg19 : memref<128xi32, #tpu.memory_space<vmem>>) target_semaphore(%arg32 : memref<!tpu.dma_semaphore, #tpu.memory_space<semaphore_mem>>)
        } else {
        }
      } else {
      }
      %add3A_100 = arith.constant 2 : i32
      %add3A_101 = arith.addi %mul3A_85, %add3A_100 : i32
      %lt3A_102 = arith.cmpi slt, %add3A_101, %add3A_9 : i32
      %add3A_103 = arith.constant 2 : i32
      %add3A_104 = arith.addi %mul3A_85, %add3A_103 : i32
      %convert_element_type3A_105 = arith.extui %lt3A_102 : i1 to i32
      %cond3A_106 = arith.constant 0 : i32
      %cond3A_107 = arith.cmpi ne, %convert_element_type3A_105, %cond3A_106 : i32
      scf.if %cond3A_107 {
        %add3A_148 = arith.constant 1 : i32
        %add3A_149 = arith.addi %add3A_104, %add3A_148 : i32
        %lt3A_150 = arith.cmpi slt, %add3A_149, %add3A_9 : i32
        %convert_element_type3A_151 = arith.extui %lt3A_150 : i1 to i32
        %cond3A_152 = arith.constant 0 : i32
        %cond3A_153 = arith.cmpi ne, %convert_element_type3A_151, %cond3A_152 : i32
        scf.if %cond3A_153 {
          %add3A_166 = arith.constant 1 : i32
          %add3A_167 = arith.addi %add3A_104, %add3A_166 : i32
          %mul3A_168 = arith.constant 32 : i32
          %mul3A_169 = arith.muli %add3A_167, %mul3A_168 : i32
          %add3A_170 = arith.addi %add3A, %mul3A_169 : i32
          %mul3A_171 = arith.constant 128 : i32
          %mul3A_172 = arith.muli %add3A_170, %mul3A_171 : i32
          %dma_wait3A_173 = tpu.memref_slice %arg3[%mul3A_172] : memref<640000xi32, #tpu.memory_space<hbm>> -> memref<128xi32, #tpu.memory_space<hbm>>
          %dma_wait3A_174 = tpu.memref_slice %arg3[%mul3A_172] : memref<640000xi32, #tpu.memory_space<hbm>> -> memref<128xi32, #tpu.memory_space<hbm>>
          tpu.wait_dma2 semaphore(%arg30 : memref<!tpu.dma_semaphore, #tpu.memory_space<semaphore_mem>>) src(%dma_wait3A_174 : memref<128xi32, #tpu.memory_space<hbm>>) dst(%arg9 : memref<128xi32, #tpu.memory_space<vmem>>)
          %add3A_175 = arith.constant 320000 : i32
          %add3A_176 = arith.addi %add3A_175, %mul3A_172 : i32
          %dma_wait3A_177 = tpu.memref_slice %arg3[%add3A_176] : memref<640000xi32, #tpu.memory_space<hbm>> -> memref<128xi32, #tpu.memory_space<hbm>>
          %dma_wait3A_178 = tpu.memref_slice %arg3[%add3A_176] : memref<640000xi32, #tpu.memory_space<hbm>> -> memref<128xi32, #tpu.memory_space<hbm>>
          tpu.wait_dma2 semaphore(%arg30 : memref<!tpu.dma_semaphore, #tpu.memory_space<semaphore_mem>>) src(%dma_wait3A_178 : memref<128xi32, #tpu.memory_space<hbm>>) dst(%arg17 : memref<128xi32, #tpu.memory_space<vmem>>)
          %add3A_179 = arith.constant 1 : i32
          %add3A_180 = arith.addi %add3A_104, %add3A_179 : i32
          %ge3A = arith.constant 4 : i32
          %ge3A_181 = arith.cmpi sge, %add3A_180, %ge3A : i32
          %convert_element_type3A_182 = arith.extui %ge3A_181 : i1 to i32
          %cond3A_183 = arith.constant 0 : i32
          %cond3A_184 = arith.cmpi ne, %convert_element_type3A_182, %cond3A_183 : i32
          scf.if %cond3A_184 {
            %dma_wait3A_188 = arith.constant 0 : i32
            %dma_wait3A_189 = arith.constant 0 : i32
            %dma_wait3A_190 = tpu.memref_slice %arg26[%dma_wait3A_188, %dma_wait3A_189] : memref<10240x32xf32, #tpu.memory_space<vmem_shared>> -> memref<10240x32xf32, #tpu.memory_space<vmem_shared>>
            tpu.wait_indirect_dma semaphore(%arg42 : memref<!tpu.dma_semaphore, #tpu.memory_space<semaphore_mem>>) src(%arg25 : memref<128x32xf32, #tpu.memory_space<vmem>>) dst(%dma_wait3A_190 : memref<10240x32xf32, #tpu.memory_space<vmem_shared>>)
          } else {
          }
          %dma_start3A_185 = arith.constant 0 : i32
          %dma_start3A_186 = arith.constant 0 : i32
          %dma_start3A_187 = tpu.memref_slice %arg2[%dma_start3A_185, %dma_start3A_186] : memref<10000x32xf32, #tpu.memory_space<hbm>> -> memref<10000x32xf32, #tpu.memory_space<hbm>>
          tpu.enqueue_indirect_dma source(%dma_start3A_187 : memref<10000x32xf32, #tpu.memory_space<hbm>>) target(%arg25 : memref<128x32xf32, #tpu.memory_space<vmem>>) offsets(%arg9 : memref<128xi32, #tpu.memory_space<vmem>>) semaphore(%arg38 : memref<!tpu.dma_semaphore, #tpu.memory_space<semaphore_mem>>)
        } else {
        }
        %dma_wait3A_154 = arith.constant 0 : i32
        %dma_wait3A_155 = arith.constant 0 : i32
        %dma_wait3A_156 = tpu.memref_slice %arg2[%dma_wait3A_154, %dma_wait3A_155] : memref<10000x32xf32, #tpu.memory_space<hbm>> -> memref<10000x32xf32, #tpu.memory_space<hbm>>
        tpu.wait_indirect_dma semaphore(%arg37 : memref<!tpu.dma_semaphore, #tpu.memory_space<semaphore_mem>>) src(%dma_wait3A_156 : memref<10000x32xf32, #tpu.memory_space<hbm>>) dst(%arg24 : memref<128x32xf32, #tpu.memory_space<vmem>>)
        %dma_start3A_157 = arith.constant 0 : i32
        %dma_start3A_158 = arith.constant 0 : i32
        %dma_start3A_159 = tpu.memref_slice %arg26[%dma_start3A_157, %dma_start3A_158] : memref<10240x32xf32, #tpu.memory_space<vmem_shared>> -> memref<10240x32xf32, #tpu.memory_space<vmem_shared>>
        tpu.enqueue_indirect_dma source(%arg24 : memref<128x32xf32, #tpu.memory_space<vmem>>) target(%dma_start3A_159 : memref<10240x32xf32, #tpu.memory_space<vmem_shared>>) offsets(%arg16 : memref<128xi32, #tpu.memory_space<vmem>>) semaphore(%arg41 : memref<!tpu.dma_semaphore, #tpu.memory_space<semaphore_mem>>) {add = true}
        %add3A_160 = arith.constant 4 : i32
        %add3A_161 = arith.addi %add3A_104, %add3A_160 : i32
        %lt3A_162 = arith.cmpi slt, %add3A_161, %add3A_9 : i32
        %convert_element_type3A_163 = arith.extui %lt3A_162 : i1 to i32
        %cond3A_164 = arith.constant 0 : i32
        %cond3A_165 = arith.cmpi ne, %convert_element_type3A_163, %cond3A_164 : i32
        scf.if %cond3A_165 {
          %add3A_166 = arith.constant 4 : i32
          %add3A_167 = arith.addi %add3A_104, %add3A_166 : i32
          %mul3A_168 = arith.constant 32 : i32
          %mul3A_169 = arith.muli %add3A_167, %mul3A_168 : i32
          %add3A_170 = arith.addi %add3A, %mul3A_169 : i32
          %mul3A_171 = arith.constant 128 : i32
          %mul3A_172 = arith.muli %add3A_170, %mul3A_171 : i32
          %dma_start3A_173 = tpu.memref_slice %arg3[%mul3A_172] : memref<640000xi32, #tpu.memory_space<hbm>> -> memref<128xi32, #tpu.memory_space<hbm>>
          %dma_start3A_174 = tpu.memref_slice %arg3[%mul3A_172] : memref<640000xi32, #tpu.memory_space<hbm>> -> memref<128xi32, #tpu.memory_space<hbm>>
          tpu.enqueue_dma source(%dma_start3A_174 : memref<128xi32, #tpu.memory_space<hbm>>) target(%arg12 : memref<128xi32, #tpu.memory_space<vmem>>) target_semaphore(%arg33 : memref<!tpu.dma_semaphore, #tpu.memory_space<semaphore_mem>>)
          %add3A_175 = arith.constant 320000 : i32
          %add3A_176 = arith.addi %add3A_175, %mul3A_172 : i32
          %dma_start3A_177 = tpu.memref_slice %arg3[%add3A_176] : memref<640000xi32, #tpu.memory_space<hbm>> -> memref<128xi32, #tpu.memory_space<hbm>>
          %dma_start3A_178 = tpu.memref_slice %arg3[%add3A_176] : memref<640000xi32, #tpu.memory_space<hbm>> -> memref<128xi32, #tpu.memory_space<hbm>>
          tpu.enqueue_dma source(%dma_start3A_178 : memref<128xi32, #tpu.memory_space<hbm>>) target(%arg20 : memref<128xi32, #tpu.memory_space<vmem>>) target_semaphore(%arg33 : memref<!tpu.dma_semaphore, #tpu.memory_space<semaphore_mem>>)
        } else {
        }
      } else {
      }
      %add3A_108 = arith.constant 3 : i32
      %add3A_109 = arith.addi %mul3A_85, %add3A_108 : i32
      %lt3A_110 = arith.cmpi slt, %add3A_109, %add3A_9 : i32
      %add3A_111 = arith.constant 3 : i32
      %add3A_112 = arith.addi %mul3A_85, %add3A_111 : i32
      %convert_element_type3A_113 = arith.extui %lt3A_110 : i1 to i32
      %cond3A_114 = arith.constant 0 : i32
      %cond3A_115 = arith.cmpi ne, %convert_element_type3A_113, %cond3A_114 : i32
      scf.if %cond3A_115 {
        %add3A_148 = arith.constant 1 : i32
        %add3A_149 = arith.addi %add3A_112, %add3A_148 : i32
        %lt3A_150 = arith.cmpi slt, %add3A_149, %add3A_9 : i32
        %convert_element_type3A_151 = arith.extui %lt3A_150 : i1 to i32
        %cond3A_152 = arith.constant 0 : i32
        %cond3A_153 = arith.cmpi ne, %convert_element_type3A_151, %cond3A_152 : i32
        scf.if %cond3A_153 {
          %add3A_166 = arith.constant 1 : i32
          %add3A_167 = arith.addi %add3A_112, %add3A_166 : i32
          %mul3A_168 = arith.constant 32 : i32
          %mul3A_169 = arith.muli %add3A_167, %mul3A_168 : i32
          %add3A_170 = arith.addi %add3A, %mul3A_169 : i32
          %mul3A_171 = arith.constant 128 : i32
          %mul3A_172 = arith.muli %add3A_170, %mul3A_171 : i32
          %dma_wait3A_173 = tpu.memref_slice %arg3[%mul3A_172] : memref<640000xi32, #tpu.memory_space<hbm>> -> memref<128xi32, #tpu.memory_space<hbm>>
          %dma_wait3A_174 = tpu.memref_slice %arg3[%mul3A_172] : memref<640000xi32, #tpu.memory_space<hbm>> -> memref<128xi32, #tpu.memory_space<hbm>>
          tpu.wait_dma2 semaphore(%arg31 : memref<!tpu.dma_semaphore, #tpu.memory_space<semaphore_mem>>) src(%dma_wait3A_174 : memref<128xi32, #tpu.memory_space<hbm>>) dst(%arg10 : memref<128xi32, #tpu.memory_space<vmem>>)
          %add3A_175 = arith.constant 320000 : i32
          %add3A_176 = arith.addi %add3A_175, %mul3A_172 : i32
          %dma_wait3A_177 = tpu.memref_slice %arg3[%add3A_176] : memref<640000xi32, #tpu.memory_space<hbm>> -> memref<128xi32, #tpu.memory_space<hbm>>
          %dma_wait3A_178 = tpu.memref_slice %arg3[%add3A_176] : memref<640000xi32, #tpu.memory_space<hbm>> -> memref<128xi32, #tpu.memory_space<hbm>>
          tpu.wait_dma2 semaphore(%arg31 : memref<!tpu.dma_semaphore, #tpu.memory_space<semaphore_mem>>) src(%dma_wait3A_178 : memref<128xi32, #tpu.memory_space<hbm>>) dst(%arg18 : memref<128xi32, #tpu.memory_space<vmem>>)
          %add3A_179 = arith.constant 1 : i32
          %add3A_180 = arith.addi %add3A_112, %add3A_179 : i32
          %ge3A = arith.constant 4 : i32
          %ge3A_181 = arith.cmpi sge, %add3A_180, %ge3A : i32
          %convert_element_type3A_182 = arith.extui %ge3A_181 : i1 to i32
          %cond3A_183 = arith.constant 0 : i32
          %cond3A_184 = arith.cmpi ne, %convert_element_type3A_182, %cond3A_183 : i32
          scf.if %cond3A_184 {
            %dma_wait3A_188 = arith.constant 0 : i32
            %dma_wait3A_189 = arith.constant 0 : i32
            %dma_wait3A_190 = tpu.memref_slice %arg26[%dma_wait3A_188, %dma_wait3A_189] : memref<10240x32xf32, #tpu.memory_space<vmem_shared>> -> memref<10240x32xf32, #tpu.memory_space<vmem_shared>>
            tpu.wait_indirect_dma semaphore(%arg39 : memref<!tpu.dma_semaphore, #tpu.memory_space<semaphore_mem>>) src(%arg22 : memref<128x32xf32, #tpu.memory_space<vmem>>) dst(%dma_wait3A_190 : memref<10240x32xf32, #tpu.memory_space<vmem_shared>>)
          } else {
          }
          %dma_start3A_185 = arith.constant 0 : i32
          %dma_start3A_186 = arith.constant 0 : i32
          %dma_start3A_187 = tpu.memref_slice %arg2[%dma_start3A_185, %dma_start3A_186] : memref<10000x32xf32, #tpu.memory_space<hbm>> -> memref<10000x32xf32, #tpu.memory_space<hbm>>
          tpu.enqueue_indirect_dma source(%dma_start3A_187 : memref<10000x32xf32, #tpu.memory_space<hbm>>) target(%arg22 : memref<128x32xf32, #tpu.memory_space<vmem>>) offsets(%arg10 : memref<128xi32, #tpu.memory_space<vmem>>) semaphore(%arg35 : memref<!tpu.dma_semaphore, #tpu.memory_space<semaphore_mem>>)
        } else {
        }
        %dma_wait3A_154 = arith.constant 0 : i32
        %dma_wait3A_155 = arith.constant 0 : i32
        %dma_wait3A_156 = tpu.memref_slice %arg2[%dma_wait3A_154, %dma_wait3A_155] : memref<10000x32xf32, #tpu.memory_space<hbm>> -> memref<10000x32xf32, #tpu.memory_space<hbm>>
        tpu.wait_indirect_dma semaphore(%arg38 : memref<!tpu.dma_semaphore, #tpu.memory_space<semaphore_mem>>) src(%dma_wait3A_156 : memref<10000x32xf32, #tpu.memory_space<hbm>>) dst(%arg25 : memref<128x32xf32, #tpu.memory_space<vmem>>)
        %dma_start3A_157 = arith.constant 0 : i32
        %dma_start3A_158 = arith.constant 0 : i32
        %dma_start3A_159 = tpu.memref_slice %arg26[%dma_start3A_157, %dma_start3A_158] : memref<10240x32xf32, #tpu.memory_space<vmem_shared>> -> memref<10240x32xf32, #tpu.memory_space<vmem_shared>>
        tpu.enqueue_indirect_dma source(%arg25 : memref<128x32xf32, #tpu.memory_space<vmem>>) target(%dma_start3A_159 : memref<10240x32xf32, #tpu.memory_space<vmem_shared>>) offsets(%arg17 : memref<128xi32, #tpu.memory_space<vmem>>) semaphore(%arg42 : memref<!tpu.dma_semaphore, #tpu.memory_space<semaphore_mem>>) {add = true}
        %add3A_160 = arith.constant 4 : i32
        %add3A_161 = arith.addi %add3A_112, %add3A_160 : i32
        %lt3A_162 = arith.cmpi slt, %add3A_161, %add3A_9 : i32
        %convert_element_type3A_163 = arith.extui %lt3A_162 : i1 to i32
        %cond3A_164 = arith.constant 0 : i32
        %cond3A_165 = arith.cmpi ne, %convert_element_type3A_163, %cond3A_164 : i32
        scf.if %cond3A_165 {
          %add3A_166 = arith.constant 4 : i32
          %add3A_167 = arith.addi %add3A_112, %add3A_166 : i32
          %mul3A_168 = arith.constant 32 : i32
          %mul3A_169 = arith.muli %add3A_167, %mul3A_168 : i32
          %add3A_170 = arith.addi %add3A, %mul3A_169 : i32
          %mul3A_171 = arith.constant 128 : i32
          %mul3A_172 = arith.muli %add3A_170, %mul3A_171 : i32
          %dma_start3A_173 = tpu.memref_slice %arg3[%mul3A_172] : memref<640000xi32, #tpu.memory_space<hbm>> -> memref<128xi32, #tpu.memory_space<hbm>>
          %dma_start3A_174 = tpu.memref_slice %arg3[%mul3A_172] : memref<640000xi32, #tpu.memory_space<hbm>> -> memref<128xi32, #tpu.memory_space<hbm>>
          tpu.enqueue_dma source(%dma_start3A_174 : memref<128xi32, #tpu.memory_space<hbm>>) target(%arg13 : memref<128xi32, #tpu.memory_space<vmem>>) target_semaphore(%arg34 : memref<!tpu.dma_semaphore, #tpu.memory_space<semaphore_mem>>)
          %add3A_175 = arith.constant 320000 : i32
          %add3A_176 = arith.addi %add3A_175, %mul3A_172 : i32
          %dma_start3A_177 = tpu.memref_slice %arg3[%add3A_176] : memref<640000xi32, #tpu.memory_space<hbm>> -> memref<128xi32, #tpu.memory_space<hbm>>
          %dma_start3A_178 = tpu.memref_slice %arg3[%add3A_176] : memref<640000xi32, #tpu.memory_space<hbm>> -> memref<128xi32, #tpu.memory_space<hbm>>
          tpu.enqueue_dma source(%dma_start3A_178 : memref<128xi32, #tpu.memory_space<hbm>>) target(%arg21 : memref<128xi32, #tpu.memory_space<vmem>>) target_semaphore(%arg34 : memref<!tpu.dma_semaphore, #tpu.memory_space<semaphore_mem>>)
        } else {
        }
      } else {
      }
      %add3A_116 = arith.constant 4 : i32
      %add3A_117 = arith.addi %mul3A_85, %add3A_116 : i32
      %lt3A_118 = arith.cmpi slt, %add3A_117, %add3A_9 : i32
      %add3A_119 = arith.constant 4 : i32
      %add3A_120 = arith.addi %mul3A_85, %add3A_119 : i32
      %convert_element_type3A_121 = arith.extui %lt3A_118 : i1 to i32
      %cond3A_122 = arith.constant 0 : i32
      %cond3A_123 = arith.cmpi ne, %convert_element_type3A_121, %cond3A_122 : i32
      scf.if %cond3A_123 {
        %add3A_148 = arith.constant 1 : i32
        %add3A_149 = arith.addi %add3A_120, %add3A_148 : i32
        %lt3A_150 = arith.cmpi slt, %add3A_149, %add3A_9 : i32
        %convert_element_type3A_151 = arith.extui %lt3A_150 : i1 to i32
        %cond3A_152 = arith.constant 0 : i32
        %cond3A_153 = arith.cmpi ne, %convert_element_type3A_151, %cond3A_152 : i32
        scf.if %cond3A_153 {
          %add3A_166 = arith.constant 1 : i32
          %add3A_167 = arith.addi %add3A_120, %add3A_166 : i32
          %mul3A_168 = arith.constant 32 : i32
          %mul3A_169 = arith.muli %add3A_167, %mul3A_168 : i32
          %add3A_170 = arith.addi %add3A, %mul3A_169 : i32
          %mul3A_171 = arith.constant 128 : i32
          %mul3A_172 = arith.muli %add3A_170, %mul3A_171 : i32
          %dma_wait3A_173 = tpu.memref_slice %arg3[%mul3A_172] : memref<640000xi32, #tpu.memory_space<hbm>> -> memref<128xi32, #tpu.memory_space<hbm>>
          %dma_wait3A_174 = tpu.memref_slice %arg3[%mul3A_172] : memref<640000xi32, #tpu.memory_space<hbm>> -> memref<128xi32, #tpu.memory_space<hbm>>
          tpu.wait_dma2 semaphore(%arg32 : memref<!tpu.dma_semaphore, #tpu.memory_space<semaphore_mem>>) src(%dma_wait3A_174 : memref<128xi32, #tpu.memory_space<hbm>>) dst(%arg11 : memref<128xi32, #tpu.memory_space<vmem>>)
          %add3A_175 = arith.constant 320000 : i32
          %add3A_176 = arith.addi %add3A_175, %mul3A_172 : i32
          %dma_wait3A_177 = tpu.memref_slice %arg3[%add3A_176] : memref<640000xi32, #tpu.memory_space<hbm>> -> memref<128xi32, #tpu.memory_space<hbm>>
          %dma_wait3A_178 = tpu.memref_slice %arg3[%add3A_176] : memref<640000xi32, #tpu.memory_space<hbm>> -> memref<128xi32, #tpu.memory_space<hbm>>
          tpu.wait_dma2 semaphore(%arg32 : memref<!tpu.dma_semaphore, #tpu.memory_space<semaphore_mem>>) src(%dma_wait3A_178 : memref<128xi32, #tpu.memory_space<hbm>>) dst(%arg19 : memref<128xi32, #tpu.memory_space<vmem>>)
          %add3A_179 = arith.constant 1 : i32
          %add3A_180 = arith.addi %add3A_120, %add3A_179 : i32
          %ge3A = arith.constant 4 : i32
          %ge3A_181 = arith.cmpi sge, %add3A_180, %ge3A : i32
          %convert_element_type3A_182 = arith.extui %ge3A_181 : i1 to i32
          %cond3A_183 = arith.constant 0 : i32
          %cond3A_184 = arith.cmpi ne, %convert_element_type3A_182, %cond3A_183 : i32
          scf.if %cond3A_184 {
            %dma_wait3A_188 = arith.constant 0 : i32
            %dma_wait3A_189 = arith.constant 0 : i32
            %dma_wait3A_190 = tpu.memref_slice %arg26[%dma_wait3A_188, %dma_wait3A_189] : memref<10240x32xf32, #tpu.memory_space<vmem_shared>> -> memref<10240x32xf32, #tpu.memory_space<vmem_shared>>
            tpu.wait_indirect_dma semaphore(%arg40 : memref<!tpu.dma_semaphore, #tpu.memory_space<semaphore_mem>>) src(%arg23 : memref<128x32xf32, #tpu.memory_space<vmem>>) dst(%dma_wait3A_190 : memref<10240x32xf32, #tpu.memory_space<vmem_shared>>)
          } else {
          }
          %dma_start3A_185 = arith.constant 0 : i32
          %dma_start3A_186 = arith.constant 0 : i32
          %dma_start3A_187 = tpu.memref_slice %arg2[%dma_start3A_185, %dma_start3A_186] : memref<10000x32xf32, #tpu.memory_space<hbm>> -> memref<10000x32xf32, #tpu.memory_space<hbm>>
          tpu.enqueue_indirect_dma source(%dma_start3A_187 : memref<10000x32xf32, #tpu.memory_space<hbm>>) target(%arg23 : memref<128x32xf32, #tpu.memory_space<vmem>>) offsets(%arg11 : memref<128xi32, #tpu.memory_space<vmem>>) semaphore(%arg36 : memref<!tpu.dma_semaphore, #tpu.memory_space<semaphore_mem>>)
        } else {
        }
        %dma_wait3A_154 = arith.constant 0 : i32
        %dma_wait3A_155 = arith.constant 0 : i32
        %dma_wait3A_156 = tpu.memref_slice %arg2[%dma_wait3A_154, %dma_wait3A_155] : memref<10000x32xf32, #tpu.memory_space<hbm>> -> memref<10000x32xf32, #tpu.memory_space<hbm>>
        tpu.wait_indirect_dma semaphore(%arg35 : memref<!tpu.dma_semaphore, #tpu.memory_space<semaphore_mem>>) src(%dma_wait3A_156 : memref<10000x32xf32, #tpu.memory_space<hbm>>) dst(%arg22 : memref<128x32xf32, #tpu.memory_space<vmem>>)
        %dma_start3A_157 = arith.constant 0 : i32
        %dma_start3A_158 = arith.constant 0 : i32
        %dma_start3A_159 = tpu.memref_slice %arg26[%dma_start3A_157, %dma_start3A_158] : memref<10240x32xf32, #tpu.memory_space<vmem_shared>> -> memref<10240x32xf32, #tpu.memory_space<vmem_shared>>
        tpu.enqueue_indirect_dma source(%arg22 : memref<128x32xf32, #tpu.memory_space<vmem>>) target(%dma_start3A_159 : memref<10240x32xf32, #tpu.memory_space<vmem_shared>>) offsets(%arg18 : memref<128xi32, #tpu.memory_space<vmem>>) semaphore(%arg39 : memref<!tpu.dma_semaphore, #tpu.memory_space<semaphore_mem>>) {add = true}
        %add3A_160 = arith.constant 4 : i32
        %add3A_161 = arith.addi %add3A_120, %add3A_160 : i32
        %lt3A_162 = arith.cmpi slt, %add3A_161, %add3A_9 : i32
        %convert_element_type3A_163 = arith.extui %lt3A_162 : i1 to i32
        %cond3A_164 = arith.constant 0 : i32
        %cond3A_165 = arith.cmpi ne, %convert_element_type3A_163, %cond3A_164 : i32
        scf.if %cond3A_165 {
          %add3A_166 = arith.constant 4 : i32
          %add3A_167 = arith.addi %add3A_120, %add3A_166 : i32
          %mul3A_168 = arith.constant 32 : i32
          %mul3A_169 = arith.muli %add3A_167, %mul3A_168 : i32
          %add3A_170 = arith.addi %add3A, %mul3A_169 : i32
          %mul3A_171 = arith.constant 128 : i32
          %mul3A_172 = arith.muli %add3A_170, %mul3A_171 : i32
          %dma_start3A_173 = tpu.memref_slice %arg3[%mul3A_172] : memref<640000xi32, #tpu.memory_space<hbm>> -> memref<128xi32, #tpu.memory_space<hbm>>
          %dma_start3A_174 = tpu.memref_slice %arg3[%mul3A_172] : memref<640000xi32, #tpu.memory_space<hbm>> -> memref<128xi32, #tpu.memory_space<hbm>>
          tpu.enqueue_dma source(%dma_start3A_174 : memref<128xi32, #tpu.memory_space<hbm>>) target(%arg6 : memref<128xi32, #tpu.memory_space<vmem>>) target_semaphore(%arg27 : memref<!tpu.dma_semaphore, #tpu.memory_space<semaphore_mem>>)
          %add3A_175 = arith.constant 320000 : i32
          %add3A_176 = arith.addi %add3A_175, %mul3A_172 : i32
          %dma_start3A_177 = tpu.memref_slice %arg3[%add3A_176] : memref<640000xi32, #tpu.memory_space<hbm>> -> memref<128xi32, #tpu.memory_space<hbm>>
          %dma_start3A_178 = tpu.memref_slice %arg3[%add3A_176] : memref<640000xi32, #tpu.memory_space<hbm>> -> memref<128xi32, #tpu.memory_space<hbm>>
          tpu.enqueue_dma source(%dma_start3A_178 : memref<128xi32, #tpu.memory_space<hbm>>) target(%arg14 : memref<128xi32, #tpu.memory_space<vmem>>) target_semaphore(%arg27 : memref<!tpu.dma_semaphore, #tpu.memory_space<semaphore_mem>>)
        } else {
        }
      } else {
      }
      %add3A_124 = arith.constant 5 : i32
      %add3A_125 = arith.addi %mul3A_85, %add3A_124 : i32
      %lt3A_126 = arith.cmpi slt, %add3A_125, %add3A_9 : i32
      %add3A_127 = arith.constant 5 : i32
      %add3A_128 = arith.addi %mul3A_85, %add3A_127 : i32
      %convert_element_type3A_129 = arith.extui %lt3A_126 : i1 to i32
      %cond3A_130 = arith.constant 0 : i32
      %cond3A_131 = arith.cmpi ne, %convert_element_type3A_129, %cond3A_130 : i32
      scf.if %cond3A_131 {
        %add3A_148 = arith.constant 1 : i32
        %add3A_149 = arith.addi %add3A_128, %add3A_148 : i32
        %lt3A_150 = arith.cmpi slt, %add3A_149, %add3A_9 : i32
        %convert_element_type3A_151 = arith.extui %lt3A_150 : i1 to i32
        %cond3A_152 = arith.constant 0 : i32
        %cond3A_153 = arith.cmpi ne, %convert_element_type3A_151, %cond3A_152 : i32
        scf.if %cond3A_153 {
          %add3A_166 = arith.constant 1 : i32
          %add3A_167 = arith.addi %add3A_128, %add3A_166 : i32
          %mul3A_168 = arith.constant 32 : i32
          %mul3A_169 = arith.muli %add3A_167, %mul3A_168 : i32
          %add3A_170 = arith.addi %add3A, %mul3A_169 : i32
          %mul3A_171 = arith.constant 128 : i32
          %mul3A_172 = arith.muli %add3A_170, %mul3A_171 : i32
          %dma_wait3A_173 = tpu.memref_slice %arg3[%mul3A_172] : memref<640000xi32, #tpu.memory_space<hbm>> -> memref<128xi32, #tpu.memory_space<hbm>>
          %dma_wait3A_174 = tpu.memref_slice %arg3[%mul3A_172] : memref<640000xi32, #tpu.memory_space<hbm>> -> memref<128xi32, #tpu.memory_space<hbm>>
          tpu.wait_dma2 semaphore(%arg33 : memref<!tpu.dma_semaphore, #tpu.memory_space<semaphore_mem>>) src(%dma_wait3A_174 : memref<128xi32, #tpu.memory_space<hbm>>) dst(%arg12 : memref<128xi32, #tpu.memory_space<vmem>>)
          %add3A_175 = arith.constant 320000 : i32
          %add3A_176 = arith.addi %add3A_175, %mul3A_172 : i32
          %dma_wait3A_177 = tpu.memref_slice %arg3[%add3A_176] : memref<640000xi32, #tpu.memory_space<hbm>> -> memref<128xi32, #tpu.memory_space<hbm>>
          %dma_wait3A_178 = tpu.memref_slice %arg3[%add3A_176] : memref<640000xi32, #tpu.memory_space<hbm>> -> memref<128xi32, #tpu.memory_space<hbm>>
          tpu.wait_dma2 semaphore(%arg33 : memref<!tpu.dma_semaphore, #tpu.memory_space<semaphore_mem>>) src(%dma_wait3A_178 : memref<128xi32, #tpu.memory_space<hbm>>) dst(%arg20 : memref<128xi32, #tpu.memory_space<vmem>>)
          %add3A_179 = arith.constant 1 : i32
          %add3A_180 = arith.addi %add3A_128, %add3A_179 : i32
          %ge3A = arith.constant 4 : i32
          %ge3A_181 = arith.cmpi sge, %add3A_180, %ge3A : i32
          %convert_element_type3A_182 = arith.extui %ge3A_181 : i1 to i32
          %cond3A_183 = arith.constant 0 : i32
          %cond3A_184 = arith.cmpi ne, %convert_element_type3A_182, %cond3A_183 : i32
          scf.if %cond3A_184 {
            %dma_wait3A_188 = arith.constant 0 : i32
            %dma_wait3A_189 = arith.constant 0 : i32
            %dma_wait3A_190 = tpu.memref_slice %arg26[%dma_wait3A_188, %dma_wait3A_189] : memref<10240x32xf32, #tpu.memory_space<vmem_shared>> -> memref<10240x32xf32, #tpu.memory_space<vmem_shared>>
            tpu.wait_indirect_dma semaphore(%arg41 : memref<!tpu.dma_semaphore, #tpu.memory_space<semaphore_mem>>) src(%arg24 : memref<128x32xf32, #tpu.memory_space<vmem>>) dst(%dma_wait3A_190 : memref<10240x32xf32, #tpu.memory_space<vmem_shared>>)
          } else {
          }
          %dma_start3A_185 = arith.constant 0 : i32
          %dma_start3A_186 = arith.constant 0 : i32
          %dma_start3A_187 = tpu.memref_slice %arg2[%dma_start3A_185, %dma_start3A_186] : memref<10000x32xf32, #tpu.memory_space<hbm>> -> memref<10000x32xf32, #tpu.memory_space<hbm>>
          tpu.enqueue_indirect_dma source(%dma_start3A_187 : memref<10000x32xf32, #tpu.memory_space<hbm>>) target(%arg24 : memref<128x32xf32, #tpu.memory_space<vmem>>) offsets(%arg12 : memref<128xi32, #tpu.memory_space<vmem>>) semaphore(%arg37 : memref<!tpu.dma_semaphore, #tpu.memory_space<semaphore_mem>>)
        } else {
        }
        %dma_wait3A_154 = arith.constant 0 : i32
        %dma_wait3A_155 = arith.constant 0 : i32
        %dma_wait3A_156 = tpu.memref_slice %arg2[%dma_wait3A_154, %dma_wait3A_155] : memref<10000x32xf32, #tpu.memory_space<hbm>> -> memref<10000x32xf32, #tpu.memory_space<hbm>>
        tpu.wait_indirect_dma semaphore(%arg36 : memref<!tpu.dma_semaphore, #tpu.memory_space<semaphore_mem>>) src(%dma_wait3A_156 : memref<10000x32xf32, #tpu.memory_space<hbm>>) dst(%arg23 : memref<128x32xf32, #tpu.memory_space<vmem>>)
        %dma_start3A_157 = arith.constant 0 : i32
        %dma_start3A_158 = arith.constant 0 : i32
        %dma_start3A_159 = tpu.memref_slice %arg26[%dma_start3A_157, %dma_start3A_158] : memref<10240x32xf32, #tpu.memory_space<vmem_shared>> -> memref<10240x32xf32, #tpu.memory_space<vmem_shared>>
        tpu.enqueue_indirect_dma source(%arg23 : memref<128x32xf32, #tpu.memory_space<vmem>>) target(%dma_start3A_159 : memref<10240x32xf32, #tpu.memory_space<vmem_shared>>) offsets(%arg19 : memref<128xi32, #tpu.memory_space<vmem>>) semaphore(%arg40 : memref<!tpu.dma_semaphore, #tpu.memory_space<semaphore_mem>>) {add = true}
        %add3A_160 = arith.constant 4 : i32
        %add3A_161 = arith.addi %add3A_128, %add3A_160 : i32
        %lt3A_162 = arith.cmpi slt, %add3A_161, %add3A_9 : i32
        %convert_element_type3A_163 = arith.extui %lt3A_162 : i1 to i32
        %cond3A_164 = arith.constant 0 : i32
        %cond3A_165 = arith.cmpi ne, %convert_element_type3A_163, %cond3A_164 : i32
        scf.if %cond3A_165 {
          %add3A_166 = arith.constant 4 : i32
          %add3A_167 = arith.addi %add3A_128, %add3A_166 : i32
          %mul3A_168 = arith.constant 32 : i32
          %mul3A_169 = arith.muli %add3A_167, %mul3A_168 : i32
          %add3A_170 = arith.addi %add3A, %mul3A_169 : i32
          %mul3A_171 = arith.constant 128 : i32
          %mul3A_172 = arith.muli %add3A_170, %mul3A_171 : i32
          %dma_start3A_173 = tpu.memref_slice %arg3[%mul3A_172] : memref<640000xi32, #tpu.memory_space<hbm>> -> memref<128xi32, #tpu.memory_space<hbm>>
          %dma_start3A_174 = tpu.memref_slice %arg3[%mul3A_172] : memref<640000xi32, #tpu.memory_space<hbm>> -> memref<128xi32, #tpu.memory_space<hbm>>
          tpu.enqueue_dma source(%dma_start3A_174 : memref<128xi32, #tpu.memory_space<hbm>>) target(%arg7 : memref<128xi32, #tpu.memory_space<vmem>>) target_semaphore(%arg28 : memref<!tpu.dma_semaphore, #tpu.memory_space<semaphore_mem>>)
          %add3A_175 = arith.constant 320000 : i32
          %add3A_176 = arith.addi %add3A_175, %mul3A_172 : i32
          %dma_start3A_177 = tpu.memref_slice %arg3[%add3A_176] : memref<640000xi32, #tpu.memory_space<hbm>> -> memref<128xi32, #tpu.memory_space<hbm>>
          %dma_start3A_178 = tpu.memref_slice %arg3[%add3A_176] : memref<640000xi32, #tpu.memory_space<hbm>> -> memref<128xi32, #tpu.memory_space<hbm>>
          tpu.enqueue_dma source(%dma_start3A_178 : memref<128xi32, #tpu.memory_space<hbm>>) target(%arg15 : memref<128xi32, #tpu.memory_space<vmem>>) target_semaphore(%arg28 : memref<!tpu.dma_semaphore, #tpu.memory_space<semaphore_mem>>)
        } else {
        }
      } else {
      }
      %add3A_132 = arith.constant 6 : i32
      %add3A_133 = arith.addi %mul3A_85, %add3A_132 : i32
      %lt3A_134 = arith.cmpi slt, %add3A_133, %add3A_9 : i32
      %add3A_135 = arith.constant 6 : i32
      %add3A_136 = arith.addi %mul3A_85, %add3A_135 : i32
      %convert_element_type3A_137 = arith.extui %lt3A_134 : i1 to i32
      %cond3A_138 = arith.constant 0 : i32
      %cond3A_139 = arith.cmpi ne, %convert_element_type3A_137, %cond3A_138 : i32
      scf.if %cond3A_139 {
        %add3A_148 = arith.constant 1 : i32
        %add3A_149 = arith.addi %add3A_136, %add3A_148 : i32
        %lt3A_150 = arith.cmpi slt, %add3A_149, %add3A_9 : i32
        %convert_element_type3A_151 = arith.extui %lt3A_150 : i1 to i32
        %cond3A_152 = arith.constant 0 : i32
        %cond3A_153 = arith.cmpi ne, %convert_element_type3A_151, %cond3A_152 : i32
        scf.if %cond3A_153 {
          %add3A_166 = arith.constant 1 : i32
          %add3A_167 = arith.addi %add3A_136, %add3A_166 : i32
          %mul3A_168 = arith.constant 32 : i32
          %mul3A_169 = arith.muli %add3A_167, %mul3A_168 : i32
          %add3A_170 = arith.addi %add3A, %mul3A_169 : i32
          %mul3A_171 = arith.constant 128 : i32
          %mul3A_172 = arith.muli %add3A_170, %mul3A_171 : i32
          %dma_wait3A_173 = tpu.memref_slice %arg3[%mul3A_172] : memref<640000xi32, #tpu.memory_space<hbm>> -> memref<128xi32, #tpu.memory_space<hbm>>
          %dma_wait3A_174 = tpu.memref_slice %arg3[%mul3A_172] : memref<640000xi32, #tpu.memory_space<hbm>> -> memref<128xi32, #tpu.memory_space<hbm>>
          tpu.wait_dma2 semaphore(%arg34 : memref<!tpu.dma_semaphore, #tpu.memory_space<semaphore_mem>>) src(%dma_wait3A_174 : memref<128xi32, #tpu.memory_space<hbm>>) dst(%arg13 : memref<128xi32, #tpu.memory_space<vmem>>)
          %add3A_175 = arith.constant 320000 : i32
          %add3A_176 = arith.addi %add3A_175, %mul3A_172 : i32
          %dma_wait3A_177 = tpu.memref_slice %arg3[%add3A_176] : memref<640000xi32, #tpu.memory_space<hbm>> -> memref<128xi32, #tpu.memory_space<hbm>>
          %dma_wait3A_178 = tpu.memref_slice %arg3[%add3A_176] : memref<640000xi32, #tpu.memory_space<hbm>> -> memref<128xi32, #tpu.memory_space<hbm>>
          tpu.wait_dma2 semaphore(%arg34 : memref<!tpu.dma_semaphore, #tpu.memory_space<semaphore_mem>>) src(%dma_wait3A_178 : memref<128xi32, #tpu.memory_space<hbm>>) dst(%arg21 : memref<128xi32, #tpu.memory_space<vmem>>)
          %add3A_179 = arith.constant 1 : i32
          %add3A_180 = arith.addi %add3A_136, %add3A_179 : i32
          %ge3A = arith.constant 4 : i32
          %ge3A_181 = arith.cmpi sge, %add3A_180, %ge3A : i32
          %convert_element_type3A_182 = arith.extui %ge3A_181 : i1 to i32
          %cond3A_183 = arith.constant 0 : i32
          %cond3A_184 = arith.cmpi ne, %convert_element_type3A_182, %cond3A_183 : i32
          scf.if %cond3A_184 {
            %dma_wait3A_188 = arith.constant 0 : i32
            %dma_wait3A_189 = arith.constant 0 : i32
            %dma_wait3A_190 = tpu.memref_slice %arg26[%dma_wait3A_188, %dma_wait3A_189] : memref<10240x32xf32, #tpu.memory_space<vmem_shared>> -> memref<10240x32xf32, #tpu.memory_space<vmem_shared>>
            tpu.wait_indirect_dma semaphore(%arg42 : memref<!tpu.dma_semaphore, #tpu.memory_space<semaphore_mem>>) src(%arg25 : memref<128x32xf32, #tpu.memory_space<vmem>>) dst(%dma_wait3A_190 : memref<10240x32xf32, #tpu.memory_space<vmem_shared>>)
          } else {
          }
          %dma_start3A_185 = arith.constant 0 : i32
          %dma_start3A_186 = arith.constant 0 : i32
          %dma_start3A_187 = tpu.memref_slice %arg2[%dma_start3A_185, %dma_start3A_186] : memref<10000x32xf32, #tpu.memory_space<hbm>> -> memref<10000x32xf32, #tpu.memory_space<hbm>>
          tpu.enqueue_indirect_dma source(%dma_start3A_187 : memref<10000x32xf32, #tpu.memory_space<hbm>>) target(%arg25 : memref<128x32xf32, #tpu.memory_space<vmem>>) offsets(%arg13 : memref<128xi32, #tpu.memory_space<vmem>>) semaphore(%arg38 : memref<!tpu.dma_semaphore, #tpu.memory_space<semaphore_mem>>)
        } else {
        }
        %dma_wait3A_154 = arith.constant 0 : i32
        %dma_wait3A_155 = arith.constant 0 : i32
        %dma_wait3A_156 = tpu.memref_slice %arg2[%dma_wait3A_154, %dma_wait3A_155] : memref<10000x32xf32, #tpu.memory_space<hbm>> -> memref<10000x32xf32, #tpu.memory_space<hbm>>
        tpu.wait_indirect_dma semaphore(%arg37 : memref<!tpu.dma_semaphore, #tpu.memory_space<semaphore_mem>>) src(%dma_wait3A_156 : memref<10000x32xf32, #tpu.memory_space<hbm>>) dst(%arg24 : memref<128x32xf32, #tpu.memory_space<vmem>>)
        %dma_start3A_157 = arith.constant 0 : i32
        %dma_start3A_158 = arith.constant 0 : i32
        %dma_start3A_159 = tpu.memref_slice %arg26[%dma_start3A_157, %dma_start3A_158] : memref<10240x32xf32, #tpu.memory_space<vmem_shared>> -> memref<10240x32xf32, #tpu.memory_space<vmem_shared>>
        tpu.enqueue_indirect_dma source(%arg24 : memref<128x32xf32, #tpu.memory_space<vmem>>) target(%dma_start3A_159 : memref<10240x32xf32, #tpu.memory_space<vmem_shared>>) offsets(%arg20 : memref<128xi32, #tpu.memory_space<vmem>>) semaphore(%arg41 : memref<!tpu.dma_semaphore, #tpu.memory_space<semaphore_mem>>) {add = true}
        %add3A_160 = arith.constant 4 : i32
        %add3A_161 = arith.addi %add3A_136, %add3A_160 : i32
        %lt3A_162 = arith.cmpi slt, %add3A_161, %add3A_9 : i32
        %convert_element_type3A_163 = arith.extui %lt3A_162 : i1 to i32
        %cond3A_164 = arith.constant 0 : i32
        %cond3A_165 = arith.cmpi ne, %convert_element_type3A_163, %cond3A_164 : i32
        scf.if %cond3A_165 {
          %add3A_166 = arith.constant 4 : i32
          %add3A_167 = arith.addi %add3A_136, %add3A_166 : i32
          %mul3A_168 = arith.constant 32 : i32
          %mul3A_169 = arith.muli %add3A_167, %mul3A_168 : i32
          %add3A_170 = arith.addi %add3A, %mul3A_169 : i32
          %mul3A_171 = arith.constant 128 : i32
          %mul3A_172 = arith.muli %add3A_170, %mul3A_171 : i32
          %dma_start3A_173 = tpu.memref_slice %arg3[%mul3A_172] : memref<640000xi32, #tpu.memory_space<hbm>> -> memref<128xi32, #tpu.memory_space<hbm>>
          %dma_start3A_174 = tpu.memref_slice %arg3[%mul3A_172] : memref<640000xi32, #tpu.memory_space<hbm>> -> memref<128xi32, #tpu.memory_space<hbm>>
          tpu.enqueue_dma source(%dma_start3A_174 : memref<128xi32, #tpu.memory_space<hbm>>) target(%arg8 : memref<128xi32, #tpu.memory_space<vmem>>) target_semaphore(%arg29 : memref<!tpu.dma_semaphore, #tpu.memory_space<semaphore_mem>>)
          %add3A_175 = arith.constant 320000 : i32
          %add3A_176 = arith.addi %add3A_175, %mul3A_172 : i32
          %dma_start3A_177 = tpu.memref_slice %arg3[%add3A_176] : memref<640000xi32, #tpu.memory_space<hbm>> -> memref<128xi32, #tpu.memory_space<hbm>>
          %dma_start3A_178 = tpu.memref_slice %arg3[%add3A_176] : memref<640000xi32, #tpu.memory_space<hbm>> -> memref<128xi32, #tpu.memory_space<hbm>>
          tpu.enqueue_dma source(%dma_start3A_178 : memref<128xi32, #tpu.memory_space<hbm>>) target(%arg16 : memref<128xi32, #tpu.memory_space<vmem>>) target_semaphore(%arg29 : memref<!tpu.dma_semaphore, #tpu.memory_space<semaphore_mem>>)
        } else {
        }
      } else {
      }
      %add3A_140 = arith.constant 7 : i32
      %add3A_141 = arith.addi %mul3A_85, %add3A_140 : i32
      %lt3A_142 = arith.cmpi slt, %add3A_141, %add3A_9 : i32
      %add3A_143 = arith.constant 7 : i32
      %add3A_144 = arith.addi %mul3A_85, %add3A_143 : i32
      %convert_element_type3A_145 = arith.extui %lt3A_142 : i1 to i32
      %cond3A_146 = arith.constant 0 : i32
      %cond3A_147 = arith.cmpi ne, %convert_element_type3A_145, %cond3A_146 : i32
      scf.if %cond3A_147 {
        %add3A_148 = arith.constant 1 : i32
        %add3A_149 = arith.addi %add3A_144, %add3A_148 : i32
        %lt3A_150 = arith.cmpi slt, %add3A_149, %add3A_9 : i32
        %convert_element_type3A_151 = arith.extui %lt3A_150 : i1 to i32
        %cond3A_152 = arith.constant 0 : i32
        %cond3A_153 = arith.cmpi ne, %convert_element_type3A_151, %cond3A_152 : i32
        scf.if %cond3A_153 {
          %add3A_166 = arith.constant 1 : i32
          %add3A_167 = arith.addi %add3A_144, %add3A_166 : i32
          %mul3A_168 = arith.constant 32 : i32
          %mul3A_169 = arith.muli %add3A_167, %mul3A_168 : i32
          %add3A_170 = arith.addi %add3A, %mul3A_169 : i32
          %mul3A_171 = arith.constant 128 : i32
          %mul3A_172 = arith.muli %add3A_170, %mul3A_171 : i32
          %dma_wait3A_173 = tpu.memref_slice %arg3[%mul3A_172] : memref<640000xi32, #tpu.memory_space<hbm>> -> memref<128xi32, #tpu.memory_space<hbm>>
          %dma_wait3A_174 = tpu.memref_slice %arg3[%mul3A_172] : memref<640000xi32, #tpu.memory_space<hbm>> -> memref<128xi32, #tpu.memory_space<hbm>>
          tpu.wait_dma2 semaphore(%arg27 : memref<!tpu.dma_semaphore, #tpu.memory_space<semaphore_mem>>) src(%dma_wait3A_174 : memref<128xi32, #tpu.memory_space<hbm>>) dst(%arg6 : memref<128xi32, #tpu.memory_space<vmem>>)
          %add3A_175 = arith.constant 320000 : i32
          %add3A_176 = arith.addi %add3A_175, %mul3A_172 : i32
          %dma_wait3A_177 = tpu.memref_slice %arg3[%add3A_176] : memref<640000xi32, #tpu.memory_space<hbm>> -> memref<128xi32, #tpu.memory_space<hbm>>
          %dma_wait3A_178 = tpu.memref_slice %arg3[%add3A_176] : memref<640000xi32, #tpu.memory_space<hbm>> -> memref<128xi32, #tpu.memory_space<hbm>>
          tpu.wait_dma2 semaphore(%arg27 : memref<!tpu.dma_semaphore, #tpu.memory_space<semaphore_mem>>) src(%dma_wait3A_178 : memref<128xi32, #tpu.memory_space<hbm>>) dst(%arg14 : memref<128xi32, #tpu.memory_space<vmem>>)
          %add3A_179 = arith.constant 1 : i32
          %add3A_180 = arith.addi %add3A_144, %add3A_179 : i32
          %ge3A = arith.constant 4 : i32
          %ge3A_181 = arith.cmpi sge, %add3A_180, %ge3A : i32
          %convert_element_type3A_182 = arith.extui %ge3A_181 : i1 to i32
          %cond3A_183 = arith.constant 0 : i32
          %cond3A_184 = arith.cmpi ne, %convert_element_type3A_182, %cond3A_183 : i32
          scf.if %cond3A_184 {
            %dma_wait3A_188 = arith.constant 0 : i32
            %dma_wait3A_189 = arith.constant 0 : i32
            %dma_wait3A_190 = tpu.memref_slice %arg26[%dma_wait3A_188, %dma_wait3A_189] : memref<10240x32xf32, #tpu.memory_space<vmem_shared>> -> memref<10240x32xf32, #tpu.memory_space<vmem_shared>>
            tpu.wait_indirect_dma semaphore(%arg39 : memref<!tpu.dma_semaphore, #tpu.memory_space<semaphore_mem>>) src(%arg22 : memref<128x32xf32, #tpu.memory_space<vmem>>) dst(%dma_wait3A_190 : memref<10240x32xf32, #tpu.memory_space<vmem_shared>>)
          } else {
          }
          %dma_start3A_185 = arith.constant 0 : i32
          %dma_start3A_186 = arith.constant 0 : i32
          %dma_start3A_187 = tpu.memref_slice %arg2[%dma_start3A_185, %dma_start3A_186] : memref<10000x32xf32, #tpu.memory_space<hbm>> -> memref<10000x32xf32, #tpu.memory_space<hbm>>
          tpu.enqueue_indirect_dma source(%dma_start3A_187 : memref<10000x32xf32, #tpu.memory_space<hbm>>) target(%arg22 : memref<128x32xf32, #tpu.memory_space<vmem>>) offsets(%arg6 : memref<128xi32, #tpu.memory_space<vmem>>) semaphore(%arg35 : memref<!tpu.dma_semaphore, #tpu.memory_space<semaphore_mem>>)
        } else {
        }
        %dma_wait3A_154 = arith.constant 0 : i32
        %dma_wait3A_155 = arith.constant 0 : i32
        %dma_wait3A_156 = tpu.memref_slice %arg2[%dma_wait3A_154, %dma_wait3A_155] : memref<10000x32xf32, #tpu.memory_space<hbm>> -> memref<10000x32xf32, #tpu.memory_space<hbm>>
        tpu.wait_indirect_dma semaphore(%arg38 : memref<!tpu.dma_semaphore, #tpu.memory_space<semaphore_mem>>) src(%dma_wait3A_156 : memref<10000x32xf32, #tpu.memory_space<hbm>>) dst(%arg25 : memref<128x32xf32, #tpu.memory_space<vmem>>)
        %dma_start3A_157 = arith.constant 0 : i32
        %dma_start3A_158 = arith.constant 0 : i32
        %dma_start3A_159 = tpu.memref_slice %arg26[%dma_start3A_157, %dma_start3A_158] : memref<10240x32xf32, #tpu.memory_space<vmem_shared>> -> memref<10240x32xf32, #tpu.memory_space<vmem_shared>>
        tpu.enqueue_indirect_dma source(%arg25 : memref<128x32xf32, #tpu.memory_space<vmem>>) target(%dma_start3A_159 : memref<10240x32xf32, #tpu.memory_space<vmem_shared>>) offsets(%arg21 : memref<128xi32, #tpu.memory_space<vmem>>) semaphore(%arg42 : memref<!tpu.dma_semaphore, #tpu.memory_space<semaphore_mem>>) {add = true}
        %add3A_160 = arith.constant 4 : i32
        %add3A_161 = arith.addi %add3A_144, %add3A_160 : i32
        %lt3A_162 = arith.cmpi slt, %add3A_161, %add3A_9 : i32
        %convert_element_type3A_163 = arith.extui %lt3A_162 : i1 to i32
        %cond3A_164 = arith.constant 0 : i32
        %cond3A_165 = arith.cmpi ne, %convert_element_type3A_163, %cond3A_164 : i32
        scf.if %cond3A_165 {
          %add3A_166 = arith.constant 4 : i32
          %add3A_167 = arith.addi %add3A_144, %add3A_166 : i32
          %mul3A_168 = arith.constant 32 : i32
          %mul3A_169 = arith.muli %add3A_167, %mul3A_168 : i32
          %add3A_170 = arith.addi %add3A, %mul3A_169 : i32
          %mul3A_171 = arith.constant 128 : i32
          %mul3A_172 = arith.muli %add3A_170, %mul3A_171 : i32
          %dma_start3A_173 = tpu.memref_slice %arg3[%mul3A_172] : memref<640000xi32, #tpu.memory_space<hbm>> -> memref<128xi32, #tpu.memory_space<hbm>>
          %dma_start3A_174 = tpu.memref_slice %arg3[%mul3A_172] : memref<640000xi32, #tpu.memory_space<hbm>> -> memref<128xi32, #tpu.memory_space<hbm>>
          tpu.enqueue_dma source(%dma_start3A_174 : memref<128xi32, #tpu.memory_space<hbm>>) target(%arg9 : memref<128xi32, #tpu.memory_space<vmem>>) target_semaphore(%arg30 : memref<!tpu.dma_semaphore, #tpu.memory_space<semaphore_mem>>)
          %add3A_175 = arith.constant 320000 : i32
          %add3A_176 = arith.addi %add3A_175, %mul3A_172 : i32
          %dma_start3A_177 = tpu.memref_slice %arg3[%add3A_176] : memref<640000xi32, #tpu.memory_space<hbm>> -> memref<128xi32, #tpu.memory_space<hbm>>
          %dma_start3A_178 = tpu.memref_slice %arg3[%add3A_176] : memref<640000xi32, #tpu.memory_space<hbm>> -> memref<128xi32, #tpu.memory_space<hbm>>
          tpu.enqueue_dma source(%dma_start3A_178 : memref<128xi32, #tpu.memory_space<hbm>>) target(%arg17 : memref<128xi32, #tpu.memory_space<vmem>>) target_semaphore(%arg30 : memref<!tpu.dma_semaphore, #tpu.memory_space<semaphore_mem>>)
        } else {
        }
      } else {
      }
    }
    %scan3A_65 = arith.constant 10 : i32
    %dma_wait3A_66 = arith.constant 0 : i32
    %dma_wait3A_67 = arith.constant 0 : i32
    %dma_wait3A_68 = tpu.memref_slice %arg26[%dma_wait3A_66, %dma_wait3A_67] : memref<10240x32xf32, #tpu.memory_space<vmem_shared>> -> memref<10240x32xf32, #tpu.memory_space<vmem_shared>>
    tpu.wait_indirect_dma semaphore(%arg39 : memref<!tpu.dma_semaphore, #tpu.memory_space<semaphore_mem>>) src(%arg22 : memref<128x32xf32, #tpu.memory_space<vmem>>) dst(%dma_wait3A_68 : memref<10240x32xf32, #tpu.memory_space<vmem_shared>>)
    %dma_wait3A_69 = arith.constant 0 : i32
    %dma_wait3A_70 = arith.constant 0 : i32
    %dma_wait3A_71 = tpu.memref_slice %arg26[%dma_wait3A_69, %dma_wait3A_70] : memref<10240x32xf32, #tpu.memory_space<vmem_shared>> -> memref<10240x32xf32, #tpu.memory_space<vmem_shared>>
    tpu.wait_indirect_dma semaphore(%arg40 : memref<!tpu.dma_semaphore, #tpu.memory_space<semaphore_mem>>) src(%arg23 : memref<128x32xf32, #tpu.memory_space<vmem>>) dst(%dma_wait3A_71 : memref<10240x32xf32, #tpu.memory_space<vmem_shared>>)
    %dma_wait3A_72 = arith.constant 0 : i32
    %dma_wait3A_73 = arith.constant 0 : i32
    %dma_wait3A_74 = tpu.memref_slice %arg26[%dma_wait3A_72, %dma_wait3A_73] : memref<10240x32xf32, #tpu.memory_space<vmem_shared>> -> memref<10240x32xf32, #tpu.memory_space<vmem_shared>>
    tpu.wait_indirect_dma semaphore(%arg41 : memref<!tpu.dma_semaphore, #tpu.memory_space<semaphore_mem>>) src(%arg24 : memref<128x32xf32, #tpu.memory_space<vmem>>) dst(%dma_wait3A_74 : memref<10240x32xf32, #tpu.memory_space<vmem_shared>>)
    %dma_wait3A_75 = arith.constant 0 : i32
    %dma_wait3A_76 = arith.constant 0 : i32
    %dma_wait3A_77 = tpu.memref_slice %arg26[%dma_wait3A_75, %dma_wait3A_76] : memref<10240x32xf32, #tpu.memory_space<vmem_shared>> -> memref<10240x32xf32, #tpu.memory_space<vmem_shared>>
    tpu.wait_indirect_dma semaphore(%arg42 : memref<!tpu.dma_semaphore, #tpu.memory_space<semaphore_mem>>) src(%arg25 : memref<128x32xf32, #tpu.memory_space<vmem>>) dst(%dma_wait3A_77 : memref<10240x32xf32, #tpu.memory_space<vmem_shared>>)
    %barrier3A_78 = arith.constant 0 : index
    tpu.barrier barrier_id(%barrier3A_78)
    %mul3A_79 = arith.constant 640 : i32
    %mul3A_80 = arith.muli %arg1, %mul3A_79 : i32
    %mul3A_81 = arith.constant 640 : i32
    %mul3A_82 = arith.muli %arg1, %mul3A_81 : i32
    "tpu.region"() ({
      %run_scoped3A = tpu.sem_alloc : memref<!tpu.dma_semaphore, #tpu.memory_space<semaphore_mem>>
      %dma_start3A_83 = arith.constant 0 : i32
      %dma_start3A_84 = tpu.memref_slice %arg5[%arg0, %mul3A_82, %dma_start3A_83] : memref<2x10240x32xf32, #tpu.memory_space<hbm>> -> memref<1x640x32xf32, #tpu.memory_space<hbm>>
      %dma_start3A_85 = tpu.memref_squeeze %dma_start3A_84 : memref<1x640x32xf32, #tpu.memory_space<hbm>> -> memref<640x32xf32, #tpu.memory_space<hbm>>
      %dma_start3A_86 = arith.constant 0 : i32
      %dma_start3A_87 = tpu.memref_slice %arg26[%mul3A_80, %dma_start3A_86] : memref<10240x32xf32, #tpu.memory_space<vmem_shared>> -> memref<640x32xf32, #tpu.memory_space<vmem_shared>>
      tpu.enqueue_dma source(%dma_start3A_87 : memref<640x32xf32, #tpu.memory_space<vmem_shared>>) target(%dma_start3A_85 : memref<640x32xf32, #tpu.memory_space<hbm>>) target_semaphore(%run_scoped3A : memref<!tpu.dma_semaphore, #tpu.memory_space<semaphore_mem>>)
      %dma_wait3A_88 = arith.constant 0 : i32
      %dma_wait3A_89 = tpu.memref_slice %arg5[%arg0, %mul3A_82, %dma_wait3A_88] : memref<2x10240x32xf32, #tpu.memory_space<hbm>> -> memref<1x640x32xf32, #tpu.memory_space<hbm>>
      %dma_wait3A_90 = tpu.memref_squeeze %dma_wait3A_89 : memref<1x640x32xf32, #tpu.memory_space<hbm>> -> memref<640x32xf32, #tpu.memory_space<hbm>>
      %dma_wait3A_91 = arith.constant 0 : i32
      %dma_wait3A_92 = tpu.memref_slice %arg26[%mul3A_80, %dma_wait3A_91] : memref<10240x32xf32, #tpu.memory_space<vmem_shared>> -> memref<640x32xf32, #tpu.memory_space<vmem_shared>>
      tpu.wait_dma2 semaphore(%run_scoped3A : memref<!tpu.dma_semaphore, #tpu.memory_space<semaphore_mem>>) src(%dma_wait3A_92 : memref<640x32xf32, #tpu.memory_space<vmem_shared>>) dst(%dma_wait3A_90 : memref<640x32xf32, #tpu.memory_space<hbm>>)
      tpu.yield
    }) : () -> ()
    return
  }
}

#map = affine_map<(d0, d1) -> (0, 0)>
#map1 = affine_map<(d0, d1) -> (0)>
#map2 = affine_map<(d0, d1) -> (0, 0, 0)>
module attributes {stable_mosaic.version = 14 : i64} {
  func.func @body(%arg0: i32, %arg1: i32, %arg2: memref<10000x32xf32, #tpu.memory_space<hbm>>, %arg3: memref<640000xi32, #tpu.memory_space<hbm>>, %arg4: memref<10240x32xf32, #tpu.memory_space<hbm>>, %arg5: memref<2x10240x32xf32, #tpu.memory_space<hbm>>, %arg6: memref<2x10240x16xf32, #tpu.memory_space<hbm>>, %arg7: memref<128xi32, #tpu.memory_space<vmem>>, %arg8: memref<128xi32, #tpu.memory_space<vmem>>, %arg9: memref<128xi32, #tpu.memory_space<vmem>>, %arg10: memref<128xi32, #tpu.memory_space<vmem>>, %arg11: memref<128xi32, #tpu.memory_space<vmem>>, %arg12: memref<128xi32, #tpu.memory_space<vmem>>, %arg13: memref<128xi32, #tpu.memory_space<vmem>>, %arg14: memref<128xi32, #tpu.memory_space<vmem>>, %arg15: memref<128xi32, #tpu.memory_space<vmem>>, %arg16: memref<128xi32, #tpu.memory_space<vmem>>, %arg17: memref<128xi32, #tpu.memory_space<vmem>>, %arg18: memref<128xi32, #tpu.memory_space<vmem>>, %arg19: memref<128xi32, #tpu.memory_space<vmem>>, %arg20: memref<128xi32, #tpu.memory_space<vmem>>, %arg21: memref<128xi32, #tpu.memory_space<vmem>>, %arg22: memref<128xi32, #tpu.memory_space<vmem>>, %arg23: memref<128x32xf32, #tpu.memory_space<vmem>>, %arg24: memref<128x32xf32, #tpu.memory_space<vmem>>, %arg25: memref<128x32xf32, #tpu.memory_space<vmem>>, %arg26: memref<128x32xf32, #tpu.memory_space<vmem>>, %arg27: memref<10240x32xf32, #tpu.memory_space<vmem_shared>>, %arg28: memref<!tpu.dma_semaphore, #tpu.memory_space<semaphore_mem>>, %arg29: memref<!tpu.dma_semaphore, #tpu.memory_space<semaphore_mem>>, %arg30: memref<!tpu.dma_semaphore, #tpu.memory_space<semaphore_mem>>, %arg31: memref<!tpu.dma_semaphore, #tpu.memory_space<semaphore_mem>>, %arg32: memref<!tpu.dma_semaphore, #tpu.memory_space<semaphore_mem>>, %arg33: memref<!tpu.dma_semaphore, #tpu.memory_space<semaphore_mem>>, %arg34: memref<!tpu.dma_semaphore, #tpu.memory_space<semaphore_mem>>, %arg35: memref<!tpu.dma_semaphore, #tpu.memory_space<semaphore_mem>>, %arg36: memref<!tpu.dma_semaphore, #tpu.memory_space<semaphore_mem>>, %arg37: memref<!tpu.dma_semaphore, #tpu.memory_space<semaphore_mem>>, %arg38: memref<!tpu.dma_semaphore, #tpu.memory_space<semaphore_mem>>, %arg39: memref<!tpu.dma_semaphore, #tpu.memory_space<semaphore_mem>>, %arg40: memref<!tpu.dma_semaphore, #tpu.memory_space<semaphore_mem>>, %arg41: memref<!tpu.dma_semaphore, #tpu.memory_space<semaphore_mem>>, %arg42: memref<!tpu.dma_semaphore, #tpu.memory_space<semaphore_mem>>, %arg43: memref<!tpu.dma_semaphore, #tpu.memory_space<semaphore_mem>>, %arg44: memref<10240xf32, #tpu.memory_space<vmem>>, %arg45: memref<16x10240xf32, #tpu.memory_space<vmem_shared>>, %arg46: memref<656xf32, #tpu.memory_space<vmem>>, %arg47: memref<640xf32, #tpu.memory_space<vmem>>, %arg48: memref<640x16xf32, #tpu.memory_space<vmem>>) attributes {dimension_semantics = [#tpu.dimension_semantics<core_parallel>, #tpu.dimension_semantics<subcore_parallel>], iteration_bounds = array<i64: 2, 16>, scalar_prefetch = 0 : i64, scratch_operands = 42 : i64, tpu.core_type = #tpu.core_type<sc_vector_subcore>, window_params = [{transform_indices = #map}, {transform_indices = #map1}, {transform_indices = #map}, {transform_indices = #map2}, {transform_indices = #map2}]} {
    %mul3A = arith.constant 16 : i32
    %mul3A_0 = arith.muli %arg0, %mul3A : i32
    %add3A = arith.addi %mul3A_0, %arg1 : i32
    %mul3A_1 = arith.constant 640 : i32
    %mul3A_2 = arith.muli %arg1, %mul3A_1 : i32
    %mul3A_3 = arith.constant 640 : i32
    %mul3A_4 = arith.muli %arg1, %mul3A_3 : i32
    "tpu.region"() ({
      %run_scoped3A_106 = tpu.sem_alloc : memref<!tpu.dma_semaphore, #tpu.memory_space<semaphore_mem>>
      %dma_start3A_107 = arith.constant 0 : i32
      %dma_start3A_108 = tpu.memref_slice %arg27[%mul3A_4, %dma_start3A_107] : memref<10240x32xf32, #tpu.memory_space<vmem_shared>> -> memref<640x32xf32, #tpu.memory_space<vmem_shared>>
      %dma_start3A_109 = arith.constant 0 : i32
      %dma_start3A_110 = tpu.memref_slice %arg4[%mul3A_2, %dma_start3A_109] : memref<10240x32xf32, #tpu.memory_space<hbm>> -> memref<640x32xf32, #tpu.memory_space<hbm>>
      tpu.enqueue_dma source(%dma_start3A_110 : memref<640x32xf32, #tpu.memory_space<hbm>>) target(%dma_start3A_108 : memref<640x32xf32, #tpu.memory_space<vmem_shared>>) target_semaphore(%run_scoped3A_106 : memref<!tpu.dma_semaphore, #tpu.memory_space<semaphore_mem>>)
      %dma_wait3A_111 = arith.constant 0 : i32
      %dma_wait3A_112 = tpu.memref_slice %arg27[%mul3A_4, %dma_wait3A_111] : memref<10240x32xf32, #tpu.memory_space<vmem_shared>> -> memref<640x32xf32, #tpu.memory_space<vmem_shared>>
      %dma_wait3A_113 = arith.constant 0 : i32
      %dma_wait3A_114 = tpu.memref_slice %arg4[%mul3A_2, %dma_wait3A_113] : memref<10240x32xf32, #tpu.memory_space<hbm>> -> memref<640x32xf32, #tpu.memory_space<hbm>>
      tpu.wait_dma2 semaphore(%run_scoped3A_106 : memref<!tpu.dma_semaphore, #tpu.memory_space<semaphore_mem>>) src(%dma_wait3A_114 : memref<640x32xf32, #tpu.memory_space<hbm>>) dst(%dma_wait3A_112 : memref<640x32xf32, #tpu.memory_space<vmem_shared>>)
      tpu.yield
    }) : () -> ()
    %broadcast_in_dim3A = arith.constant 0.000000e+00 : f32
    %broadcast_in_dim3A_5 = vector.broadcast %broadcast_in_dim3A : f32 to vector<16xf32>
    %scan3A = arith.constant 0 : i32
    %scan3A_6 = arith.constant 0 : i32
    %scan3A_7 = arith.constant 640 : i32
    %scan3A_8 = arith.addi %scan3A_6, %scan3A_7 : i32
    %scan3A_9 = arith.constant 1 : i32
    scf.for %scan3A_106 = %scan3A_6 to %scan3A_8 step %scan3A_9  : i32 {
      %mul3A_107 = arith.constant 16 : i32
      %mul3A_108 = arith.muli %scan3A_106, %mul3A_107 : i32
      %swap3A = arith.index_cast %mul3A_108 : i32 to index
      %swap3A_109 = tpu.vector_load %arg44[%swap3A] {strides = array<i32>} : memref<10240xf32, #tpu.memory_space<vmem>>, vector<16xf32>,
      tpu.vector_store %arg44[%swap3A], %broadcast_in_dim3A_5 {strides = array<i32>} : memref<10240xf32, #tpu.memory_space<vmem>>, vector<16xf32>,
    }
    %scan3A_10 = arith.constant 640 : i32
    %barrier3A = arith.constant 0 : index
    tpu.barrier barrier_id(%barrier3A)
    %broadcast_in_dim3A_11 = arith.constant 1.000000e+00 : f32
    %broadcast_in_dim3A_12 = vector.broadcast %broadcast_in_dim3A_11 : f32 to vector<16xf32>
    %lt3A = arith.constant 4 : i32
    %lt3A_13 = arith.cmpi slt, %add3A, %lt3A : i32
    %jit3A = arith.constant 1 : i32
    %jit3A_14 = arith.constant 0 : i32
    %select_n3A = arith.select %lt3A_13, %jit3A, %jit3A_14 : i32
    %add3A_15 = arith.constant 78 : i32
    %add3A_16 = arith.addi %add3A_15, %select_n3A : i32
    %add3A_17 = arith.constant 0 : i32
    %add3A_18 = arith.addi %add3A, %add3A_17 : i32
    %mul3A_19 = arith.constant 128 : i32
    %mul3A_20 = arith.muli %add3A_18, %mul3A_19 : i32
    %dma_start3A = tpu.memref_slice %arg3[%mul3A_20] : memref<640000xi32, #tpu.memory_space<hbm>> -> memref<128xi32, #tpu.memory_space<hbm>>
    %dma_start3A_21 = tpu.memref_slice %arg3[%mul3A_20] : memref<640000xi32, #tpu.memory_space<hbm>> -> memref<128xi32, #tpu.memory_space<hbm>>
    tpu.enqueue_dma source(%dma_start3A_21 : memref<128xi32, #tpu.memory_space<hbm>>) target(%arg7 : memref<128xi32, #tpu.memory_space<vmem>>) target_semaphore(%arg28 : memref<!tpu.dma_semaphore, #tpu.memory_space<semaphore_mem>>)
    %add3A_22 = arith.constant 320000 : i32
    %add3A_23 = arith.addi %add3A_22, %mul3A_20 : i32
    %dma_start3A_24 = tpu.memref_slice %arg3[%add3A_23] : memref<640000xi32, #tpu.memory_space<hbm>> -> memref<128xi32, #tpu.memory_space<hbm>>
    %dma_start3A_25 = tpu.memref_slice %arg3[%add3A_23] : memref<640000xi32, #tpu.memory_space<hbm>> -> memref<128xi32, #tpu.memory_space<hbm>>
    tpu.enqueue_dma source(%dma_start3A_25 : memref<128xi32, #tpu.memory_space<hbm>>) target(%arg15 : memref<128xi32, #tpu.memory_space<vmem>>) target_semaphore(%arg28 : memref<!tpu.dma_semaphore, #tpu.memory_space<semaphore_mem>>)
    %add3A_26 = arith.constant 0 : i32
    %add3A_27 = arith.addi %add3A, %add3A_26 : i32
    %mul3A_28 = arith.constant 128 : i32
    %mul3A_29 = arith.muli %add3A_27, %mul3A_28 : i32
    %dma_wait3A = tpu.memref_slice %arg3[%mul3A_29] : memref<640000xi32, #tpu.memory_space<hbm>> -> memref<128xi32, #tpu.memory_space<hbm>>
    %dma_wait3A_30 = tpu.memref_slice %arg3[%mul3A_29] : memref<640000xi32, #tpu.memory_space<hbm>> -> memref<128xi32, #tpu.memory_space<hbm>>
    tpu.wait_dma2 semaphore(%arg28 : memref<!tpu.dma_semaphore, #tpu.memory_space<semaphore_mem>>) src(%dma_wait3A_30 : memref<128xi32, #tpu.memory_space<hbm>>) dst(%arg7 : memref<128xi32, #tpu.memory_space<vmem>>)
    %add3A_31 = arith.constant 320000 : i32
    %add3A_32 = arith.addi %add3A_31, %mul3A_29 : i32
    %dma_wait3A_33 = tpu.memref_slice %arg3[%add3A_32] : memref<640000xi32, #tpu.memory_space<hbm>> -> memref<128xi32, #tpu.memory_space<hbm>>
    %dma_wait3A_34 = tpu.memref_slice %arg3[%add3A_32] : memref<640000xi32, #tpu.memory_space<hbm>> -> memref<128xi32, #tpu.memory_space<hbm>>
    tpu.wait_dma2 semaphore(%arg28 : memref<!tpu.dma_semaphore, #tpu.memory_space<semaphore_mem>>) src(%dma_wait3A_34 : memref<128xi32, #tpu.memory_space<hbm>>) dst(%arg15 : memref<128xi32, #tpu.memory_space<vmem>>)
    %add3A_35 = arith.constant 32 : i32
    %add3A_36 = arith.addi %add3A, %add3A_35 : i32
    %mul3A_37 = arith.constant 128 : i32
    %mul3A_38 = arith.muli %add3A_36, %mul3A_37 : i32
    %dma_start3A_39 = tpu.memref_slice %arg3[%mul3A_38] : memref<640000xi32, #tpu.memory_space<hbm>> -> memref<128xi32, #tpu.memory_space<hbm>>
    %dma_start3A_40 = tpu.memref_slice %arg3[%mul3A_38] : memref<640000xi32, #tpu.memory_space<hbm>> -> memref<128xi32, #tpu.memory_space<hbm>>
    tpu.enqueue_dma source(%dma_start3A_40 : memref<128xi32, #tpu.memory_space<hbm>>) target(%arg8 : memref<128xi32, #tpu.memory_space<vmem>>) target_semaphore(%arg29 : memref<!tpu.dma_semaphore, #tpu.memory_space<semaphore_mem>>)
    %add3A_41 = arith.constant 320000 : i32
    %add3A_42 = arith.addi %add3A_41, %mul3A_38 : i32
    %dma_start3A_43 = tpu.memref_slice %arg3[%add3A_42] : memref<640000xi32, #tpu.memory_space<hbm>> -> memref<128xi32, #tpu.memory_space<hbm>>
    %dma_start3A_44 = tpu.memref_slice %arg3[%add3A_42] : memref<640000xi32, #tpu.memory_space<hbm>> -> memref<128xi32, #tpu.memory_space<hbm>>
    tpu.enqueue_dma source(%dma_start3A_44 : memref<128xi32, #tpu.memory_space<hbm>>) target(%arg16 : memref<128xi32, #tpu.memory_space<vmem>>) target_semaphore(%arg29 : memref<!tpu.dma_semaphore, #tpu.memory_space<semaphore_mem>>)
    %add3A_45 = arith.constant 64 : i32
    %add3A_46 = arith.addi %add3A, %add3A_45 : i32
    %mul3A_47 = arith.constant 128 : i32
    %mul3A_48 = arith.muli %add3A_46, %mul3A_47 : i32
    %dma_start3A_49 = tpu.memref_slice %arg3[%mul3A_48] : memref<640000xi32, #tpu.memory_space<hbm>> -> memref<128xi32, #tpu.memory_space<hbm>>
    %dma_start3A_50 = tpu.memref_slice %arg3[%mul3A_48] : memref<640000xi32, #tpu.memory_space<hbm>> -> memref<128xi32, #tpu.memory_space<hbm>>
    tpu.enqueue_dma source(%dma_start3A_50 : memref<128xi32, #tpu.memory_space<hbm>>) target(%arg9 : memref<128xi32, #tpu.memory_space<vmem>>) target_semaphore(%arg30 : memref<!tpu.dma_semaphore, #tpu.memory_space<semaphore_mem>>)
    %add3A_51 = arith.constant 320000 : i32
    %add3A_52 = arith.addi %add3A_51, %mul3A_48 : i32
    %dma_start3A_53 = tpu.memref_slice %arg3[%add3A_52] : memref<640000xi32, #tpu.memory_space<hbm>> -> memref<128xi32, #tpu.memory_space<hbm>>
    %dma_start3A_54 = tpu.memref_slice %arg3[%add3A_52] : memref<640000xi32, #tpu.memory_space<hbm>> -> memref<128xi32, #tpu.memory_space<hbm>>
    tpu.enqueue_dma source(%dma_start3A_54 : memref<128xi32, #tpu.memory_space<hbm>>) target(%arg17 : memref<128xi32, #tpu.memory_space<vmem>>) target_semaphore(%arg30 : memref<!tpu.dma_semaphore, #tpu.memory_space<semaphore_mem>>)
    %add3A_55 = arith.constant 96 : i32
    %add3A_56 = arith.addi %add3A, %add3A_55 : i32
    %mul3A_57 = arith.constant 128 : i32
    %mul3A_58 = arith.muli %add3A_56, %mul3A_57 : i32
    %dma_start3A_59 = tpu.memref_slice %arg3[%mul3A_58] : memref<640000xi32, #tpu.memory_space<hbm>> -> memref<128xi32, #tpu.memory_space<hbm>>
    %dma_start3A_60 = tpu.memref_slice %arg3[%mul3A_58] : memref<640000xi32, #tpu.memory_space<hbm>> -> memref<128xi32, #tpu.memory_space<hbm>>
    tpu.enqueue_dma source(%dma_start3A_60 : memref<128xi32, #tpu.memory_space<hbm>>) target(%arg10 : memref<128xi32, #tpu.memory_space<vmem>>) target_semaphore(%arg31 : memref<!tpu.dma_semaphore, #tpu.memory_space<semaphore_mem>>)
    %add3A_61 = arith.constant 320000 : i32
    %add3A_62 = arith.addi %add3A_61, %mul3A_58 : i32
    %dma_start3A_63 = tpu.memref_slice %arg3[%add3A_62] : memref<640000xi32, #tpu.memory_space<hbm>> -> memref<128xi32, #tpu.memory_space<hbm>>
    %dma_start3A_64 = tpu.memref_slice %arg3[%add3A_62] : memref<640000xi32, #tpu.memory_space<hbm>> -> memref<128xi32, #tpu.memory_space<hbm>>
    tpu.enqueue_dma source(%dma_start3A_64 : memref<128xi32, #tpu.memory_space<hbm>>) target(%arg18 : memref<128xi32, #tpu.memory_space<vmem>>) target_semaphore(%arg31 : memref<!tpu.dma_semaphore, #tpu.memory_space<semaphore_mem>>)
    %dma_start3A_65 = arith.constant 0 : i32
    %dma_start3A_66 = arith.constant 0 : i32
    %dma_start3A_67 = tpu.memref_slice %arg2[%dma_start3A_65, %dma_start3A_66] : memref<10000x32xf32, #tpu.memory_space<hbm>> -> memref<10000x32xf32, #tpu.memory_space<hbm>>
    tpu.enqueue_indirect_dma source(%dma_start3A_67 : memref<10000x32xf32, #tpu.memory_space<hbm>>) target(%arg23 : memref<128x32xf32, #tpu.memory_space<vmem>>) offsets(%arg7 : memref<128xi32, #tpu.memory_space<vmem>>) semaphore(%arg36 : memref<!tpu.dma_semaphore, #tpu.memory_space<semaphore_mem>>)
    %scan3A_68 = arith.constant 0 : i32
    %scan3A_69 = arith.constant 0 : i32
    %scan3A_70 = arith.constant 10 : i32
    %scan3A_71 = arith.addi %scan3A_69, %scan3A_70 : i32
    %scan3A_72 = arith.constant 1 : i32
    scf.for %scan3A_106 = %scan3A_69 to %scan3A_71 step %scan3A_72  : i32 {
      %mul3A_107 = arith.constant 8 : i32
      %mul3A_108 = arith.muli %scan3A_106, %mul3A_107 : i32
      %add3A_109 = arith.constant 0 : i32
      %add3A_110 = arith.addi %mul3A_108, %add3A_109 : i32
      %lt3A_111 = arith.cmpi slt, %add3A_110, %add3A_16 : i32
      %add3A_112 = arith.constant 0 : i32
      %add3A_113 = arith.addi %mul3A_108, %add3A_112 : i32
      %convert_element_type3A = arith.extui %lt3A_111 : i1 to i32
      %cond3A = arith.constant 0 : i32
      %cond3A_114 = arith.cmpi ne, %convert_element_type3A, %cond3A : i32
      scf.if %cond3A_114 {
        %add3A_171 = arith.constant 1 : i32
        %add3A_172 = arith.addi %add3A_113, %add3A_171 : i32
        %lt3A_173 = arith.cmpi slt, %add3A_172, %add3A_16 : i32
        %convert_element_type3A_174 = arith.extui %lt3A_173 : i1 to i32
        %cond3A_175 = arith.constant 0 : i32
        %cond3A_176 = arith.cmpi ne, %convert_element_type3A_174, %cond3A_175 : i32
        scf.if %cond3A_176 {
          %add3A_204 = arith.constant 1 : i32
          %add3A_205 = arith.addi %add3A_113, %add3A_204 : i32
          %mul3A_206 = arith.constant 32 : i32
          %mul3A_207 = arith.muli %add3A_205, %mul3A_206 : i32
          %add3A_208 = arith.addi %add3A, %mul3A_207 : i32
          %mul3A_209 = arith.constant 128 : i32
          %mul3A_210 = arith.muli %add3A_208, %mul3A_209 : i32
          %dma_wait3A_211 = tpu.memref_slice %arg3[%mul3A_210] : memref<640000xi32, #tpu.memory_space<hbm>> -> memref<128xi32, #tpu.memory_space<hbm>>
          %dma_wait3A_212 = tpu.memref_slice %arg3[%mul3A_210] : memref<640000xi32, #tpu.memory_space<hbm>> -> memref<128xi32, #tpu.memory_space<hbm>>
          tpu.wait_dma2 semaphore(%arg29 : memref<!tpu.dma_semaphore, #tpu.memory_space<semaphore_mem>>) src(%dma_wait3A_212 : memref<128xi32, #tpu.memory_space<hbm>>) dst(%arg8 : memref<128xi32, #tpu.memory_space<vmem>>)
          %add3A_213 = arith.constant 320000 : i32
          %add3A_214 = arith.addi %add3A_213, %mul3A_210 : i32
          %dma_wait3A_215 = tpu.memref_slice %arg3[%add3A_214] : memref<640000xi32, #tpu.memory_space<hbm>> -> memref<128xi32, #tpu.memory_space<hbm>>
          %dma_wait3A_216 = tpu.memref_slice %arg3[%add3A_214] : memref<640000xi32, #tpu.memory_space<hbm>> -> memref<128xi32, #tpu.memory_space<hbm>>
          tpu.wait_dma2 semaphore(%arg29 : memref<!tpu.dma_semaphore, #tpu.memory_space<semaphore_mem>>) src(%dma_wait3A_216 : memref<128xi32, #tpu.memory_space<hbm>>) dst(%arg16 : memref<128xi32, #tpu.memory_space<vmem>>)
          %add3A_217 = arith.constant 1 : i32
          %add3A_218 = arith.addi %add3A_113, %add3A_217 : i32
          %ge3A = arith.constant 4 : i32
          %ge3A_219 = arith.cmpi sge, %add3A_218, %ge3A : i32
          %convert_element_type3A_220 = arith.extui %ge3A_219 : i1 to i32
          %cond3A_221 = arith.constant 0 : i32
          %cond3A_222 = arith.cmpi ne, %convert_element_type3A_220, %cond3A_221 : i32
          scf.if %cond3A_222 {
            %dma_wait3A_226 = arith.constant 0 : i32
            %dma_wait3A_227 = arith.constant 0 : i32
            %dma_wait3A_228 = tpu.memref_slice %arg27[%dma_wait3A_226, %dma_wait3A_227] : memref<10240x32xf32, #tpu.memory_space<vmem_shared>> -> memref<10240x32xf32, #tpu.memory_space<vmem_shared>>
            tpu.wait_indirect_dma semaphore(%arg41 : memref<!tpu.dma_semaphore, #tpu.memory_space<semaphore_mem>>) src(%arg24 : memref<128x32xf32, #tpu.memory_space<vmem>>) dst(%dma_wait3A_228 : memref<10240x32xf32, #tpu.memory_space<vmem_shared>>)
          } else {
          }
          %dma_start3A_223 = arith.constant 0 : i32
          %dma_start3A_224 = arith.constant 0 : i32
          %dma_start3A_225 = tpu.memref_slice %arg2[%dma_start3A_223, %dma_start3A_224] : memref<10000x32xf32, #tpu.memory_space<hbm>> -> memref<10000x32xf32, #tpu.memory_space<hbm>>
          tpu.enqueue_indirect_dma source(%dma_start3A_225 : memref<10000x32xf32, #tpu.memory_space<hbm>>) target(%arg24 : memref<128x32xf32, #tpu.memory_space<vmem>>) offsets(%arg8 : memref<128xi32, #tpu.memory_space<vmem>>) semaphore(%arg37 : memref<!tpu.dma_semaphore, #tpu.memory_space<semaphore_mem>>)
        } else {
        }
        %dma_wait3A_177 = arith.constant 0 : i32
        %dma_wait3A_178 = arith.constant 0 : i32
        %dma_wait3A_179 = tpu.memref_slice %arg2[%dma_wait3A_177, %dma_wait3A_178] : memref<10000x32xf32, #tpu.memory_space<hbm>> -> memref<10000x32xf32, #tpu.memory_space<hbm>>
        tpu.wait_indirect_dma semaphore(%arg36 : memref<!tpu.dma_semaphore, #tpu.memory_space<semaphore_mem>>) src(%dma_wait3A_179 : memref<10000x32xf32, #tpu.memory_space<hbm>>) dst(%arg23 : memref<128x32xf32, #tpu.memory_space<vmem>>)
        %dma_start3A_180 = arith.constant 0 : i32
        %dma_start3A_181 = arith.constant 0 : i32
        %dma_start3A_182 = tpu.memref_slice %arg27[%dma_start3A_180, %dma_start3A_181] : memref<10240x32xf32, #tpu.memory_space<vmem_shared>> -> memref<10240x32xf32, #tpu.memory_space<vmem_shared>>
        tpu.enqueue_indirect_dma source(%arg23 : memref<128x32xf32, #tpu.memory_space<vmem>>) target(%dma_start3A_182 : memref<10240x32xf32, #tpu.memory_space<vmem_shared>>) offsets(%arg15 : memref<128xi32, #tpu.memory_space<vmem>>) semaphore(%arg40 : memref<!tpu.dma_semaphore, #tpu.memory_space<semaphore_mem>>) {add = true}
        %get3A = arith.constant 0 : index
        %get3A_183 = tpu.vector_load %arg15[%get3A] {strides = array<i32>} : memref<128xi32, #tpu.memory_space<vmem>>, vector<16xi32>,
        tpu.vector_store_idx %arg44[%get3A_183], %broadcast_in_dim3A_12 {add = true} : memref<10240xf32, #tpu.memory_space<vmem>>[vector<16xi32>], vector<16xf32>,
        %get3A_184 = arith.constant 16 : index
        %get3A_185 = tpu.vector_load %arg15[%get3A_184] {strides = array<i32>} : memref<128xi32, #tpu.memory_space<vmem>>, vector<16xi32>,
        tpu.vector_store_idx %arg44[%get3A_185], %broadcast_in_dim3A_12 {add = true} : memref<10240xf32, #tpu.memory_space<vmem>>[vector<16xi32>], vector<16xf32>,
        %get3A_186 = arith.constant 32 : index
        %get3A_187 = tpu.vector_load %arg15[%get3A_186] {strides = array<i32>} : memref<128xi32, #tpu.memory_space<vmem>>, vector<16xi32>,
        tpu.vector_store_idx %arg44[%get3A_187], %broadcast_in_dim3A_12 {add = true} : memref<10240xf32, #tpu.memory_space<vmem>>[vector<16xi32>], vector<16xf32>,
        %get3A_188 = arith.constant 48 : index
        %get3A_189 = tpu.vector_load %arg15[%get3A_188] {strides = array<i32>} : memref<128xi32, #tpu.memory_space<vmem>>, vector<16xi32>,
        tpu.vector_store_idx %arg44[%get3A_189], %broadcast_in_dim3A_12 {add = true} : memref<10240xf32, #tpu.memory_space<vmem>>[vector<16xi32>], vector<16xf32>,
        %get3A_190 = arith.constant 64 : index
        %get3A_191 = tpu.vector_load %arg15[%get3A_190] {strides = array<i32>} : memref<128xi32, #tpu.memory_space<vmem>>, vector<16xi32>,
        tpu.vector_store_idx %arg44[%get3A_191], %broadcast_in_dim3A_12 {add = true} : memref<10240xf32, #tpu.memory_space<vmem>>[vector<16xi32>], vector<16xf32>,
        %get3A_192 = arith.constant 80 : index
        %get3A_193 = tpu.vector_load %arg15[%get3A_192] {strides = array<i32>} : memref<128xi32, #tpu.memory_space<vmem>>, vector<16xi32>,
        tpu.vector_store_idx %arg44[%get3A_193], %broadcast_in_dim3A_12 {add = true} : memref<10240xf32, #tpu.memory_space<vmem>>[vector<16xi32>], vector<16xf32>,
        %get3A_194 = arith.constant 96 : index
        %get3A_195 = tpu.vector_load %arg15[%get3A_194] {strides = array<i32>} : memref<128xi32, #tpu.memory_space<vmem>>, vector<16xi32>,
        tpu.vector_store_idx %arg44[%get3A_195], %broadcast_in_dim3A_12 {add = true} : memref<10240xf32, #tpu.memory_space<vmem>>[vector<16xi32>], vector<16xf32>,
        %get3A_196 = arith.constant 112 : index
        %get3A_197 = tpu.vector_load %arg15[%get3A_196] {strides = array<i32>} : memref<128xi32, #tpu.memory_space<vmem>>, vector<16xi32>,
        tpu.vector_store_idx %arg44[%get3A_197], %broadcast_in_dim3A_12 {add = true} : memref<10240xf32, #tpu.memory_space<vmem>>[vector<16xi32>], vector<16xf32>,
        %add3A_198 = arith.constant 4 : i32
        %add3A_199 = arith.addi %add3A_113, %add3A_198 : i32
        %lt3A_200 = arith.cmpi slt, %add3A_199, %add3A_16 : i32
        %convert_element_type3A_201 = arith.extui %lt3A_200 : i1 to i32
        %cond3A_202 = arith.constant 0 : i32
        %cond3A_203 = arith.cmpi ne, %convert_element_type3A_201, %cond3A_202 : i32
        scf.if %cond3A_203 {
          %add3A_204 = arith.constant 4 : i32
          %add3A_205 = arith.addi %add3A_113, %add3A_204 : i32
          %mul3A_206 = arith.constant 32 : i32
          %mul3A_207 = arith.muli %add3A_205, %mul3A_206 : i32
          %add3A_208 = arith.addi %add3A, %mul3A_207 : i32
          %mul3A_209 = arith.constant 128 : i32
          %mul3A_210 = arith.muli %add3A_208, %mul3A_209 : i32
          %dma_start3A_211 = tpu.memref_slice %arg3[%mul3A_210] : memref<640000xi32, #tpu.memory_space<hbm>> -> memref<128xi32, #tpu.memory_space<hbm>>
          %dma_start3A_212 = tpu.memref_slice %arg3[%mul3A_210] : memref<640000xi32, #tpu.memory_space<hbm>> -> memref<128xi32, #tpu.memory_space<hbm>>
          tpu.enqueue_dma source(%dma_start3A_212 : memref<128xi32, #tpu.memory_space<hbm>>) target(%arg11 : memref<128xi32, #tpu.memory_space<vmem>>) target_semaphore(%arg32 : memref<!tpu.dma_semaphore, #tpu.memory_space<semaphore_mem>>)
          %add3A_213 = arith.constant 320000 : i32
          %add3A_214 = arith.addi %add3A_213, %mul3A_210 : i32
          %dma_start3A_215 = tpu.memref_slice %arg3[%add3A_214] : memref<640000xi32, #tpu.memory_space<hbm>> -> memref<128xi32, #tpu.memory_space<hbm>>
          %dma_start3A_216 = tpu.memref_slice %arg3[%add3A_214] : memref<640000xi32, #tpu.memory_space<hbm>> -> memref<128xi32, #tpu.memory_space<hbm>>
          tpu.enqueue_dma source(%dma_start3A_216 : memref<128xi32, #tpu.memory_space<hbm>>) target(%arg19 : memref<128xi32, #tpu.memory_space<vmem>>) target_semaphore(%arg32 : memref<!tpu.dma_semaphore, #tpu.memory_space<semaphore_mem>>)
        } else {
        }
      } else {
      }
      %add3A_115 = arith.constant 1 : i32
      %add3A_116 = arith.addi %mul3A_108, %add3A_115 : i32
      %lt3A_117 = arith.cmpi slt, %add3A_116, %add3A_16 : i32
      %add3A_118 = arith.constant 1 : i32
      %add3A_119 = arith.addi %mul3A_108, %add3A_118 : i32
      %convert_element_type3A_120 = arith.extui %lt3A_117 : i1 to i32
      %cond3A_121 = arith.constant 0 : i32
      %cond3A_122 = arith.cmpi ne, %convert_element_type3A_120, %cond3A_121 : i32
      scf.if %cond3A_122 {
        %add3A_171 = arith.constant 1 : i32
        %add3A_172 = arith.addi %add3A_119, %add3A_171 : i32
        %lt3A_173 = arith.cmpi slt, %add3A_172, %add3A_16 : i32
        %convert_element_type3A_174 = arith.extui %lt3A_173 : i1 to i32
        %cond3A_175 = arith.constant 0 : i32
        %cond3A_176 = arith.cmpi ne, %convert_element_type3A_174, %cond3A_175 : i32
        scf.if %cond3A_176 {
          %add3A_204 = arith.constant 1 : i32
          %add3A_205 = arith.addi %add3A_119, %add3A_204 : i32
          %mul3A_206 = arith.constant 32 : i32
          %mul3A_207 = arith.muli %add3A_205, %mul3A_206 : i32
          %add3A_208 = arith.addi %add3A, %mul3A_207 : i32
          %mul3A_209 = arith.constant 128 : i32
          %mul3A_210 = arith.muli %add3A_208, %mul3A_209 : i32
          %dma_wait3A_211 = tpu.memref_slice %arg3[%mul3A_210] : memref<640000xi32, #tpu.memory_space<hbm>> -> memref<128xi32, #tpu.memory_space<hbm>>
          %dma_wait3A_212 = tpu.memref_slice %arg3[%mul3A_210] : memref<640000xi32, #tpu.memory_space<hbm>> -> memref<128xi32, #tpu.memory_space<hbm>>
          tpu.wait_dma2 semaphore(%arg30 : memref<!tpu.dma_semaphore, #tpu.memory_space<semaphore_mem>>) src(%dma_wait3A_212 : memref<128xi32, #tpu.memory_space<hbm>>) dst(%arg9 : memref<128xi32, #tpu.memory_space<vmem>>)
          %add3A_213 = arith.constant 320000 : i32
          %add3A_214 = arith.addi %add3A_213, %mul3A_210 : i32
          %dma_wait3A_215 = tpu.memref_slice %arg3[%add3A_214] : memref<640000xi32, #tpu.memory_space<hbm>> -> memref<128xi32, #tpu.memory_space<hbm>>
          %dma_wait3A_216 = tpu.memref_slice %arg3[%add3A_214] : memref<640000xi32, #tpu.memory_space<hbm>> -> memref<128xi32, #tpu.memory_space<hbm>>
          tpu.wait_dma2 semaphore(%arg30 : memref<!tpu.dma_semaphore, #tpu.memory_space<semaphore_mem>>) src(%dma_wait3A_216 : memref<128xi32, #tpu.memory_space<hbm>>) dst(%arg17 : memref<128xi32, #tpu.memory_space<vmem>>)
          %add3A_217 = arith.constant 1 : i32
          %add3A_218 = arith.addi %add3A_119, %add3A_217 : i32
          %ge3A = arith.constant 4 : i32
          %ge3A_219 = arith.cmpi sge, %add3A_218, %ge3A : i32
          %convert_element_type3A_220 = arith.extui %ge3A_219 : i1 to i32
          %cond3A_221 = arith.constant 0 : i32
          %cond3A_222 = arith.cmpi ne, %convert_element_type3A_220, %cond3A_221 : i32
          scf.if %cond3A_222 {
            %dma_wait3A_226 = arith.constant 0 : i32
            %dma_wait3A_227 = arith.constant 0 : i32
            %dma_wait3A_228 = tpu.memref_slice %arg27[%dma_wait3A_226, %dma_wait3A_227] : memref<10240x32xf32, #tpu.memory_space<vmem_shared>> -> memref<10240x32xf32, #tpu.memory_space<vmem_shared>>
            tpu.wait_indirect_dma semaphore(%arg42 : memref<!tpu.dma_semaphore, #tpu.memory_space<semaphore_mem>>) src(%arg25 : memref<128x32xf32, #tpu.memory_space<vmem>>) dst(%dma_wait3A_228 : memref<10240x32xf32, #tpu.memory_space<vmem_shared>>)
          } else {
          }
          %dma_start3A_223 = arith.constant 0 : i32
          %dma_start3A_224 = arith.constant 0 : i32
          %dma_start3A_225 = tpu.memref_slice %arg2[%dma_start3A_223, %dma_start3A_224] : memref<10000x32xf32, #tpu.memory_space<hbm>> -> memref<10000x32xf32, #tpu.memory_space<hbm>>
          tpu.enqueue_indirect_dma source(%dma_start3A_225 : memref<10000x32xf32, #tpu.memory_space<hbm>>) target(%arg25 : memref<128x32xf32, #tpu.memory_space<vmem>>) offsets(%arg9 : memref<128xi32, #tpu.memory_space<vmem>>) semaphore(%arg38 : memref<!tpu.dma_semaphore, #tpu.memory_space<semaphore_mem>>)
        } else {
        }
        %dma_wait3A_177 = arith.constant 0 : i32
        %dma_wait3A_178 = arith.constant 0 : i32
        %dma_wait3A_179 = tpu.memref_slice %arg2[%dma_wait3A_177, %dma_wait3A_178] : memref<10000x32xf32, #tpu.memory_space<hbm>> -> memref<10000x32xf32, #tpu.memory_space<hbm>>
        tpu.wait_indirect_dma semaphore(%arg37 : memref<!tpu.dma_semaphore, #tpu.memory_space<semaphore_mem>>) src(%dma_wait3A_179 : memref<10000x32xf32, #tpu.memory_space<hbm>>) dst(%arg24 : memref<128x32xf32, #tpu.memory_space<vmem>>)
        %dma_start3A_180 = arith.constant 0 : i32
        %dma_start3A_181 = arith.constant 0 : i32
        %dma_start3A_182 = tpu.memref_slice %arg27[%dma_start3A_180, %dma_start3A_181] : memref<10240x32xf32, #tpu.memory_space<vmem_shared>> -> memref<10240x32xf32, #tpu.memory_space<vmem_shared>>
        tpu.enqueue_indirect_dma source(%arg24 : memref<128x32xf32, #tpu.memory_space<vmem>>) target(%dma_start3A_182 : memref<10240x32xf32, #tpu.memory_space<vmem_shared>>) offsets(%arg16 : memref<128xi32, #tpu.memory_space<vmem>>) semaphore(%arg41 : memref<!tpu.dma_semaphore, #tpu.memory_space<semaphore_mem>>) {add = true}
        %get3A = arith.constant 0 : index
        %get3A_183 = tpu.vector_load %arg16[%get3A] {strides = array<i32>} : memref<128xi32, #tpu.memory_space<vmem>>, vector<16xi32>,
        tpu.vector_store_idx %arg44[%get3A_183], %broadcast_in_dim3A_12 {add = true} : memref<10240xf32, #tpu.memory_space<vmem>>[vector<16xi32>], vector<16xf32>,
        %get3A_184 = arith.constant 16 : index
        %get3A_185 = tpu.vector_load %arg16[%get3A_184] {strides = array<i32>} : memref<128xi32, #tpu.memory_space<vmem>>, vector<16xi32>,
        tpu.vector_store_idx %arg44[%get3A_185], %broadcast_in_dim3A_12 {add = true} : memref<10240xf32, #tpu.memory_space<vmem>>[vector<16xi32>], vector<16xf32>,
        %get3A_186 = arith.constant 32 : index
        %get3A_187 = tpu.vector_load %arg16[%get3A_186] {strides = array<i32>} : memref<128xi32, #tpu.memory_space<vmem>>, vector<16xi32>,
        tpu.vector_store_idx %arg44[%get3A_187], %broadcast_in_dim3A_12 {add = true} : memref<10240xf32, #tpu.memory_space<vmem>>[vector<16xi32>], vector<16xf32>,
        %get3A_188 = arith.constant 48 : index
        %get3A_189 = tpu.vector_load %arg16[%get3A_188] {strides = array<i32>} : memref<128xi32, #tpu.memory_space<vmem>>, vector<16xi32>,
        tpu.vector_store_idx %arg44[%get3A_189], %broadcast_in_dim3A_12 {add = true} : memref<10240xf32, #tpu.memory_space<vmem>>[vector<16xi32>], vector<16xf32>,
        %get3A_190 = arith.constant 64 : index
        %get3A_191 = tpu.vector_load %arg16[%get3A_190] {strides = array<i32>} : memref<128xi32, #tpu.memory_space<vmem>>, vector<16xi32>,
        tpu.vector_store_idx %arg44[%get3A_191], %broadcast_in_dim3A_12 {add = true} : memref<10240xf32, #tpu.memory_space<vmem>>[vector<16xi32>], vector<16xf32>,
        %get3A_192 = arith.constant 80 : index
        %get3A_193 = tpu.vector_load %arg16[%get3A_192] {strides = array<i32>} : memref<128xi32, #tpu.memory_space<vmem>>, vector<16xi32>,
        tpu.vector_store_idx %arg44[%get3A_193], %broadcast_in_dim3A_12 {add = true} : memref<10240xf32, #tpu.memory_space<vmem>>[vector<16xi32>], vector<16xf32>,
        %get3A_194 = arith.constant 96 : index
        %get3A_195 = tpu.vector_load %arg16[%get3A_194] {strides = array<i32>} : memref<128xi32, #tpu.memory_space<vmem>>, vector<16xi32>,
        tpu.vector_store_idx %arg44[%get3A_195], %broadcast_in_dim3A_12 {add = true} : memref<10240xf32, #tpu.memory_space<vmem>>[vector<16xi32>], vector<16xf32>,
        %get3A_196 = arith.constant 112 : index
        %get3A_197 = tpu.vector_load %arg16[%get3A_196] {strides = array<i32>} : memref<128xi32, #tpu.memory_space<vmem>>, vector<16xi32>,
        tpu.vector_store_idx %arg44[%get3A_197], %broadcast_in_dim3A_12 {add = true} : memref<10240xf32, #tpu.memory_space<vmem>>[vector<16xi32>], vector<16xf32>,
        %add3A_198 = arith.constant 4 : i32
        %add3A_199 = arith.addi %add3A_119, %add3A_198 : i32
        %lt3A_200 = arith.cmpi slt, %add3A_199, %add3A_16 : i32
        %convert_element_type3A_201 = arith.extui %lt3A_200 : i1 to i32
        %cond3A_202 = arith.constant 0 : i32
        %cond3A_203 = arith.cmpi ne, %convert_element_type3A_201, %cond3A_202 : i32
        scf.if %cond3A_203 {
          %add3A_204 = arith.constant 4 : i32
          %add3A_205 = arith.addi %add3A_119, %add3A_204 : i32
          %mul3A_206 = arith.constant 32 : i32
          %mul3A_207 = arith.muli %add3A_205, %mul3A_206 : i32
          %add3A_208 = arith.addi %add3A, %mul3A_207 : i32
          %mul3A_209 = arith.constant 128 : i32
          %mul3A_210 = arith.muli %add3A_208, %mul3A_209 : i32
          %dma_start3A_211 = tpu.memref_slice %arg3[%mul3A_210] : memref<640000xi32, #tpu.memory_space<hbm>> -> memref<128xi32, #tpu.memory_space<hbm>>
          %dma_start3A_212 = tpu.memref_slice %arg3[%mul3A_210] : memref<640000xi32, #tpu.memory_space<hbm>> -> memref<128xi32, #tpu.memory_space<hbm>>
          tpu.enqueue_dma source(%dma_start3A_212 : memref<128xi32, #tpu.memory_space<hbm>>) target(%arg12 : memref<128xi32, #tpu.memory_space<vmem>>) target_semaphore(%arg33 : memref<!tpu.dma_semaphore, #tpu.memory_space<semaphore_mem>>)
          %add3A_213 = arith.constant 320000 : i32
          %add3A_214 = arith.addi %add3A_213, %mul3A_210 : i32
          %dma_start3A_215 = tpu.memref_slice %arg3[%add3A_214] : memref<640000xi32, #tpu.memory_space<hbm>> -> memref<128xi32, #tpu.memory_space<hbm>>
          %dma_start3A_216 = tpu.memref_slice %arg3[%add3A_214] : memref<640000xi32, #tpu.memory_space<hbm>> -> memref<128xi32, #tpu.memory_space<hbm>>
          tpu.enqueue_dma source(%dma_start3A_216 : memref<128xi32, #tpu.memory_space<hbm>>) target(%arg20 : memref<128xi32, #tpu.memory_space<vmem>>) target_semaphore(%arg33 : memref<!tpu.dma_semaphore, #tpu.memory_space<semaphore_mem>>)
        } else {
        }
      } else {
      }
      %add3A_123 = arith.constant 2 : i32
      %add3A_124 = arith.addi %mul3A_108, %add3A_123 : i32
      %lt3A_125 = arith.cmpi slt, %add3A_124, %add3A_16 : i32
      %add3A_126 = arith.constant 2 : i32
      %add3A_127 = arith.addi %mul3A_108, %add3A_126 : i32
      %convert_element_type3A_128 = arith.extui %lt3A_125 : i1 to i32
      %cond3A_129 = arith.constant 0 : i32
      %cond3A_130 = arith.cmpi ne, %convert_element_type3A_128, %cond3A_129 : i32
      scf.if %cond3A_130 {
        %add3A_171 = arith.constant 1 : i32
        %add3A_172 = arith.addi %add3A_127, %add3A_171 : i32
        %lt3A_173 = arith.cmpi slt, %add3A_172, %add3A_16 : i32
        %convert_element_type3A_174 = arith.extui %lt3A_173 : i1 to i32
        %cond3A_175 = arith.constant 0 : i32
        %cond3A_176 = arith.cmpi ne, %convert_element_type3A_174, %cond3A_175 : i32
        scf.if %cond3A_176 {
          %add3A_204 = arith.constant 1 : i32
          %add3A_205 = arith.addi %add3A_127, %add3A_204 : i32
          %mul3A_206 = arith.constant 32 : i32
          %mul3A_207 = arith.muli %add3A_205, %mul3A_206 : i32
          %add3A_208 = arith.addi %add3A, %mul3A_207 : i32
          %mul3A_209 = arith.constant 128 : i32
          %mul3A_210 = arith.muli %add3A_208, %mul3A_209 : i32
          %dma_wait3A_211 = tpu.memref_slice %arg3[%mul3A_210] : memref<640000xi32, #tpu.memory_space<hbm>> -> memref<128xi32, #tpu.memory_space<hbm>>
          %dma_wait3A_212 = tpu.memref_slice %arg3[%mul3A_210] : memref<640000xi32, #tpu.memory_space<hbm>> -> memref<128xi32, #tpu.memory_space<hbm>>
          tpu.wait_dma2 semaphore(%arg31 : memref<!tpu.dma_semaphore, #tpu.memory_space<semaphore_mem>>) src(%dma_wait3A_212 : memref<128xi32, #tpu.memory_space<hbm>>) dst(%arg10 : memref<128xi32, #tpu.memory_space<vmem>>)
          %add3A_213 = arith.constant 320000 : i32
          %add3A_214 = arith.addi %add3A_213, %mul3A_210 : i32
          %dma_wait3A_215 = tpu.memref_slice %arg3[%add3A_214] : memref<640000xi32, #tpu.memory_space<hbm>> -> memref<128xi32, #tpu.memory_space<hbm>>
          %dma_wait3A_216 = tpu.memref_slice %arg3[%add3A_214] : memref<640000xi32, #tpu.memory_space<hbm>> -> memref<128xi32, #tpu.memory_space<hbm>>
          tpu.wait_dma2 semaphore(%arg31 : memref<!tpu.dma_semaphore, #tpu.memory_space<semaphore_mem>>) src(%dma_wait3A_216 : memref<128xi32, #tpu.memory_space<hbm>>) dst(%arg18 : memref<128xi32, #tpu.memory_space<vmem>>)
          %add3A_217 = arith.constant 1 : i32
          %add3A_218 = arith.addi %add3A_127, %add3A_217 : i32
          %ge3A = arith.constant 4 : i32
          %ge3A_219 = arith.cmpi sge, %add3A_218, %ge3A : i32
          %convert_element_type3A_220 = arith.extui %ge3A_219 : i1 to i32
          %cond3A_221 = arith.constant 0 : i32
          %cond3A_222 = arith.cmpi ne, %convert_element_type3A_220, %cond3A_221 : i32
          scf.if %cond3A_222 {
            %dma_wait3A_226 = arith.constant 0 : i32
            %dma_wait3A_227 = arith.constant 0 : i32
            %dma_wait3A_228 = tpu.memref_slice %arg27[%dma_wait3A_226, %dma_wait3A_227] : memref<10240x32xf32, #tpu.memory_space<vmem_shared>> -> memref<10240x32xf32, #tpu.memory_space<vmem_shared>>
            tpu.wait_indirect_dma semaphore(%arg43 : memref<!tpu.dma_semaphore, #tpu.memory_space<semaphore_mem>>) src(%arg26 : memref<128x32xf32, #tpu.memory_space<vmem>>) dst(%dma_wait3A_228 : memref<10240x32xf32, #tpu.memory_space<vmem_shared>>)
          } else {
          }
          %dma_start3A_223 = arith.constant 0 : i32
          %dma_start3A_224 = arith.constant 0 : i32
          %dma_start3A_225 = tpu.memref_slice %arg2[%dma_start3A_223, %dma_start3A_224] : memref<10000x32xf32, #tpu.memory_space<hbm>> -> memref<10000x32xf32, #tpu.memory_space<hbm>>
          tpu.enqueue_indirect_dma source(%dma_start3A_225 : memref<10000x32xf32, #tpu.memory_space<hbm>>) target(%arg26 : memref<128x32xf32, #tpu.memory_space<vmem>>) offsets(%arg10 : memref<128xi32, #tpu.memory_space<vmem>>) semaphore(%arg39 : memref<!tpu.dma_semaphore, #tpu.memory_space<semaphore_mem>>)
        } else {
        }
        %dma_wait3A_177 = arith.constant 0 : i32
        %dma_wait3A_178 = arith.constant 0 : i32
        %dma_wait3A_179 = tpu.memref_slice %arg2[%dma_wait3A_177, %dma_wait3A_178] : memref<10000x32xf32, #tpu.memory_space<hbm>> -> memref<10000x32xf32, #tpu.memory_space<hbm>>
        tpu.wait_indirect_dma semaphore(%arg38 : memref<!tpu.dma_semaphore, #tpu.memory_space<semaphore_mem>>) src(%dma_wait3A_179 : memref<10000x32xf32, #tpu.memory_space<hbm>>) dst(%arg25 : memref<128x32xf32, #tpu.memory_space<vmem>>)
        %dma_start3A_180 = arith.constant 0 : i32
        %dma_start3A_181 = arith.constant 0 : i32
        %dma_start3A_182 = tpu.memref_slice %arg27[%dma_start3A_180, %dma_start3A_181] : memref<10240x32xf32, #tpu.memory_space<vmem_shared>> -> memref<10240x32xf32, #tpu.memory_space<vmem_shared>>
        tpu.enqueue_indirect_dma source(%arg25 : memref<128x32xf32, #tpu.memory_space<vmem>>) target(%dma_start3A_182 : memref<10240x32xf32, #tpu.memory_space<vmem_shared>>) offsets(%arg17 : memref<128xi32, #tpu.memory_space<vmem>>) semaphore(%arg42 : memref<!tpu.dma_semaphore, #tpu.memory_space<semaphore_mem>>) {add = true}
        %get3A = arith.constant 0 : index
        %get3A_183 = tpu.vector_load %arg17[%get3A] {strides = array<i32>} : memref<128xi32, #tpu.memory_space<vmem>>, vector<16xi32>,
        tpu.vector_store_idx %arg44[%get3A_183], %broadcast_in_dim3A_12 {add = true} : memref<10240xf32, #tpu.memory_space<vmem>>[vector<16xi32>], vector<16xf32>,
        %get3A_184 = arith.constant 16 : index
        %get3A_185 = tpu.vector_load %arg17[%get3A_184] {strides = array<i32>} : memref<128xi32, #tpu.memory_space<vmem>>, vector<16xi32>,
        tpu.vector_store_idx %arg44[%get3A_185], %broadcast_in_dim3A_12 {add = true} : memref<10240xf32, #tpu.memory_space<vmem>>[vector<16xi32>], vector<16xf32>,
        %get3A_186 = arith.constant 32 : index
        %get3A_187 = tpu.vector_load %arg17[%get3A_186] {strides = array<i32>} : memref<128xi32, #tpu.memory_space<vmem>>, vector<16xi32>,
        tpu.vector_store_idx %arg44[%get3A_187], %broadcast_in_dim3A_12 {add = true} : memref<10240xf32, #tpu.memory_space<vmem>>[vector<16xi32>], vector<16xf32>,
        %get3A_188 = arith.constant 48 : index
        %get3A_189 = tpu.vector_load %arg17[%get3A_188] {strides = array<i32>} : memref<128xi32, #tpu.memory_space<vmem>>, vector<16xi32>,
        tpu.vector_store_idx %arg44[%get3A_189], %broadcast_in_dim3A_12 {add = true} : memref<10240xf32, #tpu.memory_space<vmem>>[vector<16xi32>], vector<16xf32>,
        %get3A_190 = arith.constant 64 : index
        %get3A_191 = tpu.vector_load %arg17[%get3A_190] {strides = array<i32>} : memref<128xi32, #tpu.memory_space<vmem>>, vector<16xi32>,
        tpu.vector_store_idx %arg44[%get3A_191], %broadcast_in_dim3A_12 {add = true} : memref<10240xf32, #tpu.memory_space<vmem>>[vector<16xi32>], vector<16xf32>,
        %get3A_192 = arith.constant 80 : index
        %get3A_193 = tpu.vector_load %arg17[%get3A_192] {strides = array<i32>} : memref<128xi32, #tpu.memory_space<vmem>>, vector<16xi32>,
        tpu.vector_store_idx %arg44[%get3A_193], %broadcast_in_dim3A_12 {add = true} : memref<10240xf32, #tpu.memory_space<vmem>>[vector<16xi32>], vector<16xf32>,
        %get3A_194 = arith.constant 96 : index
        %get3A_195 = tpu.vector_load %arg17[%get3A_194] {strides = array<i32>} : memref<128xi32, #tpu.memory_space<vmem>>, vector<16xi32>,
        tpu.vector_store_idx %arg44[%get3A_195], %broadcast_in_dim3A_12 {add = true} : memref<10240xf32, #tpu.memory_space<vmem>>[vector<16xi32>], vector<16xf32>,
        %get3A_196 = arith.constant 112 : index
        %get3A_197 = tpu.vector_load %arg17[%get3A_196] {strides = array<i32>} : memref<128xi32, #tpu.memory_space<vmem>>, vector<16xi32>,
        tpu.vector_store_idx %arg44[%get3A_197], %broadcast_in_dim3A_12 {add = true} : memref<10240xf32, #tpu.memory_space<vmem>>[vector<16xi32>], vector<16xf32>,
        %add3A_198 = arith.constant 4 : i32
        %add3A_199 = arith.addi %add3A_127, %add3A_198 : i32
        %lt3A_200 = arith.cmpi slt, %add3A_199, %add3A_16 : i32
        %convert_element_type3A_201 = arith.extui %lt3A_200 : i1 to i32
        %cond3A_202 = arith.constant 0 : i32
        %cond3A_203 = arith.cmpi ne, %convert_element_type3A_201, %cond3A_202 : i32
        scf.if %cond3A_203 {
          %add3A_204 = arith.constant 4 : i32
          %add3A_205 = arith.addi %add3A_127, %add3A_204 : i32
          %mul3A_206 = arith.constant 32 : i32
          %mul3A_207 = arith.muli %add3A_205, %mul3A_206 : i32
          %add3A_208 = arith.addi %add3A, %mul3A_207 : i32
          %mul3A_209 = arith.constant 128 : i32
          %mul3A_210 = arith.muli %add3A_208, %mul3A_209 : i32
          %dma_start3A_211 = tpu.memref_slice %arg3[%mul3A_210] : memref<640000xi32, #tpu.memory_space<hbm>> -> memref<128xi32, #tpu.memory_space<hbm>>
          %dma_start3A_212 = tpu.memref_slice %arg3[%mul3A_210] : memref<640000xi32, #tpu.memory_space<hbm>> -> memref<128xi32, #tpu.memory_space<hbm>>
          tpu.enqueue_dma source(%dma_start3A_212 : memref<128xi32, #tpu.memory_space<hbm>>) target(%arg13 : memref<128xi32, #tpu.memory_space<vmem>>) target_semaphore(%arg34 : memref<!tpu.dma_semaphore, #tpu.memory_space<semaphore_mem>>)
          %add3A_213 = arith.constant 320000 : i32
          %add3A_214 = arith.addi %add3A_213, %mul3A_210 : i32
          %dma_start3A_215 = tpu.memref_slice %arg3[%add3A_214] : memref<640000xi32, #tpu.memory_space<hbm>> -> memref<128xi32, #tpu.memory_space<hbm>>
          %dma_start3A_216 = tpu.memref_slice %arg3[%add3A_214] : memref<640000xi32, #tpu.memory_space<hbm>> -> memref<128xi32, #tpu.memory_space<hbm>>
          tpu.enqueue_dma source(%dma_start3A_216 : memref<128xi32, #tpu.memory_space<hbm>>) target(%arg21 : memref<128xi32, #tpu.memory_space<vmem>>) target_semaphore(%arg34 : memref<!tpu.dma_semaphore, #tpu.memory_space<semaphore_mem>>)
        } else {
        }
      } else {
      }
      %add3A_131 = arith.constant 3 : i32
      %add3A_132 = arith.addi %mul3A_108, %add3A_131 : i32
      %lt3A_133 = arith.cmpi slt, %add3A_132, %add3A_16 : i32
      %add3A_134 = arith.constant 3 : i32
      %add3A_135 = arith.addi %mul3A_108, %add3A_134 : i32
      %convert_element_type3A_136 = arith.extui %lt3A_133 : i1 to i32
      %cond3A_137 = arith.constant 0 : i32
      %cond3A_138 = arith.cmpi ne, %convert_element_type3A_136, %cond3A_137 : i32
      scf.if %cond3A_138 {
        %add3A_171 = arith.constant 1 : i32
        %add3A_172 = arith.addi %add3A_135, %add3A_171 : i32
        %lt3A_173 = arith.cmpi slt, %add3A_172, %add3A_16 : i32
        %convert_element_type3A_174 = arith.extui %lt3A_173 : i1 to i32
        %cond3A_175 = arith.constant 0 : i32
        %cond3A_176 = arith.cmpi ne, %convert_element_type3A_174, %cond3A_175 : i32
        scf.if %cond3A_176 {
          %add3A_204 = arith.constant 1 : i32
          %add3A_205 = arith.addi %add3A_135, %add3A_204 : i32
          %mul3A_206 = arith.constant 32 : i32
          %mul3A_207 = arith.muli %add3A_205, %mul3A_206 : i32
          %add3A_208 = arith.addi %add3A, %mul3A_207 : i32
          %mul3A_209 = arith.constant 128 : i32
          %mul3A_210 = arith.muli %add3A_208, %mul3A_209 : i32
          %dma_wait3A_211 = tpu.memref_slice %arg3[%mul3A_210] : memref<640000xi32, #tpu.memory_space<hbm>> -> memref<128xi32, #tpu.memory_space<hbm>>
          %dma_wait3A_212 = tpu.memref_slice %arg3[%mul3A_210] : memref<640000xi32, #tpu.memory_space<hbm>> -> memref<128xi32, #tpu.memory_space<hbm>>
          tpu.wait_dma2 semaphore(%arg32 : memref<!tpu.dma_semaphore, #tpu.memory_space<semaphore_mem>>) src(%dma_wait3A_212 : memref<128xi32, #tpu.memory_space<hbm>>) dst(%arg11 : memref<128xi32, #tpu.memory_space<vmem>>)
          %add3A_213 = arith.constant 320000 : i32
          %add3A_214 = arith.addi %add3A_213, %mul3A_210 : i32
          %dma_wait3A_215 = tpu.memref_slice %arg3[%add3A_214] : memref<640000xi32, #tpu.memory_space<hbm>> -> memref<128xi32, #tpu.memory_space<hbm>>
          %dma_wait3A_216 = tpu.memref_slice %arg3[%add3A_214] : memref<640000xi32, #tpu.memory_space<hbm>> -> memref<128xi32, #tpu.memory_space<hbm>>
          tpu.wait_dma2 semaphore(%arg32 : memref<!tpu.dma_semaphore, #tpu.memory_space<semaphore_mem>>) src(%dma_wait3A_216 : memref<128xi32, #tpu.memory_space<hbm>>) dst(%arg19 : memref<128xi32, #tpu.memory_space<vmem>>)
          %add3A_217 = arith.constant 1 : i32
          %add3A_218 = arith.addi %add3A_135, %add3A_217 : i32
          %ge3A = arith.constant 4 : i32
          %ge3A_219 = arith.cmpi sge, %add3A_218, %ge3A : i32
          %convert_element_type3A_220 = arith.extui %ge3A_219 : i1 to i32
          %cond3A_221 = arith.constant 0 : i32
          %cond3A_222 = arith.cmpi ne, %convert_element_type3A_220, %cond3A_221 : i32
          scf.if %cond3A_222 {
            %dma_wait3A_226 = arith.constant 0 : i32
            %dma_wait3A_227 = arith.constant 0 : i32
            %dma_wait3A_228 = tpu.memref_slice %arg27[%dma_wait3A_226, %dma_wait3A_227] : memref<10240x32xf32, #tpu.memory_space<vmem_shared>> -> memref<10240x32xf32, #tpu.memory_space<vmem_shared>>
            tpu.wait_indirect_dma semaphore(%arg40 : memref<!tpu.dma_semaphore, #tpu.memory_space<semaphore_mem>>) src(%arg23 : memref<128x32xf32, #tpu.memory_space<vmem>>) dst(%dma_wait3A_228 : memref<10240x32xf32, #tpu.memory_space<vmem_shared>>)
          } else {
          }
          %dma_start3A_223 = arith.constant 0 : i32
          %dma_start3A_224 = arith.constant 0 : i32
          %dma_start3A_225 = tpu.memref_slice %arg2[%dma_start3A_223, %dma_start3A_224] : memref<10000x32xf32, #tpu.memory_space<hbm>> -> memref<10000x32xf32, #tpu.memory_space<hbm>>
          tpu.enqueue_indirect_dma source(%dma_start3A_225 : memref<10000x32xf32, #tpu.memory_space<hbm>>) target(%arg23 : memref<128x32xf32, #tpu.memory_space<vmem>>) offsets(%arg11 : memref<128xi32, #tpu.memory_space<vmem>>) semaphore(%arg36 : memref<!tpu.dma_semaphore, #tpu.memory_space<semaphore_mem>>)
        } else {
        }
        %dma_wait3A_177 = arith.constant 0 : i32
        %dma_wait3A_178 = arith.constant 0 : i32
        %dma_wait3A_179 = tpu.memref_slice %arg2[%dma_wait3A_177, %dma_wait3A_178] : memref<10000x32xf32, #tpu.memory_space<hbm>> -> memref<10000x32xf32, #tpu.memory_space<hbm>>
        tpu.wait_indirect_dma semaphore(%arg39 : memref<!tpu.dma_semaphore, #tpu.memory_space<semaphore_mem>>) src(%dma_wait3A_179 : memref<10000x32xf32, #tpu.memory_space<hbm>>) dst(%arg26 : memref<128x32xf32, #tpu.memory_space<vmem>>)
        %dma_start3A_180 = arith.constant 0 : i32
        %dma_start3A_181 = arith.constant 0 : i32
        %dma_start3A_182 = tpu.memref_slice %arg27[%dma_start3A_180, %dma_start3A_181] : memref<10240x32xf32, #tpu.memory_space<vmem_shared>> -> memref<10240x32xf32, #tpu.memory_space<vmem_shared>>
        tpu.enqueue_indirect_dma source(%arg26 : memref<128x32xf32, #tpu.memory_space<vmem>>) target(%dma_start3A_182 : memref<10240x32xf32, #tpu.memory_space<vmem_shared>>) offsets(%arg18 : memref<128xi32, #tpu.memory_space<vmem>>) semaphore(%arg43 : memref<!tpu.dma_semaphore, #tpu.memory_space<semaphore_mem>>) {add = true}
        %get3A = arith.constant 0 : index
        %get3A_183 = tpu.vector_load %arg18[%get3A] {strides = array<i32>} : memref<128xi32, #tpu.memory_space<vmem>>, vector<16xi32>,
        tpu.vector_store_idx %arg44[%get3A_183], %broadcast_in_dim3A_12 {add = true} : memref<10240xf32, #tpu.memory_space<vmem>>[vector<16xi32>], vector<16xf32>,
        %get3A_184 = arith.constant 16 : index
        %get3A_185 = tpu.vector_load %arg18[%get3A_184] {strides = array<i32>} : memref<128xi32, #tpu.memory_space<vmem>>, vector<16xi32>,
        tpu.vector_store_idx %arg44[%get3A_185], %broadcast_in_dim3A_12 {add = true} : memref<10240xf32, #tpu.memory_space<vmem>>[vector<16xi32>], vector<16xf32>,
        %get3A_186 = arith.constant 32 : index
        %get3A_187 = tpu.vector_load %arg18[%get3A_186] {strides = array<i32>} : memref<128xi32, #tpu.memory_space<vmem>>, vector<16xi32>,
        tpu.vector_store_idx %arg44[%get3A_187], %broadcast_in_dim3A_12 {add = true} : memref<10240xf32, #tpu.memory_space<vmem>>[vector<16xi32>], vector<16xf32>,
        %get3A_188 = arith.constant 48 : index
        %get3A_189 = tpu.vector_load %arg18[%get3A_188] {strides = array<i32>} : memref<128xi32, #tpu.memory_space<vmem>>, vector<16xi32>,
        tpu.vector_store_idx %arg44[%get3A_189], %broadcast_in_dim3A_12 {add = true} : memref<10240xf32, #tpu.memory_space<vmem>>[vector<16xi32>], vector<16xf32>,
        %get3A_190 = arith.constant 64 : index
        %get3A_191 = tpu.vector_load %arg18[%get3A_190] {strides = array<i32>} : memref<128xi32, #tpu.memory_space<vmem>>, vector<16xi32>,
        tpu.vector_store_idx %arg44[%get3A_191], %broadcast_in_dim3A_12 {add = true} : memref<10240xf32, #tpu.memory_space<vmem>>[vector<16xi32>], vector<16xf32>,
        %get3A_192 = arith.constant 80 : index
        %get3A_193 = tpu.vector_load %arg18[%get3A_192] {strides = array<i32>} : memref<128xi32, #tpu.memory_space<vmem>>, vector<16xi32>,
        tpu.vector_store_idx %arg44[%get3A_193], %broadcast_in_dim3A_12 {add = true} : memref<10240xf32, #tpu.memory_space<vmem>>[vector<16xi32>], vector<16xf32>,
        %get3A_194 = arith.constant 96 : index
        %get3A_195 = tpu.vector_load %arg18[%get3A_194] {strides = array<i32>} : memref<128xi32, #tpu.memory_space<vmem>>, vector<16xi32>,
        tpu.vector_store_idx %arg44[%get3A_195], %broadcast_in_dim3A_12 {add = true} : memref<10240xf32, #tpu.memory_space<vmem>>[vector<16xi32>], vector<16xf32>,
        %get3A_196 = arith.constant 112 : index
        %get3A_197 = tpu.vector_load %arg18[%get3A_196] {strides = array<i32>} : memref<128xi32, #tpu.memory_space<vmem>>, vector<16xi32>,
        tpu.vector_store_idx %arg44[%get3A_197], %broadcast_in_dim3A_12 {add = true} : memref<10240xf32, #tpu.memory_space<vmem>>[vector<16xi32>], vector<16xf32>,
        %add3A_198 = arith.constant 4 : i32
        %add3A_199 = arith.addi %add3A_135, %add3A_198 : i32
        %lt3A_200 = arith.cmpi slt, %add3A_199, %add3A_16 : i32
        %convert_element_type3A_201 = arith.extui %lt3A_200 : i1 to i32
        %cond3A_202 = arith.constant 0 : i32
        %cond3A_203 = arith.cmpi ne, %convert_element_type3A_201, %cond3A_202 : i32
        scf.if %cond3A_203 {
          %add3A_204 = arith.constant 4 : i32
          %add3A_205 = arith.addi %add3A_135, %add3A_204 : i32
          %mul3A_206 = arith.constant 32 : i32
          %mul3A_207 = arith.muli %add3A_205, %mul3A_206 : i32
          %add3A_208 = arith.addi %add3A, %mul3A_207 : i32
          %mul3A_209 = arith.constant 128 : i32
          %mul3A_210 = arith.muli %add3A_208, %mul3A_209 : i32
          %dma_start3A_211 = tpu.memref_slice %arg3[%mul3A_210] : memref<640000xi32, #tpu.memory_space<hbm>> -> memref<128xi32, #tpu.memory_space<hbm>>
          %dma_start3A_212 = tpu.memref_slice %arg3[%mul3A_210] : memref<640000xi32, #tpu.memory_space<hbm>> -> memref<128xi32, #tpu.memory_space<hbm>>
          tpu.enqueue_dma source(%dma_start3A_212 : memref<128xi32, #tpu.memory_space<hbm>>) target(%arg14 : memref<128xi32, #tpu.memory_space<vmem>>) target_semaphore(%arg35 : memref<!tpu.dma_semaphore, #tpu.memory_space<semaphore_mem>>)
          %add3A_213 = arith.constant 320000 : i32
          %add3A_214 = arith.addi %add3A_213, %mul3A_210 : i32
          %dma_start3A_215 = tpu.memref_slice %arg3[%add3A_214] : memref<640000xi32, #tpu.memory_space<hbm>> -> memref<128xi32, #tpu.memory_space<hbm>>
          %dma_start3A_216 = tpu.memref_slice %arg3[%add3A_214] : memref<640000xi32, #tpu.memory_space<hbm>> -> memref<128xi32, #tpu.memory_space<hbm>>
          tpu.enqueue_dma source(%dma_start3A_216 : memref<128xi32, #tpu.memory_space<hbm>>) target(%arg22 : memref<128xi32, #tpu.memory_space<vmem>>) target_semaphore(%arg35 : memref<!tpu.dma_semaphore, #tpu.memory_space<semaphore_mem>>)
        } else {
        }
      } else {
      }
      %add3A_139 = arith.constant 4 : i32
      %add3A_140 = arith.addi %mul3A_108, %add3A_139 : i32
      %lt3A_141 = arith.cmpi slt, %add3A_140, %add3A_16 : i32
      %add3A_142 = arith.constant 4 : i32
      %add3A_143 = arith.addi %mul3A_108, %add3A_142 : i32
      %convert_element_type3A_144 = arith.extui %lt3A_141 : i1 to i32
      %cond3A_145 = arith.constant 0 : i32
      %cond3A_146 = arith.cmpi ne, %convert_element_type3A_144, %cond3A_145 : i32
      scf.if %cond3A_146 {
        %add3A_171 = arith.constant 1 : i32
        %add3A_172 = arith.addi %add3A_143, %add3A_171 : i32
        %lt3A_173 = arith.cmpi slt, %add3A_172, %add3A_16 : i32
        %convert_element_type3A_174 = arith.extui %lt3A_173 : i1 to i32
        %cond3A_175 = arith.constant 0 : i32
        %cond3A_176 = arith.cmpi ne, %convert_element_type3A_174, %cond3A_175 : i32
        scf.if %cond3A_176 {
          %add3A_204 = arith.constant 1 : i32
          %add3A_205 = arith.addi %add3A_143, %add3A_204 : i32
          %mul3A_206 = arith.constant 32 : i32
          %mul3A_207 = arith.muli %add3A_205, %mul3A_206 : i32
          %add3A_208 = arith.addi %add3A, %mul3A_207 : i32
          %mul3A_209 = arith.constant 128 : i32
          %mul3A_210 = arith.muli %add3A_208, %mul3A_209 : i32
          %dma_wait3A_211 = tpu.memref_slice %arg3[%mul3A_210] : memref<640000xi32, #tpu.memory_space<hbm>> -> memref<128xi32, #tpu.memory_space<hbm>>
          %dma_wait3A_212 = tpu.memref_slice %arg3[%mul3A_210] : memref<640000xi32, #tpu.memory_space<hbm>> -> memref<128xi32, #tpu.memory_space<hbm>>
          tpu.wait_dma2 semaphore(%arg33 : memref<!tpu.dma_semaphore, #tpu.memory_space<semaphore_mem>>) src(%dma_wait3A_212 : memref<128xi32, #tpu.memory_space<hbm>>) dst(%arg12 : memref<128xi32, #tpu.memory_space<vmem>>)
          %add3A_213 = arith.constant 320000 : i32
          %add3A_214 = arith.addi %add3A_213, %mul3A_210 : i32
          %dma_wait3A_215 = tpu.memref_slice %arg3[%add3A_214] : memref<640000xi32, #tpu.memory_space<hbm>> -> memref<128xi32, #tpu.memory_space<hbm>>
          %dma_wait3A_216 = tpu.memref_slice %arg3[%add3A_214] : memref<640000xi32, #tpu.memory_space<hbm>> -> memref<128xi32, #tpu.memory_space<hbm>>
          tpu.wait_dma2 semaphore(%arg33 : memref<!tpu.dma_semaphore, #tpu.memory_space<semaphore_mem>>) src(%dma_wait3A_216 : memref<128xi32, #tpu.memory_space<hbm>>) dst(%arg20 : memref<128xi32, #tpu.memory_space<vmem>>)
          %add3A_217 = arith.constant 1 : i32
          %add3A_218 = arith.addi %add3A_143, %add3A_217 : i32
          %ge3A = arith.constant 4 : i32
          %ge3A_219 = arith.cmpi sge, %add3A_218, %ge3A : i32
          %convert_element_type3A_220 = arith.extui %ge3A_219 : i1 to i32
          %cond3A_221 = arith.constant 0 : i32
          %cond3A_222 = arith.cmpi ne, %convert_element_type3A_220, %cond3A_221 : i32
          scf.if %cond3A_222 {
            %dma_wait3A_226 = arith.constant 0 : i32
            %dma_wait3A_227 = arith.constant 0 : i32
            %dma_wait3A_228 = tpu.memref_slice %arg27[%dma_wait3A_226, %dma_wait3A_227] : memref<10240x32xf32, #tpu.memory_space<vmem_shared>> -> memref<10240x32xf32, #tpu.memory_space<vmem_shared>>
            tpu.wait_indirect_dma semaphore(%arg41 : memref<!tpu.dma_semaphore, #tpu.memory_space<semaphore_mem>>) src(%arg24 : memref<128x32xf32, #tpu.memory_space<vmem>>) dst(%dma_wait3A_228 : memref<10240x32xf32, #tpu.memory_space<vmem_shared>>)
          } else {
          }
          %dma_start3A_223 = arith.constant 0 : i32
          %dma_start3A_224 = arith.constant 0 : i32
          %dma_start3A_225 = tpu.memref_slice %arg2[%dma_start3A_223, %dma_start3A_224] : memref<10000x32xf32, #tpu.memory_space<hbm>> -> memref<10000x32xf32, #tpu.memory_space<hbm>>
          tpu.enqueue_indirect_dma source(%dma_start3A_225 : memref<10000x32xf32, #tpu.memory_space<hbm>>) target(%arg24 : memref<128x32xf32, #tpu.memory_space<vmem>>) offsets(%arg12 : memref<128xi32, #tpu.memory_space<vmem>>) semaphore(%arg37 : memref<!tpu.dma_semaphore, #tpu.memory_space<semaphore_mem>>)
        } else {
        }
        %dma_wait3A_177 = arith.constant 0 : i32
        %dma_wait3A_178 = arith.constant 0 : i32
        %dma_wait3A_179 = tpu.memref_slice %arg2[%dma_wait3A_177, %dma_wait3A_178] : memref<10000x32xf32, #tpu.memory_space<hbm>> -> memref<10000x32xf32, #tpu.memory_space<hbm>>
        tpu.wait_indirect_dma semaphore(%arg36 : memref<!tpu.dma_semaphore, #tpu.memory_space<semaphore_mem>>) src(%dma_wait3A_179 : memref<10000x32xf32, #tpu.memory_space<hbm>>) dst(%arg23 : memref<128x32xf32, #tpu.memory_space<vmem>>)
        %dma_start3A_180 = arith.constant 0 : i32
        %dma_start3A_181 = arith.constant 0 : i32
        %dma_start3A_182 = tpu.memref_slice %arg27[%dma_start3A_180, %dma_start3A_181] : memref<10240x32xf32, #tpu.memory_space<vmem_shared>> -> memref<10240x32xf32, #tpu.memory_space<vmem_shared>>
        tpu.enqueue_indirect_dma source(%arg23 : memref<128x32xf32, #tpu.memory_space<vmem>>) target(%dma_start3A_182 : memref<10240x32xf32, #tpu.memory_space<vmem_shared>>) offsets(%arg19 : memref<128xi32, #tpu.memory_space<vmem>>) semaphore(%arg40 : memref<!tpu.dma_semaphore, #tpu.memory_space<semaphore_mem>>) {add = true}
        %get3A = arith.constant 0 : index
        %get3A_183 = tpu.vector_load %arg19[%get3A] {strides = array<i32>} : memref<128xi32, #tpu.memory_space<vmem>>, vector<16xi32>,
        tpu.vector_store_idx %arg44[%get3A_183], %broadcast_in_dim3A_12 {add = true} : memref<10240xf32, #tpu.memory_space<vmem>>[vector<16xi32>], vector<16xf32>,
        %get3A_184 = arith.constant 16 : index
        %get3A_185 = tpu.vector_load %arg19[%get3A_184] {strides = array<i32>} : memref<128xi32, #tpu.memory_space<vmem>>, vector<16xi32>,
        tpu.vector_store_idx %arg44[%get3A_185], %broadcast_in_dim3A_12 {add = true} : memref<10240xf32, #tpu.memory_space<vmem>>[vector<16xi32>], vector<16xf32>,
        %get3A_186 = arith.constant 32 : index
        %get3A_187 = tpu.vector_load %arg19[%get3A_186] {strides = array<i32>} : memref<128xi32, #tpu.memory_space<vmem>>, vector<16xi32>,
        tpu.vector_store_idx %arg44[%get3A_187], %broadcast_in_dim3A_12 {add = true} : memref<10240xf32, #tpu.memory_space<vmem>>[vector<16xi32>], vector<16xf32>,
        %get3A_188 = arith.constant 48 : index
        %get3A_189 = tpu.vector_load %arg19[%get3A_188] {strides = array<i32>} : memref<128xi32, #tpu.memory_space<vmem>>, vector<16xi32>,
        tpu.vector_store_idx %arg44[%get3A_189], %broadcast_in_dim3A_12 {add = true} : memref<10240xf32, #tpu.memory_space<vmem>>[vector<16xi32>], vector<16xf32>,
        %get3A_190 = arith.constant 64 : index
        %get3A_191 = tpu.vector_load %arg19[%get3A_190] {strides = array<i32>} : memref<128xi32, #tpu.memory_space<vmem>>, vector<16xi32>,
        tpu.vector_store_idx %arg44[%get3A_191], %broadcast_in_dim3A_12 {add = true} : memref<10240xf32, #tpu.memory_space<vmem>>[vector<16xi32>], vector<16xf32>,
        %get3A_192 = arith.constant 80 : index
        %get3A_193 = tpu.vector_load %arg19[%get3A_192] {strides = array<i32>} : memref<128xi32, #tpu.memory_space<vmem>>, vector<16xi32>,
        tpu.vector_store_idx %arg44[%get3A_193], %broadcast_in_dim3A_12 {add = true} : memref<10240xf32, #tpu.memory_space<vmem>>[vector<16xi32>], vector<16xf32>,
        %get3A_194 = arith.constant 96 : index
        %get3A_195 = tpu.vector_load %arg19[%get3A_194] {strides = array<i32>} : memref<128xi32, #tpu.memory_space<vmem>>, vector<16xi32>,
        tpu.vector_store_idx %arg44[%get3A_195], %broadcast_in_dim3A_12 {add = true} : memref<10240xf32, #tpu.memory_space<vmem>>[vector<16xi32>], vector<16xf32>,
        %get3A_196 = arith.constant 112 : index
        %get3A_197 = tpu.vector_load %arg19[%get3A_196] {strides = array<i32>} : memref<128xi32, #tpu.memory_space<vmem>>, vector<16xi32>,
        tpu.vector_store_idx %arg44[%get3A_197], %broadcast_in_dim3A_12 {add = true} : memref<10240xf32, #tpu.memory_space<vmem>>[vector<16xi32>], vector<16xf32>,
        %add3A_198 = arith.constant 4 : i32
        %add3A_199 = arith.addi %add3A_143, %add3A_198 : i32
        %lt3A_200 = arith.cmpi slt, %add3A_199, %add3A_16 : i32
        %convert_element_type3A_201 = arith.extui %lt3A_200 : i1 to i32
        %cond3A_202 = arith.constant 0 : i32
        %cond3A_203 = arith.cmpi ne, %convert_element_type3A_201, %cond3A_202 : i32
        scf.if %cond3A_203 {
          %add3A_204 = arith.constant 4 : i32
          %add3A_205 = arith.addi %add3A_143, %add3A_204 : i32
          %mul3A_206 = arith.constant 32 : i32
          %mul3A_207 = arith.muli %add3A_205, %mul3A_206 : i32
          %add3A_208 = arith.addi %add3A, %mul3A_207 : i32
          %mul3A_209 = arith.constant 128 : i32
          %mul3A_210 = arith.muli %add3A_208, %mul3A_209 : i32
          %dma_start3A_211 = tpu.memref_slice %arg3[%mul3A_210] : memref<640000xi32, #tpu.memory_space<hbm>> -> memref<128xi32, #tpu.memory_space<hbm>>
          %dma_start3A_212 = tpu.memref_slice %arg3[%mul3A_210] : memref<640000xi32, #tpu.memory_space<hbm>> -> memref<128xi32, #tpu.memory_space<hbm>>
          tpu.enqueue_dma source(%dma_start3A_212 : memref<128xi32, #tpu.memory_space<hbm>>) target(%arg7 : memref<128xi32, #tpu.memory_space<vmem>>) target_semaphore(%arg28 : memref<!tpu.dma_semaphore, #tpu.memory_space<semaphore_mem>>)
          %add3A_213 = arith.constant 320000 : i32
          %add3A_214 = arith.addi %add3A_213, %mul3A_210 : i32
          %dma_start3A_215 = tpu.memref_slice %arg3[%add3A_214] : memref<640000xi32, #tpu.memory_space<hbm>> -> memref<128xi32, #tpu.memory_space<hbm>>
          %dma_start3A_216 = tpu.memref_slice %arg3[%add3A_214] : memref<640000xi32, #tpu.memory_space<hbm>> -> memref<128xi32, #tpu.memory_space<hbm>>
          tpu.enqueue_dma source(%dma_start3A_216 : memref<128xi32, #tpu.memory_space<hbm>>) target(%arg15 : memref<128xi32, #tpu.memory_space<vmem>>) target_semaphore(%arg28 : memref<!tpu.dma_semaphore, #tpu.memory_space<semaphore_mem>>)
        } else {
        }
      } else {
      }
      %add3A_147 = arith.constant 5 : i32
      %add3A_148 = arith.addi %mul3A_108, %add3A_147 : i32
      %lt3A_149 = arith.cmpi slt, %add3A_148, %add3A_16 : i32
      %add3A_150 = arith.constant 5 : i32
      %add3A_151 = arith.addi %mul3A_108, %add3A_150 : i32
      %convert_element_type3A_152 = arith.extui %lt3A_149 : i1 to i32
      %cond3A_153 = arith.constant 0 : i32
      %cond3A_154 = arith.cmpi ne, %convert_element_type3A_152, %cond3A_153 : i32
      scf.if %cond3A_154 {
        %add3A_171 = arith.constant 1 : i32
        %add3A_172 = arith.addi %add3A_151, %add3A_171 : i32
        %lt3A_173 = arith.cmpi slt, %add3A_172, %add3A_16 : i32
        %convert_element_type3A_174 = arith.extui %lt3A_173 : i1 to i32
        %cond3A_175 = arith.constant 0 : i32
        %cond3A_176 = arith.cmpi ne, %convert_element_type3A_174, %cond3A_175 : i32
        scf.if %cond3A_176 {
          %add3A_204 = arith.constant 1 : i32
          %add3A_205 = arith.addi %add3A_151, %add3A_204 : i32
          %mul3A_206 = arith.constant 32 : i32
          %mul3A_207 = arith.muli %add3A_205, %mul3A_206 : i32
          %add3A_208 = arith.addi %add3A, %mul3A_207 : i32
          %mul3A_209 = arith.constant 128 : i32
          %mul3A_210 = arith.muli %add3A_208, %mul3A_209 : i32
          %dma_wait3A_211 = tpu.memref_slice %arg3[%mul3A_210] : memref<640000xi32, #tpu.memory_space<hbm>> -> memref<128xi32, #tpu.memory_space<hbm>>
          %dma_wait3A_212 = tpu.memref_slice %arg3[%mul3A_210] : memref<640000xi32, #tpu.memory_space<hbm>> -> memref<128xi32, #tpu.memory_space<hbm>>
          tpu.wait_dma2 semaphore(%arg34 : memref<!tpu.dma_semaphore, #tpu.memory_space<semaphore_mem>>) src(%dma_wait3A_212 : memref<128xi32, #tpu.memory_space<hbm>>) dst(%arg13 : memref<128xi32, #tpu.memory_space<vmem>>)
          %add3A_213 = arith.constant 320000 : i32
          %add3A_214 = arith.addi %add3A_213, %mul3A_210 : i32
          %dma_wait3A_215 = tpu.memref_slice %arg3[%add3A_214] : memref<640000xi32, #tpu.memory_space<hbm>> -> memref<128xi32, #tpu.memory_space<hbm>>
          %dma_wait3A_216 = tpu.memref_slice %arg3[%add3A_214] : memref<640000xi32, #tpu.memory_space<hbm>> -> memref<128xi32, #tpu.memory_space<hbm>>
          tpu.wait_dma2 semaphore(%arg34 : memref<!tpu.dma_semaphore, #tpu.memory_space<semaphore_mem>>) src(%dma_wait3A_216 : memref<128xi32, #tpu.memory_space<hbm>>) dst(%arg21 : memref<128xi32, #tpu.memory_space<vmem>>)
          %add3A_217 = arith.constant 1 : i32
          %add3A_218 = arith.addi %add3A_151, %add3A_217 : i32
          %ge3A = arith.constant 4 : i32
          %ge3A_219 = arith.cmpi sge, %add3A_218, %ge3A : i32
          %convert_element_type3A_220 = arith.extui %ge3A_219 : i1 to i32
          %cond3A_221 = arith.constant 0 : i32
          %cond3A_222 = arith.cmpi ne, %convert_element_type3A_220, %cond3A_221 : i32
          scf.if %cond3A_222 {
            %dma_wait3A_226 = arith.constant 0 : i32
            %dma_wait3A_227 = arith.constant 0 : i32
            %dma_wait3A_228 = tpu.memref_slice %arg27[%dma_wait3A_226, %dma_wait3A_227] : memref<10240x32xf32, #tpu.memory_space<vmem_shared>> -> memref<10240x32xf32, #tpu.memory_space<vmem_shared>>
            tpu.wait_indirect_dma semaphore(%arg42 : memref<!tpu.dma_semaphore, #tpu.memory_space<semaphore_mem>>) src(%arg25 : memref<128x32xf32, #tpu.memory_space<vmem>>) dst(%dma_wait3A_228 : memref<10240x32xf32, #tpu.memory_space<vmem_shared>>)
          } else {
          }
          %dma_start3A_223 = arith.constant 0 : i32
          %dma_start3A_224 = arith.constant 0 : i32
          %dma_start3A_225 = tpu.memref_slice %arg2[%dma_start3A_223, %dma_start3A_224] : memref<10000x32xf32, #tpu.memory_space<hbm>> -> memref<10000x32xf32, #tpu.memory_space<hbm>>
          tpu.enqueue_indirect_dma source(%dma_start3A_225 : memref<10000x32xf32, #tpu.memory_space<hbm>>) target(%arg25 : memref<128x32xf32, #tpu.memory_space<vmem>>) offsets(%arg13 : memref<128xi32, #tpu.memory_space<vmem>>) semaphore(%arg38 : memref<!tpu.dma_semaphore, #tpu.memory_space<semaphore_mem>>)
        } else {
        }
        %dma_wait3A_177 = arith.constant 0 : i32
        %dma_wait3A_178 = arith.constant 0 : i32
        %dma_wait3A_179 = tpu.memref_slice %arg2[%dma_wait3A_177, %dma_wait3A_178] : memref<10000x32xf32, #tpu.memory_space<hbm>> -> memref<10000x32xf32, #tpu.memory_space<hbm>>
        tpu.wait_indirect_dma semaphore(%arg37 : memref<!tpu.dma_semaphore, #tpu.memory_space<semaphore_mem>>) src(%dma_wait3A_179 : memref<10000x32xf32, #tpu.memory_space<hbm>>) dst(%arg24 : memref<128x32xf32, #tpu.memory_space<vmem>>)
        %dma_start3A_180 = arith.constant 0 : i32
        %dma_start3A_181 = arith.constant 0 : i32
        %dma_start3A_182 = tpu.memref_slice %arg27[%dma_start3A_180, %dma_start3A_181] : memref<10240x32xf32, #tpu.memory_space<vmem_shared>> -> memref<10240x32xf32, #tpu.memory_space<vmem_shared>>
        tpu.enqueue_indirect_dma source(%arg24 : memref<128x32xf32, #tpu.memory_space<vmem>>) target(%dma_start3A_182 : memref<10240x32xf32, #tpu.memory_space<vmem_shared>>) offsets(%arg20 : memref<128xi32, #tpu.memory_space<vmem>>) semaphore(%arg41 : memref<!tpu.dma_semaphore, #tpu.memory_space<semaphore_mem>>) {add = true}
        %get3A = arith.constant 0 : index
        %get3A_183 = tpu.vector_load %arg20[%get3A] {strides = array<i32>} : memref<128xi32, #tpu.memory_space<vmem>>, vector<16xi32>,
        tpu.vector_store_idx %arg44[%get3A_183], %broadcast_in_dim3A_12 {add = true} : memref<10240xf32, #tpu.memory_space<vmem>>[vector<16xi32>], vector<16xf32>,
        %get3A_184 = arith.constant 16 : index
        %get3A_185 = tpu.vector_load %arg20[%get3A_184] {strides = array<i32>} : memref<128xi32, #tpu.memory_space<vmem>>, vector<16xi32>,
        tpu.vector_store_idx %arg44[%get3A_185], %broadcast_in_dim3A_12 {add = true} : memref<10240xf32, #tpu.memory_space<vmem>>[vector<16xi32>], vector<16xf32>,
        %get3A_186 = arith.constant 32 : index
        %get3A_187 = tpu.vector_load %arg20[%get3A_186] {strides = array<i32>} : memref<128xi32, #tpu.memory_space<vmem>>, vector<16xi32>,
        tpu.vector_store_idx %arg44[%get3A_187], %broadcast_in_dim3A_12 {add = true} : memref<10240xf32, #tpu.memory_space<vmem>>[vector<16xi32>], vector<16xf32>,
        %get3A_188 = arith.constant 48 : index
        %get3A_189 = tpu.vector_load %arg20[%get3A_188] {strides = array<i32>} : memref<128xi32, #tpu.memory_space<vmem>>, vector<16xi32>,
        tpu.vector_store_idx %arg44[%get3A_189], %broadcast_in_dim3A_12 {add = true} : memref<10240xf32, #tpu.memory_space<vmem>>[vector<16xi32>], vector<16xf32>,
        %get3A_190 = arith.constant 64 : index
        %get3A_191 = tpu.vector_load %arg20[%get3A_190] {strides = array<i32>} : memref<128xi32, #tpu.memory_space<vmem>>, vector<16xi32>,
        tpu.vector_store_idx %arg44[%get3A_191], %broadcast_in_dim3A_12 {add = true} : memref<10240xf32, #tpu.memory_space<vmem>>[vector<16xi32>], vector<16xf32>,
        %get3A_192 = arith.constant 80 : index
        %get3A_193 = tpu.vector_load %arg20[%get3A_192] {strides = array<i32>} : memref<128xi32, #tpu.memory_space<vmem>>, vector<16xi32>,
        tpu.vector_store_idx %arg44[%get3A_193], %broadcast_in_dim3A_12 {add = true} : memref<10240xf32, #tpu.memory_space<vmem>>[vector<16xi32>], vector<16xf32>,
        %get3A_194 = arith.constant 96 : index
        %get3A_195 = tpu.vector_load %arg20[%get3A_194] {strides = array<i32>} : memref<128xi32, #tpu.memory_space<vmem>>, vector<16xi32>,
        tpu.vector_store_idx %arg44[%get3A_195], %broadcast_in_dim3A_12 {add = true} : memref<10240xf32, #tpu.memory_space<vmem>>[vector<16xi32>], vector<16xf32>,
        %get3A_196 = arith.constant 112 : index
        %get3A_197 = tpu.vector_load %arg20[%get3A_196] {strides = array<i32>} : memref<128xi32, #tpu.memory_space<vmem>>, vector<16xi32>,
        tpu.vector_store_idx %arg44[%get3A_197], %broadcast_in_dim3A_12 {add = true} : memref<10240xf32, #tpu.memory_space<vmem>>[vector<16xi32>], vector<16xf32>,
        %add3A_198 = arith.constant 4 : i32
        %add3A_199 = arith.addi %add3A_151, %add3A_198 : i32
        %lt3A_200 = arith.cmpi slt, %add3A_199, %add3A_16 : i32
        %convert_element_type3A_201 = arith.extui %lt3A_200 : i1 to i32
        %cond3A_202 = arith.constant 0 : i32
        %cond3A_203 = arith.cmpi ne, %convert_element_type3A_201, %cond3A_202 : i32
        scf.if %cond3A_203 {
          %add3A_204 = arith.constant 4 : i32
          %add3A_205 = arith.addi %add3A_151, %add3A_204 : i32
          %mul3A_206 = arith.constant 32 : i32
          %mul3A_207 = arith.muli %add3A_205, %mul3A_206 : i32
          %add3A_208 = arith.addi %add3A, %mul3A_207 : i32
          %mul3A_209 = arith.constant 128 : i32
          %mul3A_210 = arith.muli %add3A_208, %mul3A_209 : i32
          %dma_start3A_211 = tpu.memref_slice %arg3[%mul3A_210] : memref<640000xi32, #tpu.memory_space<hbm>> -> memref<128xi32, #tpu.memory_space<hbm>>
          %dma_start3A_212 = tpu.memref_slice %arg3[%mul3A_210] : memref<640000xi32, #tpu.memory_space<hbm>> -> memref<128xi32, #tpu.memory_space<hbm>>
          tpu.enqueue_dma source(%dma_start3A_212 : memref<128xi32, #tpu.memory_space<hbm>>) target(%arg8 : memref<128xi32, #tpu.memory_space<vmem>>) target_semaphore(%arg29 : memref<!tpu.dma_semaphore, #tpu.memory_space<semaphore_mem>>)
          %add3A_213 = arith.constant 320000 : i32
          %add3A_214 = arith.addi %add3A_213, %mul3A_210 : i32
          %dma_start3A_215 = tpu.memref_slice %arg3[%add3A_214] : memref<640000xi32, #tpu.memory_space<hbm>> -> memref<128xi32, #tpu.memory_space<hbm>>
          %dma_start3A_216 = tpu.memref_slice %arg3[%add3A_214] : memref<640000xi32, #tpu.memory_space<hbm>> -> memref<128xi32, #tpu.memory_space<hbm>>
          tpu.enqueue_dma source(%dma_start3A_216 : memref<128xi32, #tpu.memory_space<hbm>>) target(%arg16 : memref<128xi32, #tpu.memory_space<vmem>>) target_semaphore(%arg29 : memref<!tpu.dma_semaphore, #tpu.memory_space<semaphore_mem>>)
        } else {
        }
      } else {
      }
      %add3A_155 = arith.constant 6 : i32
      %add3A_156 = arith.addi %mul3A_108, %add3A_155 : i32
      %lt3A_157 = arith.cmpi slt, %add3A_156, %add3A_16 : i32
      %add3A_158 = arith.constant 6 : i32
      %add3A_159 = arith.addi %mul3A_108, %add3A_158 : i32
      %convert_element_type3A_160 = arith.extui %lt3A_157 : i1 to i32
      %cond3A_161 = arith.constant 0 : i32
      %cond3A_162 = arith.cmpi ne, %convert_element_type3A_160, %cond3A_161 : i32
      scf.if %cond3A_162 {
        %add3A_171 = arith.constant 1 : i32
        %add3A_172 = arith.addi %add3A_159, %add3A_171 : i32
        %lt3A_173 = arith.cmpi slt, %add3A_172, %add3A_16 : i32
        %convert_element_type3A_174 = arith.extui %lt3A_173 : i1 to i32
        %cond3A_175 = arith.constant 0 : i32
        %cond3A_176 = arith.cmpi ne, %convert_element_type3A_174, %cond3A_175 : i32
        scf.if %cond3A_176 {
          %add3A_204 = arith.constant 1 : i32
          %add3A_205 = arith.addi %add3A_159, %add3A_204 : i32
          %mul3A_206 = arith.constant 32 : i32
          %mul3A_207 = arith.muli %add3A_205, %mul3A_206 : i32
          %add3A_208 = arith.addi %add3A, %mul3A_207 : i32
          %mul3A_209 = arith.constant 128 : i32
          %mul3A_210 = arith.muli %add3A_208, %mul3A_209 : i32
          %dma_wait3A_211 = tpu.memref_slice %arg3[%mul3A_210] : memref<640000xi32, #tpu.memory_space<hbm>> -> memref<128xi32, #tpu.memory_space<hbm>>
          %dma_wait3A_212 = tpu.memref_slice %arg3[%mul3A_210] : memref<640000xi32, #tpu.memory_space<hbm>> -> memref<128xi32, #tpu.memory_space<hbm>>
          tpu.wait_dma2 semaphore(%arg35 : memref<!tpu.dma_semaphore, #tpu.memory_space<semaphore_mem>>) src(%dma_wait3A_212 : memref<128xi32, #tpu.memory_space<hbm>>) dst(%arg14 : memref<128xi32, #tpu.memory_space<vmem>>)
          %add3A_213 = arith.constant 320000 : i32
          %add3A_214 = arith.addi %add3A_213, %mul3A_210 : i32
          %dma_wait3A_215 = tpu.memref_slice %arg3[%add3A_214] : memref<640000xi32, #tpu.memory_space<hbm>> -> memref<128xi32, #tpu.memory_space<hbm>>
          %dma_wait3A_216 = tpu.memref_slice %arg3[%add3A_214] : memref<640000xi32, #tpu.memory_space<hbm>> -> memref<128xi32, #tpu.memory_space<hbm>>
          tpu.wait_dma2 semaphore(%arg35 : memref<!tpu.dma_semaphore, #tpu.memory_space<semaphore_mem>>) src(%dma_wait3A_216 : memref<128xi32, #tpu.memory_space<hbm>>) dst(%arg22 : memref<128xi32, #tpu.memory_space<vmem>>)
          %add3A_217 = arith.constant 1 : i32
          %add3A_218 = arith.addi %add3A_159, %add3A_217 : i32
          %ge3A = arith.constant 4 : i32
          %ge3A_219 = arith.cmpi sge, %add3A_218, %ge3A : i32
          %convert_element_type3A_220 = arith.extui %ge3A_219 : i1 to i32
          %cond3A_221 = arith.constant 0 : i32
          %cond3A_222 = arith.cmpi ne, %convert_element_type3A_220, %cond3A_221 : i32
          scf.if %cond3A_222 {
            %dma_wait3A_226 = arith.constant 0 : i32
            %dma_wait3A_227 = arith.constant 0 : i32
            %dma_wait3A_228 = tpu.memref_slice %arg27[%dma_wait3A_226, %dma_wait3A_227] : memref<10240x32xf32, #tpu.memory_space<vmem_shared>> -> memref<10240x32xf32, #tpu.memory_space<vmem_shared>>
            tpu.wait_indirect_dma semaphore(%arg43 : memref<!tpu.dma_semaphore, #tpu.memory_space<semaphore_mem>>) src(%arg26 : memref<128x32xf32, #tpu.memory_space<vmem>>) dst(%dma_wait3A_228 : memref<10240x32xf32, #tpu.memory_space<vmem_shared>>)
          } else {
          }
          %dma_start3A_223 = arith.constant 0 : i32
          %dma_start3A_224 = arith.constant 0 : i32
          %dma_start3A_225 = tpu.memref_slice %arg2[%dma_start3A_223, %dma_start3A_224] : memref<10000x32xf32, #tpu.memory_space<hbm>> -> memref<10000x32xf32, #tpu.memory_space<hbm>>
          tpu.enqueue_indirect_dma source(%dma_start3A_225 : memref<10000x32xf32, #tpu.memory_space<hbm>>) target(%arg26 : memref<128x32xf32, #tpu.memory_space<vmem>>) offsets(%arg14 : memref<128xi32, #tpu.memory_space<vmem>>) semaphore(%arg39 : memref<!tpu.dma_semaphore, #tpu.memory_space<semaphore_mem>>)
        } else {
        }
        %dma_wait3A_177 = arith.constant 0 : i32
        %dma_wait3A_178 = arith.constant 0 : i32
        %dma_wait3A_179 = tpu.memref_slice %arg2[%dma_wait3A_177, %dma_wait3A_178] : memref<10000x32xf32, #tpu.memory_space<hbm>> -> memref<10000x32xf32, #tpu.memory_space<hbm>>
        tpu.wait_indirect_dma semaphore(%arg38 : memref<!tpu.dma_semaphore, #tpu.memory_space<semaphore_mem>>) src(%dma_wait3A_179 : memref<10000x32xf32, #tpu.memory_space<hbm>>) dst(%arg25 : memref<128x32xf32, #tpu.memory_space<vmem>>)
        %dma_start3A_180 = arith.constant 0 : i32
        %dma_start3A_181 = arith.constant 0 : i32
        %dma_start3A_182 = tpu.memref_slice %arg27[%dma_start3A_180, %dma_start3A_181] : memref<10240x32xf32, #tpu.memory_space<vmem_shared>> -> memref<10240x32xf32, #tpu.memory_space<vmem_shared>>
        tpu.enqueue_indirect_dma source(%arg25 : memref<128x32xf32, #tpu.memory_space<vmem>>) target(%dma_start3A_182 : memref<10240x32xf32, #tpu.memory_space<vmem_shared>>) offsets(%arg21 : memref<128xi32, #tpu.memory_space<vmem>>) semaphore(%arg42 : memref<!tpu.dma_semaphore, #tpu.memory_space<semaphore_mem>>) {add = true}
        %get3A = arith.constant 0 : index
        %get3A_183 = tpu.vector_load %arg21[%get3A] {strides = array<i32>} : memref<128xi32, #tpu.memory_space<vmem>>, vector<16xi32>,
        tpu.vector_store_idx %arg44[%get3A_183], %broadcast_in_dim3A_12 {add = true} : memref<10240xf32, #tpu.memory_space<vmem>>[vector<16xi32>], vector<16xf32>,
        %get3A_184 = arith.constant 16 : index
        %get3A_185 = tpu.vector_load %arg21[%get3A_184] {strides = array<i32>} : memref<128xi32, #tpu.memory_space<vmem>>, vector<16xi32>,
        tpu.vector_store_idx %arg44[%get3A_185], %broadcast_in_dim3A_12 {add = true} : memref<10240xf32, #tpu.memory_space<vmem>>[vector<16xi32>], vector<16xf32>,
        %get3A_186 = arith.constant 32 : index
        %get3A_187 = tpu.vector_load %arg21[%get3A_186] {strides = array<i32>} : memref<128xi32, #tpu.memory_space<vmem>>, vector<16xi32>,
        tpu.vector_store_idx %arg44[%get3A_187], %broadcast_in_dim3A_12 {add = true} : memref<10240xf32, #tpu.memory_space<vmem>>[vector<16xi32>], vector<16xf32>,
        %get3A_188 = arith.constant 48 : index
        %get3A_189 = tpu.vector_load %arg21[%get3A_188] {strides = array<i32>} : memref<128xi32, #tpu.memory_space<vmem>>, vector<16xi32>,
        tpu.vector_store_idx %arg44[%get3A_189], %broadcast_in_dim3A_12 {add = true} : memref<10240xf32, #tpu.memory_space<vmem>>[vector<16xi32>], vector<16xf32>,
        %get3A_190 = arith.constant 64 : index
        %get3A_191 = tpu.vector_load %arg21[%get3A_190] {strides = array<i32>} : memref<128xi32, #tpu.memory_space<vmem>>, vector<16xi32>,
        tpu.vector_store_idx %arg44[%get3A_191], %broadcast_in_dim3A_12 {add = true} : memref<10240xf32, #tpu.memory_space<vmem>>[vector<16xi32>], vector<16xf32>,
        %get3A_192 = arith.constant 80 : index
        %get3A_193 = tpu.vector_load %arg21[%get3A_192] {strides = array<i32>} : memref<128xi32, #tpu.memory_space<vmem>>, vector<16xi32>,
        tpu.vector_store_idx %arg44[%get3A_193], %broadcast_in_dim3A_12 {add = true} : memref<10240xf32, #tpu.memory_space<vmem>>[vector<16xi32>], vector<16xf32>,
        %get3A_194 = arith.constant 96 : index
        %get3A_195 = tpu.vector_load %arg21[%get3A_194] {strides = array<i32>} : memref<128xi32, #tpu.memory_space<vmem>>, vector<16xi32>,
        tpu.vector_store_idx %arg44[%get3A_195], %broadcast_in_dim3A_12 {add = true} : memref<10240xf32, #tpu.memory_space<vmem>>[vector<16xi32>], vector<16xf32>,
        %get3A_196 = arith.constant 112 : index
        %get3A_197 = tpu.vector_load %arg21[%get3A_196] {strides = array<i32>} : memref<128xi32, #tpu.memory_space<vmem>>, vector<16xi32>,
        tpu.vector_store_idx %arg44[%get3A_197], %broadcast_in_dim3A_12 {add = true} : memref<10240xf32, #tpu.memory_space<vmem>>[vector<16xi32>], vector<16xf32>,
        %add3A_198 = arith.constant 4 : i32
        %add3A_199 = arith.addi %add3A_159, %add3A_198 : i32
        %lt3A_200 = arith.cmpi slt, %add3A_199, %add3A_16 : i32
        %convert_element_type3A_201 = arith.extui %lt3A_200 : i1 to i32
        %cond3A_202 = arith.constant 0 : i32
        %cond3A_203 = arith.cmpi ne, %convert_element_type3A_201, %cond3A_202 : i32
        scf.if %cond3A_203 {
          %add3A_204 = arith.constant 4 : i32
          %add3A_205 = arith.addi %add3A_159, %add3A_204 : i32
          %mul3A_206 = arith.constant 32 : i32
          %mul3A_207 = arith.muli %add3A_205, %mul3A_206 : i32
          %add3A_208 = arith.addi %add3A, %mul3A_207 : i32
          %mul3A_209 = arith.constant 128 : i32
          %mul3A_210 = arith.muli %add3A_208, %mul3A_209 : i32
          %dma_start3A_211 = tpu.memref_slice %arg3[%mul3A_210] : memref<640000xi32, #tpu.memory_space<hbm>> -> memref<128xi32, #tpu.memory_space<hbm>>
          %dma_start3A_212 = tpu.memref_slice %arg3[%mul3A_210] : memref<640000xi32, #tpu.memory_space<hbm>> -> memref<128xi32, #tpu.memory_space<hbm>>
          tpu.enqueue_dma source(%dma_start3A_212 : memref<128xi32, #tpu.memory_space<hbm>>) target(%arg9 : memref<128xi32, #tpu.memory_space<vmem>>) target_semaphore(%arg30 : memref<!tpu.dma_semaphore, #tpu.memory_space<semaphore_mem>>)
          %add3A_213 = arith.constant 320000 : i32
          %add3A_214 = arith.addi %add3A_213, %mul3A_210 : i32
          %dma_start3A_215 = tpu.memref_slice %arg3[%add3A_214] : memref<640000xi32, #tpu.memory_space<hbm>> -> memref<128xi32, #tpu.memory_space<hbm>>
          %dma_start3A_216 = tpu.memref_slice %arg3[%add3A_214] : memref<640000xi32, #tpu.memory_space<hbm>> -> memref<128xi32, #tpu.memory_space<hbm>>
          tpu.enqueue_dma source(%dma_start3A_216 : memref<128xi32, #tpu.memory_space<hbm>>) target(%arg17 : memref<128xi32, #tpu.memory_space<vmem>>) target_semaphore(%arg30 : memref<!tpu.dma_semaphore, #tpu.memory_space<semaphore_mem>>)
        } else {
        }
      } else {
      }
      %add3A_163 = arith.constant 7 : i32
      %add3A_164 = arith.addi %mul3A_108, %add3A_163 : i32
      %lt3A_165 = arith.cmpi slt, %add3A_164, %add3A_16 : i32
      %add3A_166 = arith.constant 7 : i32
      %add3A_167 = arith.addi %mul3A_108, %add3A_166 : i32
      %convert_element_type3A_168 = arith.extui %lt3A_165 : i1 to i32
      %cond3A_169 = arith.constant 0 : i32
      %cond3A_170 = arith.cmpi ne, %convert_element_type3A_168, %cond3A_169 : i32
      scf.if %cond3A_170 {
        %add3A_171 = arith.constant 1 : i32
        %add3A_172 = arith.addi %add3A_167, %add3A_171 : i32
        %lt3A_173 = arith.cmpi slt, %add3A_172, %add3A_16 : i32
        %convert_element_type3A_174 = arith.extui %lt3A_173 : i1 to i32
        %cond3A_175 = arith.constant 0 : i32
        %cond3A_176 = arith.cmpi ne, %convert_element_type3A_174, %cond3A_175 : i32
        scf.if %cond3A_176 {
          %add3A_204 = arith.constant 1 : i32
          %add3A_205 = arith.addi %add3A_167, %add3A_204 : i32
          %mul3A_206 = arith.constant 32 : i32
          %mul3A_207 = arith.muli %add3A_205, %mul3A_206 : i32
          %add3A_208 = arith.addi %add3A, %mul3A_207 : i32
          %mul3A_209 = arith.constant 128 : i32
          %mul3A_210 = arith.muli %add3A_208, %mul3A_209 : i32
          %dma_wait3A_211 = tpu.memref_slice %arg3[%mul3A_210] : memref<640000xi32, #tpu.memory_space<hbm>> -> memref<128xi32, #tpu.memory_space<hbm>>
          %dma_wait3A_212 = tpu.memref_slice %arg3[%mul3A_210] : memref<640000xi32, #tpu.memory_space<hbm>> -> memref<128xi32, #tpu.memory_space<hbm>>
          tpu.wait_dma2 semaphore(%arg28 : memref<!tpu.dma_semaphore, #tpu.memory_space<semaphore_mem>>) src(%dma_wait3A_212 : memref<128xi32, #tpu.memory_space<hbm>>) dst(%arg7 : memref<128xi32, #tpu.memory_space<vmem>>)
          %add3A_213 = arith.constant 320000 : i32
          %add3A_214 = arith.addi %add3A_213, %mul3A_210 : i32
          %dma_wait3A_215 = tpu.memref_slice %arg3[%add3A_214] : memref<640000xi32, #tpu.memory_space<hbm>> -> memref<128xi32, #tpu.memory_space<hbm>>
          %dma_wait3A_216 = tpu.memref_slice %arg3[%add3A_214] : memref<640000xi32, #tpu.memory_space<hbm>> -> memref<128xi32, #tpu.memory_space<hbm>>
          tpu.wait_dma2 semaphore(%arg28 : memref<!tpu.dma_semaphore, #tpu.memory_space<semaphore_mem>>) src(%dma_wait3A_216 : memref<128xi32, #tpu.memory_space<hbm>>) dst(%arg15 : memref<128xi32, #tpu.memory_space<vmem>>)
          %add3A_217 = arith.constant 1 : i32
          %add3A_218 = arith.addi %add3A_167, %add3A_217 : i32
          %ge3A = arith.constant 4 : i32
          %ge3A_219 = arith.cmpi sge, %add3A_218, %ge3A : i32
          %convert_element_type3A_220 = arith.extui %ge3A_219 : i1 to i32
          %cond3A_221 = arith.constant 0 : i32
          %cond3A_222 = arith.cmpi ne, %convert_element_type3A_220, %cond3A_221 : i32
          scf.if %cond3A_222 {
            %dma_wait3A_226 = arith.constant 0 : i32
            %dma_wait3A_227 = arith.constant 0 : i32
            %dma_wait3A_228 = tpu.memref_slice %arg27[%dma_wait3A_226, %dma_wait3A_227] : memref<10240x32xf32, #tpu.memory_space<vmem_shared>> -> memref<10240x32xf32, #tpu.memory_space<vmem_shared>>
            tpu.wait_indirect_dma semaphore(%arg40 : memref<!tpu.dma_semaphore, #tpu.memory_space<semaphore_mem>>) src(%arg23 : memref<128x32xf32, #tpu.memory_space<vmem>>) dst(%dma_wait3A_228 : memref<10240x32xf32, #tpu.memory_space<vmem_shared>>)
          } else {
          }
          %dma_start3A_223 = arith.constant 0 : i32
          %dma_start3A_224 = arith.constant 0 : i32
          %dma_start3A_225 = tpu.memref_slice %arg2[%dma_start3A_223, %dma_start3A_224] : memref<10000x32xf32, #tpu.memory_space<hbm>> -> memref<10000x32xf32, #tpu.memory_space<hbm>>
          tpu.enqueue_indirect_dma source(%dma_start3A_225 : memref<10000x32xf32, #tpu.memory_space<hbm>>) target(%arg23 : memref<128x32xf32, #tpu.memory_space<vmem>>) offsets(%arg7 : memref<128xi32, #tpu.memory_space<vmem>>) semaphore(%arg36 : memref<!tpu.dma_semaphore, #tpu.memory_space<semaphore_mem>>)
        } else {
        }
        %dma_wait3A_177 = arith.constant 0 : i32
        %dma_wait3A_178 = arith.constant 0 : i32
        %dma_wait3A_179 = tpu.memref_slice %arg2[%dma_wait3A_177, %dma_wait3A_178] : memref<10000x32xf32, #tpu.memory_space<hbm>> -> memref<10000x32xf32, #tpu.memory_space<hbm>>
        tpu.wait_indirect_dma semaphore(%arg39 : memref<!tpu.dma_semaphore, #tpu.memory_space<semaphore_mem>>) src(%dma_wait3A_179 : memref<10000x32xf32, #tpu.memory_space<hbm>>) dst(%arg26 : memref<128x32xf32, #tpu.memory_space<vmem>>)
        %dma_start3A_180 = arith.constant 0 : i32
        %dma_start3A_181 = arith.constant 0 : i32
        %dma_start3A_182 = tpu.memref_slice %arg27[%dma_start3A_180, %dma_start3A_181] : memref<10240x32xf32, #tpu.memory_space<vmem_shared>> -> memref<10240x32xf32, #tpu.memory_space<vmem_shared>>
        tpu.enqueue_indirect_dma source(%arg26 : memref<128x32xf32, #tpu.memory_space<vmem>>) target(%dma_start3A_182 : memref<10240x32xf32, #tpu.memory_space<vmem_shared>>) offsets(%arg22 : memref<128xi32, #tpu.memory_space<vmem>>) semaphore(%arg43 : memref<!tpu.dma_semaphore, #tpu.memory_space<semaphore_mem>>) {add = true}
        %get3A = arith.constant 0 : index
        %get3A_183 = tpu.vector_load %arg22[%get3A] {strides = array<i32>} : memref<128xi32, #tpu.memory_space<vmem>>, vector<16xi32>,
        tpu.vector_store_idx %arg44[%get3A_183], %broadcast_in_dim3A_12 {add = true} : memref<10240xf32, #tpu.memory_space<vmem>>[vector<16xi32>], vector<16xf32>,
        %get3A_184 = arith.constant 16 : index
        %get3A_185 = tpu.vector_load %arg22[%get3A_184] {strides = array<i32>} : memref<128xi32, #tpu.memory_space<vmem>>, vector<16xi32>,
        tpu.vector_store_idx %arg44[%get3A_185], %broadcast_in_dim3A_12 {add = true} : memref<10240xf32, #tpu.memory_space<vmem>>[vector<16xi32>], vector<16xf32>,
        %get3A_186 = arith.constant 32 : index
        %get3A_187 = tpu.vector_load %arg22[%get3A_186] {strides = array<i32>} : memref<128xi32, #tpu.memory_space<vmem>>, vector<16xi32>,
        tpu.vector_store_idx %arg44[%get3A_187], %broadcast_in_dim3A_12 {add = true} : memref<10240xf32, #tpu.memory_space<vmem>>[vector<16xi32>], vector<16xf32>,
        %get3A_188 = arith.constant 48 : index
        %get3A_189 = tpu.vector_load %arg22[%get3A_188] {strides = array<i32>} : memref<128xi32, #tpu.memory_space<vmem>>, vector<16xi32>,
        tpu.vector_store_idx %arg44[%get3A_189], %broadcast_in_dim3A_12 {add = true} : memref<10240xf32, #tpu.memory_space<vmem>>[vector<16xi32>], vector<16xf32>,
        %get3A_190 = arith.constant 64 : index
        %get3A_191 = tpu.vector_load %arg22[%get3A_190] {strides = array<i32>} : memref<128xi32, #tpu.memory_space<vmem>>, vector<16xi32>,
        tpu.vector_store_idx %arg44[%get3A_191], %broadcast_in_dim3A_12 {add = true} : memref<10240xf32, #tpu.memory_space<vmem>>[vector<16xi32>], vector<16xf32>,
        %get3A_192 = arith.constant 80 : index
        %get3A_193 = tpu.vector_load %arg22[%get3A_192] {strides = array<i32>} : memref<128xi32, #tpu.memory_space<vmem>>, vector<16xi32>,
        tpu.vector_store_idx %arg44[%get3A_193], %broadcast_in_dim3A_12 {add = true} : memref<10240xf32, #tpu.memory_space<vmem>>[vector<16xi32>], vector<16xf32>,
        %get3A_194 = arith.constant 96 : index
        %get3A_195 = tpu.vector_load %arg22[%get3A_194] {strides = array<i32>} : memref<128xi32, #tpu.memory_space<vmem>>, vector<16xi32>,
        tpu.vector_store_idx %arg44[%get3A_195], %broadcast_in_dim3A_12 {add = true} : memref<10240xf32, #tpu.memory_space<vmem>>[vector<16xi32>], vector<16xf32>,
        %get3A_196 = arith.constant 112 : index
        %get3A_197 = tpu.vector_load %arg22[%get3A_196] {strides = array<i32>} : memref<128xi32, #tpu.memory_space<vmem>>, vector<16xi32>,
        tpu.vector_store_idx %arg44[%get3A_197], %broadcast_in_dim3A_12 {add = true} : memref<10240xf32, #tpu.memory_space<vmem>>[vector<16xi32>], vector<16xf32>,
        %add3A_198 = arith.constant 4 : i32
        %add3A_199 = arith.addi %add3A_167, %add3A_198 : i32
        %lt3A_200 = arith.cmpi slt, %add3A_199, %add3A_16 : i32
        %convert_element_type3A_201 = arith.extui %lt3A_200 : i1 to i32
        %cond3A_202 = arith.constant 0 : i32
        %cond3A_203 = arith.cmpi ne, %convert_element_type3A_201, %cond3A_202 : i32
        scf.if %cond3A_203 {
          %add3A_204 = arith.constant 4 : i32
          %add3A_205 = arith.addi %add3A_167, %add3A_204 : i32
          %mul3A_206 = arith.constant 32 : i32
          %mul3A_207 = arith.muli %add3A_205, %mul3A_206 : i32
          %add3A_208 = arith.addi %add3A, %mul3A_207 : i32
          %mul3A_209 = arith.constant 128 : i32
          %mul3A_210 = arith.muli %add3A_208, %mul3A_209 : i32
          %dma_start3A_211 = tpu.memref_slice %arg3[%mul3A_210] : memref<640000xi32, #tpu.memory_space<hbm>> -> memref<128xi32, #tpu.memory_space<hbm>>
          %dma_start3A_212 = tpu.memref_slice %arg3[%mul3A_210] : memref<640000xi32, #tpu.memory_space<hbm>> -> memref<128xi32, #tpu.memory_space<hbm>>
          tpu.enqueue_dma source(%dma_start3A_212 : memref<128xi32, #tpu.memory_space<hbm>>) target(%arg10 : memref<128xi32, #tpu.memory_space<vmem>>) target_semaphore(%arg31 : memref<!tpu.dma_semaphore, #tpu.memory_space<semaphore_mem>>)
          %add3A_213 = arith.constant 320000 : i32
          %add3A_214 = arith.addi %add3A_213, %mul3A_210 : i32
          %dma_start3A_215 = tpu.memref_slice %arg3[%add3A_214] : memref<640000xi32, #tpu.memory_space<hbm>> -> memref<128xi32, #tpu.memory_space<hbm>>
          %dma_start3A_216 = tpu.memref_slice %arg3[%add3A_214] : memref<640000xi32, #tpu.memory_space<hbm>> -> memref<128xi32, #tpu.memory_space<hbm>>
          tpu.enqueue_dma source(%dma_start3A_216 : memref<128xi32, #tpu.memory_space<hbm>>) target(%arg18 : memref<128xi32, #tpu.memory_space<vmem>>) target_semaphore(%arg31 : memref<!tpu.dma_semaphore, #tpu.memory_space<semaphore_mem>>)
        } else {
        }
      } else {
      }
    }
    %scan3A_73 = arith.constant 10 : i32
    %dma_wait3A_74 = arith.constant 0 : i32
    %dma_wait3A_75 = arith.constant 0 : i32
    %dma_wait3A_76 = tpu.memref_slice %arg27[%dma_wait3A_74, %dma_wait3A_75] : memref<10240x32xf32, #tpu.memory_space<vmem_shared>> -> memref<10240x32xf32, #tpu.memory_space<vmem_shared>>
    tpu.wait_indirect_dma semaphore(%arg40 : memref<!tpu.dma_semaphore, #tpu.memory_space<semaphore_mem>>) src(%arg23 : memref<128x32xf32, #tpu.memory_space<vmem>>) dst(%dma_wait3A_76 : memref<10240x32xf32, #tpu.memory_space<vmem_shared>>)
    %dma_wait3A_77 = arith.constant 0 : i32
    %dma_wait3A_78 = arith.constant 0 : i32
    %dma_wait3A_79 = tpu.memref_slice %arg27[%dma_wait3A_77, %dma_wait3A_78] : memref<10240x32xf32, #tpu.memory_space<vmem_shared>> -> memref<10240x32xf32, #tpu.memory_space<vmem_shared>>
    tpu.wait_indirect_dma semaphore(%arg41 : memref<!tpu.dma_semaphore, #tpu.memory_space<semaphore_mem>>) src(%arg24 : memref<128x32xf32, #tpu.memory_space<vmem>>) dst(%dma_wait3A_79 : memref<10240x32xf32, #tpu.memory_space<vmem_shared>>)
    %dma_wait3A_80 = arith.constant 0 : i32
    %dma_wait3A_81 = arith.constant 0 : i32
    %dma_wait3A_82 = tpu.memref_slice %arg27[%dma_wait3A_80, %dma_wait3A_81] : memref<10240x32xf32, #tpu.memory_space<vmem_shared>> -> memref<10240x32xf32, #tpu.memory_space<vmem_shared>>
    tpu.wait_indirect_dma semaphore(%arg42 : memref<!tpu.dma_semaphore, #tpu.memory_space<semaphore_mem>>) src(%arg25 : memref<128x32xf32, #tpu.memory_space<vmem>>) dst(%dma_wait3A_82 : memref<10240x32xf32, #tpu.memory_space<vmem_shared>>)
    %dma_wait3A_83 = arith.constant 0 : i32
    %dma_wait3A_84 = arith.constant 0 : i32
    %dma_wait3A_85 = tpu.memref_slice %arg27[%dma_wait3A_83, %dma_wait3A_84] : memref<10240x32xf32, #tpu.memory_space<vmem_shared>> -> memref<10240x32xf32, #tpu.memory_space<vmem_shared>>
    tpu.wait_indirect_dma semaphore(%arg43 : memref<!tpu.dma_semaphore, #tpu.memory_space<semaphore_mem>>) src(%arg26 : memref<128x32xf32, #tpu.memory_space<vmem>>) dst(%dma_wait3A_85 : memref<10240x32xf32, #tpu.memory_space<vmem_shared>>)
    %barrier3A_86 = arith.constant 0 : index
    tpu.barrier barrier_id(%barrier3A_86)
    %mul3A_87 = arith.constant 640 : i32
    %mul3A_88 = arith.muli %arg1, %mul3A_87 : i32
    %mul3A_89 = arith.constant 640 : i32
    %mul3A_90 = arith.muli %arg1, %mul3A_89 : i32
    "tpu.region"() ({
      %run_scoped3A_106 = tpu.sem_alloc : memref<!tpu.dma_semaphore, #tpu.memory_space<semaphore_mem>>
      %dma_start3A_107 = arith.constant 0 : i32
      %dma_start3A_108 = tpu.memref_slice %arg5[%arg0, %mul3A_90, %dma_start3A_107] : memref<2x10240x32xf32, #tpu.memory_space<hbm>> -> memref<1x640x32xf32, #tpu.memory_space<hbm>>
      %dma_start3A_109 = tpu.memref_squeeze %dma_start3A_108 : memref<1x640x32xf32, #tpu.memory_space<hbm>> -> memref<640x32xf32, #tpu.memory_space<hbm>>
      %dma_start3A_110 = arith.constant 0 : i32
      %dma_start3A_111 = tpu.memref_slice %arg27[%mul3A_88, %dma_start3A_110] : memref<10240x32xf32, #tpu.memory_space<vmem_shared>> -> memref<640x32xf32, #tpu.memory_space<vmem_shared>>
      tpu.enqueue_dma source(%dma_start3A_111 : memref<640x32xf32, #tpu.memory_space<vmem_shared>>) target(%dma_start3A_109 : memref<640x32xf32, #tpu.memory_space<hbm>>) target_semaphore(%run_scoped3A_106 : memref<!tpu.dma_semaphore, #tpu.memory_space<semaphore_mem>>)
      %dma_wait3A_112 = arith.constant 0 : i32
      %dma_wait3A_113 = tpu.memref_slice %arg5[%arg0, %mul3A_90, %dma_wait3A_112] : memref<2x10240x32xf32, #tpu.memory_space<hbm>> -> memref<1x640x32xf32, #tpu.memory_space<hbm>>
      %dma_wait3A_114 = tpu.memref_squeeze %dma_wait3A_113 : memref<1x640x32xf32, #tpu.memory_space<hbm>> -> memref<640x32xf32, #tpu.memory_space<hbm>>
      %dma_wait3A_115 = arith.constant 0 : i32
      %dma_wait3A_116 = tpu.memref_slice %arg27[%mul3A_88, %dma_wait3A_115] : memref<10240x32xf32, #tpu.memory_space<vmem_shared>> -> memref<640x32xf32, #tpu.memory_space<vmem_shared>>
      tpu.wait_dma2 semaphore(%run_scoped3A_106 : memref<!tpu.dma_semaphore, #tpu.memory_space<semaphore_mem>>) src(%dma_wait3A_116 : memref<640x32xf32, #tpu.memory_space<vmem_shared>>) dst(%dma_wait3A_114 : memref<640x32xf32, #tpu.memory_space<hbm>>)
      tpu.yield
    }) : () -> ()
    "tpu.region"() ({
      %run_scoped3A_106 = tpu.sem_alloc : memref<!tpu.dma_semaphore, #tpu.memory_space<semaphore_mem>>
      %dma_start3A_107 = arith.constant 0 : i32
      %dma_start3A_108 = tpu.memref_slice %arg45[%arg1, %dma_start3A_107] : memref<16x10240xf32, #tpu.memory_space<vmem_shared>> -> memref<1x10240xf32, #tpu.memory_space<vmem_shared>>
      %dma_start3A_109 = tpu.memref_squeeze %dma_start3A_108 : memref<1x10240xf32, #tpu.memory_space<vmem_shared>> -> memref<10240xf32, #tpu.memory_space<vmem_shared>>
      %dma_start3A_110 = arith.constant 0 : i32
      %dma_start3A_111 = tpu.memref_slice %arg45[%arg1, %dma_start3A_110] : memref<16x10240xf32, #tpu.memory_space<vmem_shared>> -> memref<1x10240xf32, #tpu.memory_space<vmem_shared>>
      %dma_start3A_112 = tpu.memref_squeeze %dma_start3A_111 : memref<1x10240xf32, #tpu.memory_space<vmem_shared>> -> memref<10240xf32, #tpu.memory_space<vmem_shared>>
      tpu.enqueue_dma source(%arg44 : memref<10240xf32, #tpu.memory_space<vmem>>) target(%dma_start3A_112 : memref<10240xf32, #tpu.memory_space<vmem_shared>>) target_semaphore(%run_scoped3A_106 : memref<!tpu.dma_semaphore, #tpu.memory_space<semaphore_mem>>)
      %dma_wait3A_113 = arith.constant 0 : i32
      %dma_wait3A_114 = tpu.memref_slice %arg45[%arg1, %dma_wait3A_113] : memref<16x10240xf32, #tpu.memory_space<vmem_shared>> -> memref<1x10240xf32, #tpu.memory_space<vmem_shared>>
      %dma_wait3A_115 = tpu.memref_squeeze %dma_wait3A_114 : memref<1x10240xf32, #tpu.memory_space<vmem_shared>> -> memref<10240xf32, #tpu.memory_space<vmem_shared>>
      %dma_wait3A_116 = arith.constant 0 : i32
      %dma_wait3A_117 = tpu.memref_slice %arg45[%arg1, %dma_wait3A_116] : memref<16x10240xf32, #tpu.memory_space<vmem_shared>> -> memref<1x10240xf32, #tpu.memory_space<vmem_shared>>
      %dma_wait3A_118 = tpu.memref_squeeze %dma_wait3A_117 : memref<1x10240xf32, #tpu.memory_space<vmem_shared>> -> memref<10240xf32, #tpu.memory_space<vmem_shared>>
      tpu.wait_dma2 semaphore(%run_scoped3A_106 : memref<!tpu.dma_semaphore, #tpu.memory_space<semaphore_mem>>) src(%arg44 : memref<10240xf32, #tpu.memory_space<vmem>>) dst(%dma_wait3A_118 : memref<10240xf32, #tpu.memory_space<vmem_shared>>)
      tpu.yield
    }) : () -> ()
    %barrier3A_91 = arith.constant 0 : index
    tpu.barrier barrier_id(%barrier3A_91)
    %mul3A_92 = arith.constant 640 : i32
    %mul3A_93 = arith.muli %arg1, %mul3A_92 : i32
    %run_scoped3A = arith.constant 0 : i32
    "tpu.region"() ({
      %run_scoped3A_106 = tpu.sem_alloc : memref<!tpu.dma_semaphore, #tpu.memory_space<semaphore_mem>>
      %dma_start3A_107 = arith.constant 0 : i32
      %dma_start3A_108 = tpu.memref_slice %arg46[%dma_start3A_107] : memref<656xf32, #tpu.memory_space<vmem>> -> memref<640xf32, #tpu.memory_space<vmem>>
      %dma_start3A_109 = tpu.memref_slice %arg45[%run_scoped3A, %mul3A_93] : memref<16x10240xf32, #tpu.memory_space<vmem_shared>> -> memref<1x640xf32, #tpu.memory_space<vmem_shared>>
      %dma_start3A_110 = tpu.memref_squeeze %dma_start3A_109 : memref<1x640xf32, #tpu.memory_space<vmem_shared>> -> memref<640xf32, #tpu.memory_space<vmem_shared>>
      %dma_start3A_111 = arith.constant 0 : i32
      %dma_start3A_112 = tpu.memref_slice %arg46[%dma_start3A_111] : memref<656xf32, #tpu.memory_space<vmem>> -> memref<640xf32, #tpu.memory_space<vmem>>
      %dma_start3A_113 = tpu.memref_slice %arg45[%run_scoped3A, %mul3A_93] : memref<16x10240xf32, #tpu.memory_space<vmem_shared>> -> memref<1x640xf32, #tpu.memory_space<vmem_shared>>
      %dma_start3A_114 = tpu.memref_squeeze %dma_start3A_113 : memref<1x640xf32, #tpu.memory_space<vmem_shared>> -> memref<640xf32, #tpu.memory_space<vmem_shared>>
      tpu.enqueue_dma source(%dma_start3A_114 : memref<640xf32, #tpu.memory_space<vmem_shared>>) target(%dma_start3A_112 : memref<640xf32, #tpu.memory_space<vmem>>) target_semaphore(%run_scoped3A_106 : memref<!tpu.dma_semaphore, #tpu.memory_space<semaphore_mem>>)
      %dma_wait3A_115 = arith.constant 0 : i32
      %dma_wait3A_116 = tpu.memref_slice %arg46[%dma_wait3A_115] : memref<656xf32, #tpu.memory_space<vmem>> -> memref<640xf32, #tpu.memory_space<vmem>>
      %dma_wait3A_117 = tpu.memref_slice %arg45[%run_scoped3A, %mul3A_93] : memref<16x10240xf32, #tpu.memory_space<vmem_shared>> -> memref<1x640xf32, #tpu.memory_space<vmem_shared>>
      %dma_wait3A_118 = tpu.memref_squeeze %dma_wait3A_117 : memref<1x640xf32, #tpu.memory_space<vmem_shared>> -> memref<640xf32, #tpu.memory_space<vmem_shared>>
      %dma_wait3A_119 = arith.constant 0 : i32
      %dma_wait3A_120 = tpu.memref_slice %arg46[%dma_wait3A_119] : memref<656xf32, #tpu.memory_space<vmem>> -> memref<640xf32, #tpu.memory_space<vmem>>
      %dma_wait3A_121 = tpu.memref_slice %arg45[%run_scoped3A, %mul3A_93] : memref<16x10240xf32, #tpu.memory_space<vmem_shared>> -> memref<1x640xf32, #tpu.memory_space<vmem_shared>>
      %dma_wait3A_122 = tpu.memref_squeeze %dma_wait3A_121 : memref<1x640xf32, #tpu.memory_space<vmem_shared>> -> memref<640xf32, #tpu.memory_space<vmem_shared>>
      tpu.wait_dma2 semaphore(%run_scoped3A_106 : memref<!tpu.dma_semaphore, #tpu.memory_space<semaphore_mem>>) src(%dma_wait3A_122 : memref<640xf32, #tpu.memory_space<vmem_shared>>) dst(%dma_wait3A_120 : memref<640xf32, #tpu.memory_space<vmem>>)
      tpu.yield
    }) : () -> ()
    %scan3A_94 = arith.constant 0 : i32
    %scan3A_95 = arith.constant 1 : i32
    %scan3A_96 = arith.constant 15 : i32
    %scan3A_97 = arith.addi %scan3A_95, %scan3A_96 : i32
    %scan3A_98 = arith.constant 1 : i32
    scf.for %scan3A_106 = %scan3A_95 to %scan3A_97 step %scan3A_98  : i32 {
      "tpu.region"() ({
        %run_scoped3A_113 = tpu.sem_alloc : memref<!tpu.dma_semaphore, #tpu.memory_space<semaphore_mem>>
        %dma_start3A_114 = tpu.memref_slice %arg45[%scan3A_106, %mul3A_93] : memref<16x10240xf32, #tpu.memory_space<vmem_shared>> -> memref<1x640xf32, #tpu.memory_space<vmem_shared>>
        %dma_start3A_115 = tpu.memref_squeeze %dma_start3A_114 : memref<1x640xf32, #tpu.memory_space<vmem_shared>> -> memref<640xf32, #tpu.memory_space<vmem_shared>>
        %dma_start3A_116 = tpu.memref_slice %arg45[%scan3A_106, %mul3A_93] : memref<16x10240xf32, #tpu.memory_space<vmem_shared>> -> memref<1x640xf32, #tpu.memory_space<vmem_shared>>
        %dma_start3A_117 = tpu.memref_squeeze %dma_start3A_116 : memref<1x640xf32, #tpu.memory_space<vmem_shared>> -> memref<640xf32, #tpu.memory_space<vmem_shared>>
        tpu.enqueue_dma source(%dma_start3A_117 : memref<640xf32, #tpu.memory_space<vmem_shared>>) target(%arg47 : memref<640xf32, #tpu.memory_space<vmem>>) target_semaphore(%run_scoped3A_113 : memref<!tpu.dma_semaphore, #tpu.memory_space<semaphore_mem>>)
        %dma_wait3A_118 = tpu.memref_slice %arg45[%scan3A_106, %mul3A_93] : memref<16x10240xf32, #tpu.memory_space<vmem_shared>> -> memref<1x640xf32, #tpu.memory_space<vmem_shared>>
        %dma_wait3A_119 = tpu.memref_squeeze %dma_wait3A_118 : memref<1x640xf32, #tpu.memory_space<vmem_shared>> -> memref<640xf32, #tpu.memory_space<vmem_shared>>
        %dma_wait3A_120 = tpu.memref_slice %arg45[%scan3A_106, %mul3A_93] : memref<16x10240xf32, #tpu.memory_space<vmem_shared>> -> memref<1x640xf32, #tpu.memory_space<vmem_shared>>
        %dma_wait3A_121 = tpu.memref_squeeze %dma_wait3A_120 : memref<1x640xf32, #tpu.memory_space<vmem_shared>> -> memref<640xf32, #tpu.memory_space<vmem_shared>>
        tpu.wait_dma2 semaphore(%run_scoped3A_113 : memref<!tpu.dma_semaphore, #tpu.memory_space<semaphore_mem>>) src(%dma_wait3A_121 : memref<640xf32, #tpu.memory_space<vmem_shared>>) dst(%arg47 : memref<640xf32, #tpu.memory_space<vmem>>)
        tpu.yield
      }) : () -> ()
      %scan3A_107 = arith.constant 0 : i32
      %scan3A_108 = arith.constant 0 : i32
      %scan3A_109 = arith.constant 40 : i32
      %scan3A_110 = arith.addi %scan3A_108, %scan3A_109 : i32
      %scan3A_111 = arith.constant 1 : i32
      scf.for %scan3A_113 = %scan3A_108 to %scan3A_110 step %scan3A_111  : i32 {
        %mul3A_114 = arith.constant 16 : i32
        %mul3A_115 = arith.muli %scan3A_113, %mul3A_114 : i32
        %get3A = arith.index_cast %mul3A_115 : i32 to index
        %get3A_116 = tpu.vector_load %arg46[%get3A] {strides = array<i32>} : memref<656xf32, #tpu.memory_space<vmem>>, vector<16xf32>,
        %get3A_117 = arith.index_cast %mul3A_115 : i32 to index
        %get3A_118 = tpu.vector_load %arg47[%get3A_117] {strides = array<i32>} : memref<640xf32, #tpu.memory_space<vmem>>, vector<16xf32>,
        %add3A_119 = arith.addf %get3A_116, %get3A_118 : vector<16xf32>
        %swap3A = arith.index_cast %mul3A_115 : i32 to index
        %swap3A_120 = tpu.vector_load %arg46[%swap3A] {strides = array<i32>} : memref<656xf32, #tpu.memory_space<vmem>>, vector<16xf32>,
        tpu.vector_store %arg46[%swap3A], %add3A_119 {strides = array<i32>} : memref<656xf32, #tpu.memory_space<vmem>>, vector<16xf32>,
      }
      %scan3A_112 = arith.constant 40 : i32
    }
    %scan3A_99 = arith.constant 15 : i32
    %scan3A_100 = arith.constant 0 : i32
    %scan3A_101 = arith.constant 0 : i32
    %scan3A_102 = arith.constant 640 : i32
    %scan3A_103 = arith.addi %scan3A_101, %scan3A_102 : i32
    %scan3A_104 = arith.constant 1 : i32
    scf.for %scan3A_106 = %scan3A_101 to %scan3A_103 step %scan3A_104  : i32 {
      %get3A = arith.index_cast %scan3A_106 : i32 to index
      %get3A_107 = tpu.vector_load %arg46[%get3A] {strides = array<i32>} : memref<656xf32, #tpu.memory_space<vmem>>, vector<16xf32>,
      %swap3A = arith.index_cast %scan3A_106 : i32 to index
      %swap3A_108 = arith.constant 0 : index
      %swap3A_109 = tpu.vector_load %arg48[%swap3A, %swap3A_108] {strides = array<i32>} : memref<640x16xf32, #tpu.memory_space<vmem>>, vector<16xf32>,
      tpu.vector_store %arg48[%swap3A, %swap3A_108], %get3A_107 {strides = array<i32>} : memref<640x16xf32, #tpu.memory_space<vmem>>, vector<16xf32>,
    }
    %scan3A_105 = arith.constant 640 : i32
    "tpu.region"() ({
      %run_scoped3A_106 = tpu.sem_alloc : memref<!tpu.dma_semaphore, #tpu.memory_space<semaphore_mem>>
      %dma_start3A_107 = arith.constant 0 : i32
      %dma_start3A_108 = tpu.memref_slice %arg6[%arg0, %mul3A_93, %dma_start3A_107] : memref<2x10240x16xf32, #tpu.memory_space<hbm>> -> memref<1x640x16xf32, #tpu.memory_space<hbm>>
      %dma_start3A_109 = tpu.memref_squeeze %dma_start3A_108 : memref<1x640x16xf32, #tpu.memory_space<hbm>> -> memref<640x16xf32, #tpu.memory_space<hbm>>
      %dma_start3A_110 = arith.constant 0 : i32
      %dma_start3A_111 = tpu.memref_slice %arg6[%arg0, %mul3A_93, %dma_start3A_110] : memref<2x10240x16xf32, #tpu.memory_space<hbm>> -> memref<1x640x16xf32, #tpu.memory_space<hbm>>
      %dma_start3A_112 = tpu.memref_squeeze %dma_start3A_111 : memref<1x640x16xf32, #tpu.memory_space<hbm>> -> memref<640x16xf32, #tpu.memory_space<hbm>>
      tpu.enqueue_dma source(%arg48 : memref<640x16xf32, #tpu.memory_space<vmem>>) target(%dma_start3A_112 : memref<640x16xf32, #tpu.memory_space<hbm>>) target_semaphore(%run_scoped3A_106 : memref<!tpu.dma_semaphore, #tpu.memory_space<semaphore_mem>>)
      %dma_wait3A_113 = arith.constant 0 : i32
      %dma_wait3A_114 = tpu.memref_slice %arg6[%arg0, %mul3A_93, %dma_wait3A_113] : memref<2x10240x16xf32, #tpu.memory_space<hbm>> -> memref<1x640x16xf32, #tpu.memory_space<hbm>>
      %dma_wait3A_115 = tpu.memref_squeeze %dma_wait3A_114 : memref<1x640x16xf32, #tpu.memory_space<hbm>> -> memref<640x16xf32, #tpu.memory_space<hbm>>
      %dma_wait3A_116 = arith.constant 0 : i32
      %dma_wait3A_117 = tpu.memref_slice %arg6[%arg0, %mul3A_93, %dma_wait3A_116] : memref<2x10240x16xf32, #tpu.memory_space<hbm>> -> memref<1x640x16xf32, #tpu.memory_space<hbm>>
      %dma_wait3A_118 = tpu.memref_squeeze %dma_wait3A_117 : memref<1x640x16xf32, #tpu.memory_space<hbm>> -> memref<640x16xf32, #tpu.memory_space<hbm>>
      tpu.wait_dma2 semaphore(%run_scoped3A_106 : memref<!tpu.dma_semaphore, #tpu.memory_space<semaphore_mem>>) src(%arg48 : memref<640x16xf32, #tpu.memory_space<vmem>>) dst(%dma_wait3A_118 : memref<640x16xf32, #tpu.memory_space<hbm>>)
      tpu.yield
    }) : () -> ()
    return
  }
}

module attributes {stable_mosaic.version = 14 : i64} {
  func.func @_project_body(%arg0: i32, %arg1: memref<2000x128xf32, #tpu.memory_space<vmem>>, %arg2: memref<128x32xf32, #tpu.memory_space<vmem>>, %arg3: memref<128x32xf32, #tpu.memory_space<vmem>>, %arg4: memref<2000x32xf32, #tpu.memory_space<vmem>>, %arg5: memref<2000x32xf32, #tpu.memory_space<vmem>>) attributes {dimension_semantics = [#tpu.dimension_semantics<arbitrary>], iteration_bounds = array<i64: 5>, scalar_prefetch = 0 : i64, scratch_operands = 0 : i64, tpu.core_type = #tpu.core_type<tc>, window_params = [{transform_indices = @transform_0, window_bounds = array<i64: 2000, 128>}, {pipeline_mode = #tpu.pipeline_mode<synchronous>, transform_indices = @transform_1, window_bounds = array<i64: 128, 32>}, {pipeline_mode = #tpu.pipeline_mode<synchronous>, transform_indices = @transform_2, window_bounds = array<i64: 128, 32>}, {transform_indices = @transform_3, window_bounds = array<i64: 2000, 32>}, {transform_indices = @transform_4, window_bounds = array<i64: 2000, 32>}]} {
    %get3A = arith.constant 0 : index
    %get3A_0 = arith.constant 0 : index
    %get3A_1 = vector.load %arg1[%get3A, %get3A_0] : memref<2000x128xf32, #tpu.memory_space<vmem>>, vector<2000x128xf32>
    %get3A_2 = arith.constant 0 : index
    %get3A_3 = arith.constant 0 : index
    %get3A_4 = vector.load %arg2[%get3A_2, %get3A_3] : memref<128x32xf32, #tpu.memory_space<vmem>>, vector<128x32xf32>
    %dot_general3A = arith.constant dense<0.000000e+00> : vector<2000x32xf32>
    %dot_general3A_5 = tpu.matmul %get3A_1, %get3A_4, %dot_general3A {dimension_numbers = #tpu.dot_dimension_numbers<[1], [0], [0], [1], [0, 0, 1, 1], [], []>, transpose_lhs_hint = false} : vector<2000x128xf32>, vector<128x32xf32>, vector<2000x32xf32> -> vector<2000x32xf32>
    %swap3A = arith.constant 0 : index
    %swap3A_6 = arith.constant 0 : index
    %swap3A_7 = vector.load %arg4[%swap3A, %swap3A_6] : memref<2000x32xf32, #tpu.memory_space<vmem>>, vector<2000x32xf32>
    tpu.vector_store %arg4[%swap3A, %swap3A_6], %dot_general3A_5 {strides = array<i32>} : memref<2000x32xf32, #tpu.memory_space<vmem>>, vector<2000x32xf32>,
    %get3A_8 = arith.constant 0 : index
    %get3A_9 = arith.constant 0 : index
    %get3A_10 = vector.load %arg3[%get3A_8, %get3A_9] : memref<128x32xf32, #tpu.memory_space<vmem>>, vector<128x32xf32>
    %dot_general3A_11 = arith.constant dense<0.000000e+00> : vector<2000x32xf32>
    %dot_general3A_12 = tpu.matmul %get3A_1, %get3A_10, %dot_general3A_11 {dimension_numbers = #tpu.dot_dimension_numbers<[1], [0], [0], [1], [0, 0, 1, 1], [], []>, transpose_lhs_hint = false} : vector<2000x128xf32>, vector<128x32xf32>, vector<2000x32xf32> -> vector<2000x32xf32>
    %swap3A_13 = arith.constant 0 : index
    %swap3A_14 = arith.constant 0 : index
    %swap3A_15 = vector.load %arg5[%swap3A_13, %swap3A_14] : memref<2000x32xf32, #tpu.memory_space<vmem>>, vector<2000x32xf32>
    tpu.vector_store %arg5[%swap3A_13, %swap3A_14], %dot_general3A_12 {strides = array<i32>} : memref<2000x32xf32, #tpu.memory_space<vmem>>, vector<2000x32xf32>,
    return
  }
  func.func @transform_0(%arg0: i32) -> (i32, i32) {
    %c0_i32 = arith.constant 0 : i32
    %c0_i32_0 = arith.constant 0 : i32
    return %arg0, %c0_i32 : i32, i32
  }
  func.func @transform_1(%arg0: i32) -> (i32, i32) {
    %c0_i32 = arith.constant 0 : i32
    %c0_i32_0 = arith.constant 0 : i32
    %c0_i32_1 = arith.constant 0 : i32
    return %c0_i32, %c0_i32_0 : i32, i32
  }
  func.func @transform_2(%arg0: i32) -> (i32, i32) {
    %c0_i32 = arith.constant 0 : i32
    %c0_i32_0 = arith.constant 0 : i32
    %c0_i32_1 = arith.constant 0 : i32
    return %c0_i32, %c0_i32_0 : i32, i32
  }
  func.func @transform_3(%arg0: i32) -> (i32, i32) {
    %c0_i32 = arith.constant 0 : i32
    %c0_i32_0 = arith.constant 0 : i32
    return %arg0, %c0_i32 : i32, i32
  }
  func.func @transform_4(%arg0: i32) -> (i32, i32) {
    %c0_i32 = arith.constant 0 : i32
    %c0_i32_0 = arith.constant 0 : i32
    return %arg0, %c0_i32 : i32, i32
  }
}

module attributes {stable_mosaic.version = 14 : i64} {
  func.func @_combine1_body(%arg0: i32, %arg1: memref<2x2000x32xf32, #tpu.memory_space<vmem>>, %arg2: memref<2x2000x16xf32, #tpu.memory_space<vmem>>, %arg3: memref<32xf32, #tpu.memory_space<vmem>>, %arg4: memref<2000x32xf32, #tpu.memory_space<vmem>>, %arg5: memref<32x32xf32, #tpu.memory_space<vmem>>, %arg6: memref<32x32xf32, #tpu.memory_space<vmem>>, %arg7: memref<2000x32xf32, #tpu.memory_space<vmem>>, %arg8: memref<2000x32xf32, #tpu.memory_space<vmem>>, %arg9: memref<2000x1xf32, #tpu.memory_space<vmem>>) attributes {dimension_semantics = [#tpu.dimension_semantics<arbitrary>], iteration_bounds = array<i64: 5>, scalar_prefetch = 0 : i64, scratch_operands = 0 : i64, tpu.core_type = #tpu.core_type<tc>, window_params = [{transform_indices = @transform_0, window_bounds = array<i64: 2, 2000, 32>}, {transform_indices = @transform_1, window_bounds = array<i64: 2, 2000, 16>}, {pipeline_mode = #tpu.pipeline_mode<synchronous>, transform_indices = @transform_2, window_bounds = array<i64: 32>}, {transform_indices = @transform_3, window_bounds = array<i64: 2000, 32>}, {pipeline_mode = #tpu.pipeline_mode<synchronous>, transform_indices = @transform_4, window_bounds = array<i64: 32, 32>}, {pipeline_mode = #tpu.pipeline_mode<synchronous>, transform_indices = @transform_5, window_bounds = array<i64: 32, 32>}, {transform_indices = @transform_6, window_bounds = array<i64: 2000, 32>}, {transform_indices = @transform_7, window_bounds = array<i64: 2000, 32>}, {transform_indices = @transform_8, window_bounds = array<i64: 2000, 1>}]} {
    %get3A = arith.constant 0 : index
    %get3A_0 = arith.constant 0 : index
    %get3A_1 = arith.constant 0 : index
    %get3A_2 = vector.load %arg2[%get3A, %get3A_0, %get3A_1] : memref<2x2000x16xf32, #tpu.memory_space<vmem>>, vector<1x2000x16xf32>
    %get3A_3 = vector.shape_cast %get3A_2 : vector<1x2000x16xf32> to vector<2000x16xf32>
    %slice3A = vector.extract_strided_slice %get3A_3 {offsets = [0, 0], sizes = [2000, 1], strides = [1, 1]} : vector<2000x16xf32> to vector<2000x1xf32>
    %get3A_4 = arith.constant 1 : index
    %get3A_5 = arith.constant 0 : index
    %get3A_6 = arith.constant 0 : index
    %get3A_7 = vector.load %arg2[%get3A_4, %get3A_5, %get3A_6] : memref<2x2000x16xf32, #tpu.memory_space<vmem>>, vector<1x2000x16xf32>
    %get3A_8 = vector.shape_cast %get3A_7 : vector<1x2000x16xf32> to vector<2000x16xf32>
    %slice3A_9 = vector.extract_strided_slice %get3A_8 {offsets = [0, 0], sizes = [2000, 1], strides = [1, 1]} : vector<2000x16xf32> to vector<2000x1xf32>
    %add3A = arith.addf %slice3A, %slice3A_9 : vector<2000x1xf32>
    %max3A = arith.constant 1.000000e+00 : f32
    %max3A_10 = vector.broadcast %max3A : f32 to vector<2000x1xf32>
    %max3A_11 = arith.maximumf %add3A, %max3A_10 : vector<2000x1xf32>
    %div3A = arith.constant 1.000000e+00 : f32
    %div3A_12 = vector.broadcast %div3A : f32 to vector<2000x1xf32>
    %div3A_13 = arith.divf %div3A_12, %max3A_11 : vector<2000x1xf32>
    %get3A_14 = arith.constant 0 : index
    %get3A_15 = arith.constant 0 : index
    %get3A_16 = arith.constant 0 : index
    %get3A_17 = vector.load %arg1[%get3A_14, %get3A_15, %get3A_16] : memref<2x2000x32xf32, #tpu.memory_space<vmem>>, vector<1x2000x32xf32>
    %get3A_18 = vector.shape_cast %get3A_17 : vector<1x2000x32xf32> to vector<2000x32xf32>
    %get3A_19 = arith.constant 1 : index
    %get3A_20 = arith.constant 0 : index
    %get3A_21 = arith.constant 0 : index
    %get3A_22 = vector.load %arg1[%get3A_19, %get3A_20, %get3A_21] : memref<2x2000x32xf32, #tpu.memory_space<vmem>>, vector<1x2000x32xf32>
    %get3A_23 = vector.shape_cast %get3A_22 : vector<1x2000x32xf32> to vector<2000x32xf32>
    %add3A_24 = arith.addf %get3A_18, %get3A_23 : vector<2000x32xf32>
    %mul3A = vector.broadcast %div3A_13 : vector<2000x1xf32> to vector<2000x32xf32>
    %mul3A_25 = arith.mulf %add3A_24, %mul3A : vector<2000x32xf32>
    %get3A_26 = arith.constant 0 : index
    %get3A_27 = vector.load %arg3[%get3A_26] : memref<32xf32, #tpu.memory_space<vmem>>, vector<32xf32>
    %broadcast_in_dim3A = vector.shape_cast %get3A_27 : vector<32xf32> to vector<1x32xf32>
    %add3A_28 = vector.broadcast %broadcast_in_dim3A : vector<1x32xf32> to vector<2000x32xf32>
    %add3A_29 = arith.addf %mul3A_25, %add3A_28 : vector<2000x32xf32>
    %get3A_30 = arith.constant 0 : index
    %get3A_31 = arith.constant 0 : index
    %get3A_32 = vector.load %arg4[%get3A_30, %get3A_31] : memref<2000x32xf32, #tpu.memory_space<vmem>>, vector<2000x32xf32>
    %add3A_33 = arith.addf %add3A_29, %get3A_32 : vector<2000x32xf32>
    %max3A_34 = arith.constant 0.000000e+00 : f32
    %max3A_35 = vector.broadcast %max3A_34 : f32 to vector<2000x32xf32>
    %max3A_36 = arith.maximumf %add3A_33, %max3A_35 : vector<2000x32xf32>
    %get3A_37 = arith.constant 0 : index
    %get3A_38 = arith.constant 0 : index
    %get3A_39 = vector.load %arg5[%get3A_37, %get3A_38] : memref<32x32xf32, #tpu.memory_space<vmem>>, vector<32x32xf32>
    %dot_general3A = arith.constant dense<0.000000e+00> : vector<2000x32xf32>
    %dot_general3A_40 = tpu.matmul %max3A_36, %get3A_39, %dot_general3A {dimension_numbers = #tpu.dot_dimension_numbers<[1], [0], [0], [1], [0, 0, 1, 1], [], []>, transpose_lhs_hint = false} : vector<2000x32xf32>, vector<32x32xf32>, vector<2000x32xf32> -> vector<2000x32xf32>
    %swap3A = arith.constant 0 : index
    %swap3A_41 = arith.constant 0 : index
    %swap3A_42 = vector.load %arg7[%swap3A, %swap3A_41] : memref<2000x32xf32, #tpu.memory_space<vmem>>, vector<2000x32xf32>
    tpu.vector_store %arg7[%swap3A, %swap3A_41], %dot_general3A_40 {strides = array<i32>} : memref<2000x32xf32, #tpu.memory_space<vmem>>, vector<2000x32xf32>,
    %get3A_43 = arith.constant 0 : index
    %get3A_44 = arith.constant 0 : index
    %get3A_45 = vector.load %arg6[%get3A_43, %get3A_44] : memref<32x32xf32, #tpu.memory_space<vmem>>, vector<32x32xf32>
    %dot_general3A_46 = arith.constant dense<0.000000e+00> : vector<2000x32xf32>
    %dot_general3A_47 = tpu.matmul %max3A_36, %get3A_45, %dot_general3A_46 {dimension_numbers = #tpu.dot_dimension_numbers<[1], [0], [0], [1], [0, 0, 1, 1], [], []>, transpose_lhs_hint = false} : vector<2000x32xf32>, vector<32x32xf32>, vector<2000x32xf32> -> vector<2000x32xf32>
    %swap3A_48 = arith.constant 0 : index
    %swap3A_49 = arith.constant 0 : index
    %swap3A_50 = vector.load %arg8[%swap3A_48, %swap3A_49] : memref<2000x32xf32, #tpu.memory_space<vmem>>, vector<2000x32xf32>
    tpu.vector_store %arg8[%swap3A_48, %swap3A_49], %dot_general3A_47 {strides = array<i32>} : memref<2000x32xf32, #tpu.memory_space<vmem>>, vector<2000x32xf32>,
    %swap3A_51 = arith.constant 0 : index
    %swap3A_52 = arith.constant 0 : index
    %swap3A_53 = vector.load %arg9[%swap3A_51, %swap3A_52] : memref<2000x1xf32, #tpu.memory_space<vmem>>, vector<2000x1xf32>
    tpu.vector_store %arg9[%swap3A_51, %swap3A_52], %div3A_13 {strides = array<i32>} : memref<2000x1xf32, #tpu.memory_space<vmem>>, vector<2000x1xf32>,
    return
  }
  func.func @transform_0(%arg0: i32) -> (i32, i32, i32) {
    %c0_i32 = arith.constant 0 : i32
    %c0_i32_0 = arith.constant 0 : i32
    %c0_i32_1 = arith.constant 0 : i32
    return %c0_i32, %arg0, %c0_i32_0 : i32, i32, i32
  }
  func.func @transform_1(%arg0: i32) -> (i32, i32, i32) {
    %c0_i32 = arith.constant 0 : i32
    %c0_i32_0 = arith.constant 0 : i32
    %c0_i32_1 = arith.constant 0 : i32
    return %c0_i32, %arg0, %c0_i32_0 : i32, i32, i32
  }
  func.func @transform_2(%arg0: i32) -> i32 {
    %c0_i32 = arith.constant 0 : i32
    %c0_i32_0 = arith.constant 0 : i32
    return %c0_i32 : i32
  }
  func.func @transform_3(%arg0: i32) -> (i32, i32) {
    %c0_i32 = arith.constant 0 : i32
    %c0_i32_0 = arith.constant 0 : i32
    return %arg0, %c0_i32 : i32, i32
  }
  func.func @transform_4(%arg0: i32) -> (i32, i32) {
    %c0_i32 = arith.constant 0 : i32
    %c0_i32_0 = arith.constant 0 : i32
    %c0_i32_1 = arith.constant 0 : i32
    return %c0_i32, %c0_i32_0 : i32, i32
  }
  func.func @transform_5(%arg0: i32) -> (i32, i32) {
    %c0_i32 = arith.constant 0 : i32
    %c0_i32_0 = arith.constant 0 : i32
    %c0_i32_1 = arith.constant 0 : i32
    return %c0_i32, %c0_i32_0 : i32, i32
  }
  func.func @transform_6(%arg0: i32) -> (i32, i32) {
    %c0_i32 = arith.constant 0 : i32
    %c0_i32_0 = arith.constant 0 : i32
    return %arg0, %c0_i32 : i32, i32
  }
  func.func @transform_7(%arg0: i32) -> (i32, i32) {
    %c0_i32 = arith.constant 0 : i32
    %c0_i32_0 = arith.constant 0 : i32
    return %arg0, %c0_i32 : i32, i32
  }
  func.func @transform_8(%arg0: i32) -> (i32, i32) {
    %c0_i32 = arith.constant 0 : i32
    %c0_i32_0 = arith.constant 0 : i32
    return %arg0, %c0_i32 : i32, i32
  }
}

module attributes {stable_mosaic.version = 14 : i64} {
  func.func @_combine2_body(%arg0: i32, %arg1: memref<2x2000x32xf32, #tpu.memory_space<vmem>>, %arg2: memref<2000x1xf32, #tpu.memory_space<vmem>>, %arg3: memref<32xf32, #tpu.memory_space<vmem>>, %arg4: memref<2000x32xf32, #tpu.memory_space<vmem>>, %arg5: memref<2000x32xf32, #tpu.memory_space<vmem>>) attributes {dimension_semantics = [#tpu.dimension_semantics<arbitrary>], iteration_bounds = array<i64: 5>, scalar_prefetch = 0 : i64, scratch_operands = 0 : i64, tpu.core_type = #tpu.core_type<tc>, window_params = [{transform_indices = @transform_0, window_bounds = array<i64: 2, 2000, 32>}, {transform_indices = @transform_1, window_bounds = array<i64: 2000, 1>}, {pipeline_mode = #tpu.pipeline_mode<synchronous>, transform_indices = @transform_2, window_bounds = array<i64: 32>}, {transform_indices = @transform_3, window_bounds = array<i64: 2000, 32>}, {transform_indices = @transform_4, window_bounds = array<i64: 2000, 32>}]} {
    %get3A = arith.constant 0 : index
    %get3A_0 = arith.constant 0 : index
    %get3A_1 = arith.constant 0 : index
    %get3A_2 = vector.load %arg1[%get3A, %get3A_0, %get3A_1] : memref<2x2000x32xf32, #tpu.memory_space<vmem>>, vector<1x2000x32xf32>
    %get3A_3 = vector.shape_cast %get3A_2 : vector<1x2000x32xf32> to vector<2000x32xf32>
    %get3A_4 = arith.constant 1 : index
    %get3A_5 = arith.constant 0 : index
    %get3A_6 = arith.constant 0 : index
    %get3A_7 = vector.load %arg1[%get3A_4, %get3A_5, %get3A_6] : memref<2x2000x32xf32, #tpu.memory_space<vmem>>, vector<1x2000x32xf32>
    %get3A_8 = vector.shape_cast %get3A_7 : vector<1x2000x32xf32> to vector<2000x32xf32>
    %add3A = arith.addf %get3A_3, %get3A_8 : vector<2000x32xf32>
    %get3A_9 = arith.constant 0 : index
    %get3A_10 = arith.constant 0 : index
    %get3A_11 = vector.load %arg2[%get3A_9, %get3A_10] : memref<2000x1xf32, #tpu.memory_space<vmem>>, vector<2000x1xf32>
    %mul3A = vector.broadcast %get3A_11 : vector<2000x1xf32> to vector<2000x32xf32>
    %mul3A_12 = arith.mulf %add3A, %mul3A : vector<2000x32xf32>
    %get3A_13 = arith.constant 0 : index
    %get3A_14 = vector.load %arg3[%get3A_13] : memref<32xf32, #tpu.memory_space<vmem>>, vector<32xf32>
    %broadcast_in_dim3A = vector.shape_cast %get3A_14 : vector<32xf32> to vector<1x32xf32>
    %add3A_15 = vector.broadcast %broadcast_in_dim3A : vector<1x32xf32> to vector<2000x32xf32>
    %add3A_16 = arith.addf %mul3A_12, %add3A_15 : vector<2000x32xf32>
    %get3A_17 = arith.constant 0 : index
    %get3A_18 = arith.constant 0 : index
    %get3A_19 = vector.load %arg4[%get3A_17, %get3A_18] : memref<2000x32xf32, #tpu.memory_space<vmem>>, vector<2000x32xf32>
    %add3A_20 = arith.addf %add3A_16, %get3A_19 : vector<2000x32xf32>
    %max3A = arith.constant 0.000000e+00 : f32
    %max3A_21 = vector.broadcast %max3A : f32 to vector<2000x32xf32>
    %max3A_22 = arith.maximumf %add3A_20, %max3A_21 : vector<2000x32xf32>
    %swap3A = arith.constant 0 : index
    %swap3A_23 = arith.constant 0 : index
    %swap3A_24 = vector.load %arg5[%swap3A, %swap3A_23] : memref<2000x32xf32, #tpu.memory_space<vmem>>, vector<2000x32xf32>
    tpu.vector_store %arg5[%swap3A, %swap3A_23], %max3A_22 {strides = array<i32>} : memref<2000x32xf32, #tpu.memory_space<vmem>>, vector<2000x32xf32>,
    return
  }
  func.func @transform_0(%arg0: i32) -> (i32, i32, i32) {
    %c0_i32 = arith.constant 0 : i32
    %c0_i32_0 = arith.constant 0 : i32
    %c0_i32_1 = arith.constant 0 : i32
    return %c0_i32, %arg0, %c0_i32_0 : i32, i32, i32
  }
  func.func @transform_1(%arg0: i32) -> (i32, i32) {
    %c0_i32 = arith.constant 0 : i32
    %c0_i32_0 = arith.constant 0 : i32
    return %arg0, %c0_i32 : i32, i32
  }
  func.func @transform_2(%arg0: i32) -> i32 {
    %c0_i32 = arith.constant 0 : i32
    %c0_i32_0 = arith.constant 0 : i32
    return %c0_i32 : i32
  }
  func.func @transform_3(%arg0: i32) -> (i32, i32) {
    %c0_i32 = arith.constant 0 : i32
    %c0_i32_0 = arith.constant 0 : i32
    return %arg0, %c0_i32 : i32, i32
  }
  func.func @transform_4(%arg0: i32) -> (i32, i32) {
    %c0_i32 = arith.constant 0 : i32
    %c0_i32_0 = arith.constant 0 : i32
    return %arg0, %c0_i32 : i32, i32
  }
}

</mosaic_0001>

<sc_bundles>
// kernel: kernel.10.cloned.1.call-start
scs
__scs_entry_jumppad:
0x0: {  	(pc) =	sbr.rel $0x88, $3  }
0x1: {  	(tag) =	ssettag $0x0;
	lr =	simm.s32 $0x1  }
0x2: {  	[smem:$0x3F99] =	sst lr;
	_ =	strace $0xD0000000  }
0x3: {  	_ = 	snop  }
0x4: {  	_ = 	snop  }
0x5: {  	_ = 	snop  }
0x6: {  	_ = 	snop  }
0x7: {  	_ = 	snop  }
__scs_overlays_trampoline_lowered:
0x8: {  	[smem:$0x3FA8] =	sst s0  }
0x9: {  	[smem:$0x3FA9] =	sst s1  }
0xa: {  	[smem:$0x3FAA] =	sst s2  }
0xb: {  	[smem:$0x3FAB] =	sst s3  }
0xc: {  	[smem:$0x3FAC] =	sst s4  }
0xd: {  	[smem:$0x3FAD] =	sst s5  }
0xe: {  	[smem:$0x3FAE] =	sst s6  }
0xf: {  	[smem:$0x3FAF] =	sst s7  }
0x10: {  	[smem:$0x3FB0] =	sst s8  }
0x11: {  	[smem:$0x3FB1] =	sst s9;
	s0 =	simm.s32 @!p0 $0x0  }
0x12: {  	s1 =	sld [smem:$0x3F97];
	s0 =	simm.s32 @p0 $0x1  }
0x13: {  	[smem:$0x3FB2] =	sst s0;
	s0 =	simm.s32 @!p1 $0x0  }
0x14: {  	s2 =	sld [smem:$0x3F96];
	s0 =	simm.s32 @p1 $0x1  }
0x15: {  	[smem:$0x3FB3] =	sst s0;
	s0 =	simm.s32 @!p2 $0x0  }
0x16: {  	s3 =	sld [smem:$0x3FDB];
	s0 =	simm.s32 @p2 $0x1  }
0x17: {  	s4 =	simm.s32 $0x1BF5;
	[smem:$0x3FB5] =	sst s0  }
0x18: {  	s0 =	sld [smem:$0x3F98];
	_ =	swait.ge [sflag:s4], $0x0  }
0x19: {  	s7 =	sld [smem:$0x3F99]  }
0x1a: {  	s8 =	sadd.s32 $0xFFFFE003, lr  }
0x1b: {  	s9 =	sadd.s32 $0xFFFFFEF7, lr;
	s5 =	simm.s32 $0xFFFFFFFF;
	p2 =	slt.u32 s8, $0xFFFFF086  }
0x1c: {  	p1 =	slt.u32 s9, $0xF7A;
	s5 =	simm.s32 @!p2 $0x0  }
0x1d: {  	s5 =	simm.s32 @p1 $0x1;
	p0 =	seq.s32 s7, s2  }
0x1e: {  	s7 =	smul.u32 @!p0 $0xF7A, s2;
	p2 =	seq.s32 @!p0 s5, $0x0  }
0x1f: {  	s9 =	smul.u32 $0xF7A, s1;
	s8 =	simm.s32 @!p0 $0x1BF5;
	p2 =	por !p2, p0  }
0x20: {  	[sflag:s8] =	ssyncset.s32 @!p0 $0xFFFFF086;
	s6 =	sadd.s32 @!p0 s3, s7;
	s7 =	simm.s32 @!p0 $0x108  }
0x21: {  	s3 =	sadd.s32 s3, s9;
	s6 =	sadd.s32 @!p0 $0x88, s6;
	s7 =	simm.s32 @p2 $0x1082  }
0x22: {  	[simem:s7], [sflag:s8] =	dma.local @!p0 [hbm:s6], $0xF7A  }
0x23: {  	s9 =	sor.u32 $0xD0000000, s2;
	s6 =	simm.s32 $0x108;
	_ =	swait.ge @!p0 [sflag:s8], $0x0  }
0x24: {  	s3 =	sadd.s32 $0x88, s3;
	s6 =	simm.s32 @!p1 $0x1082;
	[sflag:s4] =	ssyncset.s32 $0xFFFFF086  }
0x25: {  	[simem:s6], [sflag:s4] =	dma.local [hbm:s3], $0xF7A  }
0x26: {  	[smem:$0x3F99] =	sst s1;
	(tag) =	ssettag s2;
	_ =	strace s9  }
0x27: {  	s1 =	sld [smem:$0x3FA9]  }
0x28: {  	s2 =	sld [smem:$0x3FAA]  }
0x29: {  	s4 =	sld [smem:$0x3FAC]  }
0x2a: {  	p0 =	seq.s32 s5, $0x0;
	s5 =	sld [smem:$0x3FAD]  }
0x2b: {  	s6 =	sld [smem:$0x3FAE]  }
0x2c: {  	s7 =	sld [smem:$0x3FAF]  }
0x2d: {  	s3 =	simm.s32 $0x108;
	s8 =	sld [smem:$0x3FB0]  }
0x2e: {  	s3 =	simm.s32 @!p0 $0x1082;
	s9 =	sld [smem:$0x3FB1]  }
0x2f: {  	lr =	sadd.s32 s0, s3;
	s0 =	sld [smem:$0x3FA8]  }
0x30: {  	s3 =	sld [smem:$0x3FAB]  }
0x31: {  	[smem:$0x3FB4] =	sst s10  }
0x32: {  	s10 =	sld [smem:$0x3FB2];
	_ =	sdelay $0x3  }
0x33: {  	p0 =	seq.s32 s10, $0x1;
	s10 =	sld [smem:$0x3FB4];
	_ =	sdelay $0x3  }
0x34: {  	[smem:$0x3FB4] =	sst s10  }
0x35: {  	s10 =	sld [smem:$0x3FB3];
	_ =	sdelay $0x3  }
0x36: {  	p1 =	seq.s32 s10, $0x1;
	s10 =	sld [smem:$0x3FB4];
	_ =	sdelay $0x3  }
0x37: {  	[smem:$0x3FB4] =	sst s10  }
0x38: {  	s10 =	sld [smem:$0x3FB5]  }
0x39: {  	_ = 	snop;
	(pc) =	sbr.ind lr, $3  }
0x3a: {  	_ = 	snop  }
0x3b: {  	_ = 	snop  }
0x3c: {  	p2 =	seq.s32 s10, $0x1;
	s10 =	sld [smem:$0x3FB4]  }
0x3d: {  	_ =	shalt  }
0x3e: {  	_ =	shalt  }
0x3f: {  	_ =	shalt  }
0x40: {  	_ =	shalt  }
0x41: {  	_ =	shalt  }
0x42: {  	_ =	shalt  }
0x43: {  	_ =	shalt  }
0x44: {  	_ =	shalt  }
0x45: {  	_ =	shalt  }
0x46: {  	_ =	shalt  }
0x47: {  	_ =	shalt  }
0x48: {  	_ =	shalt  }
0x49: {  	_ =	shalt  }
0x4a: {  	_ =	shalt  }
0x4b: {  	_ =	shalt  }
0x4c: {  	_ =	shalt  }
0x4d: {  	_ =	shalt  }
0x4e: {  	_ =	shalt  }
0x4f: {  	_ =	shalt  }
0x50: {  	_ =	shalt  }
0x51: {  	_ =	shalt  }
0x52: {  	_ =	shalt  }
0x53: {  	_ =	shalt  }
0x54: {  	_ =	shalt  }
0x55: {  	_ =	shalt  }
0x56: {  	_ =	shalt  }
0x57: {  	_ =	shalt  }
0x58: {  	_ =	shalt  }
0x59: {  	_ =	shalt  }
0x5a: {  	_ =	shalt  }
0x5b: {  	_ =	shalt  }
0x5c: {  	_ =	shalt  }
0x5d: {  	_ =	shalt  }
0x5e: {  	_ =	shalt  }
0x5f: {  	_ =	shalt  }
0x60: {  	_ =	shalt  }
0x61: {  	_ =	shalt  }
0x62: {  	_ =	shalt  }
0x63: {  	_ =	shalt  }
0x64: {  	_ =	shalt  }
0x65: {  	_ =	shalt  }
0x66: {  	_ =	shalt  }
0x67: {  	_ =	shalt  }
0x68: {  	_ =	shalt  }
0x69: {  	_ =	shalt  }
0x6a: {  	_ =	shalt  }
0x6b: {  	_ =	shalt  }
0x6c: {  	_ =	shalt  }
0x6d: {  	_ =	shalt  }
0x6e: {  	_ =	shalt  }
0x6f: {  	_ =	shalt  }
0x70: {  	_ =	shalt  }
0x71: {  	_ =	shalt  }
0x72: {  	_ =	shalt  }
0x73: {  	_ =	shalt  }
0x74: {  	_ =	shalt  }
0x75: {  	_ =	shalt  }
0x76: {  	_ =	shalt  }
0x77: {  	_ =	shalt  }
0x78: {  	_ =	shalt  }
0x79: {  	_ =	shalt  }
0x7a: {  	_ =	shalt  }
0x7b: {  	_ =	shalt  }
0x7c: {  	_ =	shalt  }
0x7d: {  	_ =	shalt  }
0x7e: {  	_ =	shalt  }
0x7f: {  	_ =	shalt  }
0x80: {  	_ =	shalt  }
0x81: {  	_ =	shalt  }
0x82: {  	_ =	shalt  }
0x83: {  	_ =	shalt  }
0x84: {  	_ =	shalt  }
0x85: {  	_ =	shalt  }
0x86: {  	_ =	shalt  }
0x87: {  	_ =	shalt  }
.Lfunc_end0:
.L_simem_size_0:
called_computation.1_lowered:
.L_overlay_start_0:
0x88: {  	s2 =	sld [smem:$0x3FD9]  }
0x89: {  	s3 =	sld [smem:$0x3FFE];
	_ =	sdelay $0x1  }
0x8a: {  	s1 =	srdreg.scid  }
0x8b: {  	s0 =	sand.u32 $0x1, s1  }
0x8c: {  	s17 =	sshll.u32 s0, $0xA;
	s2 =	sadd.s32 s3, s2  }
0x8d: {  	s2 =	sadd.s32 s2, s17  }
0x8e: {  	[smem:$0x3FC0] =	sst s2  }
0x8f: {  	_ = 	snop  }
0x90: {  	s2 =	sld [smem:$0x3FD0];
	(tm) =	ssettm $0x1  }
0x91: {  	s18 =	sld [smem:$0x3FFB];
	_ =	sdelay $0x3  }
0x92: {  	_ =	strace s18  }
0x93: {  	s3 =	sld [smem:$0x3FFC];
	_ =	sdelay $0x3  }
0x94: {  	_ =	strace s3  }
0x95: {  	s3 =	sld [smem:$0x3FFD];
	_ =	sdelay $0x3  }
0x96: {  	_ =	strace s3  }
0x97: {  	_ =	strace $0x8FFFFFFF  }
0x98: {  	s19 =	sld [smem:$0x3FDB];
	_ =	sdelay $0x1  }
0x99: {  	s4 =	simm.s32 $_scs_section_size  }
0x9a: {  	s5 =	simm.s32 $_size__tile_overlayer_lowered;
	s6 =	simm.s32 $_tile_overlayer_lowered  }
0x9b: {  	s22 =	simm.s32 $0x1BFF;
	s21 =	sshll.u32 s6, $0x1;
	s3 =	sadd.s32 s4, s19  }
0x9c: {  	s7 =	simm.s32 $0x0;
	s20 =	sshll.u32 s5, $0x1;
	s5 =	sadd.s32 s21, s3  }
0x9d: {  	[timem:s7], [sflag:s22] =	dma.local [hbm:s5], s20  }
0x9e: {  	_ =	swait.ge [sflag:s22], s20  }
0x9f: {  	s4 =	ssub.s32 $0x0, s20;
	[sflag:s22] =	ssyncset.done $0x0  }
0xa0: {  	[sflag:s22] =	ssyncadd.s32 s4;
	_ =	sdelay $0x1  }
0xa1: {  	s23 =	simm.s32 $0x1B8B  }
0xa2: {  	_ =	swait.ge [sflag:s23], $0x1  }
0xa3: {  	[sflag:s23] =	ssyncset.done $0x0  }
0xa4: {  	s25 =	simm.s32 $0x1B8E;
	s24 =	sld [smem:$0x3FFE];
	[sflag:s23] =	ssyncadd.s32 $0xFFFFFFFF  }
0xa5: {  	s26 =	simm.s32 $execute0_lowered;
	[smem:$0x3FD2] =	sst s25  }
0xa6: {  	s5 =	sshll.u32 s26, $0x1;
	_ =	strace $0x80000049;
	[dreg:$0x1] =	wrdreg $0xFFFFFFFF  }
0xa7: {  	s28 =	simm.s32 $_size_execute0_lowered;
	s3 =	sadd.s32 s3, s5;
	[dreg:$0x0] =	wrdreg $0x0  }
0xa8: {  	s5 =	sshll.u32 s28, $0x1;
	[dreg:$0x2] =	wrdreg s3  }
0xa9: {  	[dreg:$0x3] =	wrdreg s5  }
0xaa: {  	[dreg:$0x4] =	wrdreg $0xC0  }
0xab: {  	_ =	task [dreg:s7], $0x5FFFF  }
0xac: {  	[dreg:$0x1] =	wrdreg $0xFFFFFFFF  }
0xad: {  	[dreg:$0x0] =	wrdreg $0x60  }
0xae: {  	[dreg:$0x2] =	wrdreg s2  }
0xaf: {  	[dreg:$0x3] =	wrdreg s24  }
0xb0: {  	[dreg:$0x4] =	wrdreg $0x48000  }
0xb1: {  	[dreg:$0x5] =	wrdreg $0x9  }
0xb2: {  	_ =	task.clear_ibuf [dreg:s7], $0x6FFFF;
	_ =	strace $0x90000049  }
0xb3: {  	s29 =	simm.s32 $0x9;
	_ =	strace $0x8000004B  }
0xb4: {  	_ =	swait.ge [sflag:s29], $0x1  }
0xb5: {  	[sflag:s29] =	ssyncadd.s32 $0xFFFFFFFF  }
0xb6: {  	_ =	strace $0x9000004B  }
0xb7: {  	_ =	sfence  }
0xb8: {  	s30 =	sld [smem:$0x0];
	_ =	sdelay $0x2  }
0xb9: {  	s31 =	sshll.u32 s1, $0xD;
	s1 =	sshrl.u32 s1, $0x2  }
0xba: {  	s3 =	sand.u32 $0x4000, s31;
	s1 =	sadd.s32 s1, s30  }
0xbb: {  	s0 =	sor.u32 s3, s0;
	s1 =	sshll.u32 s1, $0x11  }
0xbc: {  	s0 =	sor.u32 s1, s0  }
0xbd: {  	s0 =	sadd.s32 $0x8F2B, s0  }
0xbe: {  	[sflag:s0] =	ssyncadd.remote.s32 $0x1  }
0xbf: {  	_ =	sfence.sel $0xFFFF  }
0xc0: {  	[dreg:$0x0] =	wrdreg $0xFFFFFFFF;
	(pc) =	sbr.abs _section_cstart, $3  }
0xc1: {  	[dreg:$0x1] =	wrdreg $0xFFFFFFFF  }
0xc2: {  	_ =	task.clear_ibuf [dreg:s7], $0x2FFFF;
	_ =	strace $0x9FFFFFFF  }
0xc3: {  	(tm) =	ssettm $0x7FFFFFFF  }
tec
execute0_lowered:
.L_overlay_start_1:
0x0: {  	(tag) =	ssettag $0x1  }
0x1: {  	s2 =	rddreg [dreg:$0x0]  }
0x2: {  	s0 =	rddreg [dreg:$0x1]  }
0x3: {  	s3 =	rddreg [dreg:$0x2]  }
0x4: {  	s11 =	stileid.u32;
	s1 =	srdreg.scid;
	s4 =	simm.s32 $0x0  }
0x5: {  	s28 =	simm.s32 $0x180;
	s29 =	simm.s32 $0x580;
	s30 =	simm.s32 $0x200  }
0x6: {  	s31 =	simm.s32 $0x2800;
	s6 =	smul.u32 $0x5000, s11;
	s1 =	sand.u32 $0x1, s1  }
0x7: {  	[smem:$0x7FF] =	sst s4;
	s5 =	sadd.s32 $0x1C00, s0;
	s18 =	sshll.u32 s11, $0x6  }
0x8: {  	s24 =	sshll.u32 s11, $0x7;
	s7 =	smul.u32 $0x50000, s1;
	_ =	strace $0x8000004A  }
0x9: {  	s9 =	ssub.s32 $0x2, s1;
	s10 =	sshll.u32 s1, $0x4;
	s12 =	sor.u32 $0x1C11, s18  }
0xa: {  	s1 =	sshll.u32 s1, $0xB;
	s8 =	sshrl.u32 s6, $0x3;
	s15 =	sshrl.u32 s9, $0x1  }
0xb: {  	s16 =	sor.u32 s11, s10;
	s1 =	sor.u32 s24, s1;
	[dreg:$0x17] =	wrdreg s12  }
0xc: {  	s7 =	sadd.s32 s6, s7;
	s8 =	sadd.s32 s8, s0;
	s6 =	sadd.s32 s6, s3  }
0xd: {  	s10 =	sshll.u32 s16, $0x4;
	p0 =	slt.u32 s16, $0x4;
	s11 =	sadd.s32 $0x53200, s1  }
0xe: {  	s16 =	sadd.s32 $0x52200, s1;
	[dreg:$0x14] =	wrdreg s6;
	s17 =	sadd.s32 $0x15600, s8  }
0xf: {  	s18 =	sadd.s32 $0x59200, s1;
	s10 =	sadd.s32 s5, s10;
	[dreg:$0x15] =	wrdreg s17  }
0x10: {  	s7 =	sshrl.u32 s7, $0x3;
	s19 =	sadd.s32 $0x9C40, s10;
	[dreg:$0x16] =	wrdreg s10  }
0x11: {  	s8 =	simm.s32 $0x4F;
	s20 =	sadd.s32 $0x200, s10;
	[dreg:$0x18] =	wrdreg s19  }
0x12: {  	s6 =	sshrl.u32 s11, $0x3;
	s21 =	sadd.s32 $0x9E40, s10;
	[dreg:$0x19] =	wrdreg s20  }
0x13: {  	s7 =	sadd.s32 s7, s0;
	s22 =	sadd.s32 $0x400, s10;
	[dreg:$0x1a] =	wrdreg s21  }
0x14: {  	s0 =	ssub.s32 s9, s15;
	s23 =	sadd.s32 $0xA040, s10;
	[dreg:$0x1b] =	wrdreg s22  }
0x15: {  	s8 =	simm.s32 @!p0 $0x4E;
	s25 =	sadd.s32 $0x600, s10;
	[dreg:$0x1c] =	wrdreg s23  }
0x16: {  	s10 =	sadd.s32 $0xA240, s10;
	s6 =	sadd.s32 s6, s5;
	[dreg:$0x1d] =	wrdreg s25  }
0x17: {  	s15 =	sshrl.u32 s1, $0x3;
	s17 =	sshrl.u32 s16, $0x3;
	[dreg:$0x1e] =	wrdreg s10  }
0x18: {  	s16 =	sor.u32 $0x6000, s1;
	s9 =	simm.s32 $0x800;
	[dreg:$0x6] =	wrdreg s6  }
0x19: {  	s26 =	sadd.s32 $0xFFFFFFFA, s8;
	s13 =	sadd.s32 $0xFFFFFFF9, s8;
	[dreg:$0x7] =	wrdreg s15  }
0x1a: {  	s14 =	sadd.s32 $0xFFFFFFF8, s8;
	s7 =	sadd.s32 $0x1F600, s7;
	[dreg:$0x4] =	wrdreg s26  }
0x1b: {  	s6 =	sadd.s32 s17, s5;
	s19 =	sor.u32 $0xB000, s1;
	[smem:$0x7FB] =	sst s13  }
0x1c: {  	s23 =	sadd.s32 $0x58200, s1;
	s25 =	sor.u32 $0xA000, s1;
	[dreg:$0x5] =	wrdreg s14  }
0x1d: {  	s15 =	sadd.s32 $0x54200, s1;
	s0 =	smax.u32 s0, $0x1;
	[dreg:$0x1f] =	wrdreg s7  }
0x1e: {  	s7 =	sshrl.u32 s18, $0x3;
	[dreg:$0x8] =	wrdreg s6;
	s21 =	sshrl.u32 s19, $0x3  }
0x1f: {  	s24 =	sshrl.u32 s23, $0x3;
	s26 =	sadd.s32 $0x55200, s1;
	s13 =	sor.u32 $0x7000, s1  }
0x20: {  	s18 =	sshrl.u32 s16, $0x3;
	s23 =	sor.u32 $0x9000, s1;
	[smem:$0x7FC] =	sst s0  }
0x21: {  	s16 =	simm.s32 $0x480;
	s20 =	sadd.s32 s7, s5;
	s22 =	sadd.s32 s21, s5  }
0x22: {  	s6 =	sadd.s32 s24, s5;
	s7 =	sshrl.u32 s25, $0x3;
	s10 =	sshrl.u32 s26, $0x3  }
0x23: {  	s14 =	sshrl.u32 s13, $0x3;
	s19 =	sadd.s32 s18, s5;
	[dreg:$0x9] =	wrdreg s20  }
0x24: {  	s25 =	sshrl.u32 s23, $0x3;
	s13 =	simm.s32 $0x3;
	[dreg:$0xa] =	wrdreg s22  }
0x25: {  	s18 =	simm.s32 $0x680;
	s23 =	simm.s32 $0x0;
	[dreg:$0xb] =	wrdreg s6  }
0x26: {  	s7 =	sadd.s32 s7, s5;
	s11 =	sadd.s32 s10, s5;
	s6 =	sadd.s32 s14, s5  }
0x27: {  	s20 =	sadd.s32 $0x56200, s1;
	[dreg:$0x10] =	wrdreg s19;
	s22 =	sadd.s32 $0x57200, s1  }
0x28: {  	s26 =	sadd.s32 s25, s5;
	s1 =	sor.u32 $0x8000, s1;
	[dreg:$0xc] =	wrdreg s7  }
0x29: {  	s14 =	simm.s32 $0x400;
	s25 =	simm.s32 $0x80;
	[dreg:$0xd] =	wrdreg s11  }
0x2a: {  	s19 =	simm.s32 $0x4;
	s10 =	simm.s32 $0x5;
	[dreg:$0xe] =	wrdreg s6  }
0x2b: {  	s7 =	sshrl.u32 s15, $0x3;
	s21 =	sshrl.u32 s20, $0x3;
	[smem:$0x7FD] =	sst s1  }
0x2c: {  	[dreg:$0x13] =	wrdreg s26;
	s11 =	simm.s32 $0x11;
	s20 =	simm.s32 $0x500  }
0x2d: {  	s1 =	simm.s32 $0x2;
	s15 =	simm.s32 $0xA;
	s17 =	sadd.s32 s7, s5  }
0x2e: {  	s6 =	sadd.s32 s21, s5;
	s7 =	sshrl.u32 s22, $0x3;
	[dreg:$0xf] =	wrdreg s17  }
0x2f: {  	s21 =	simm.s32 $0x280;
	s22 =	simm.s32 $0x3800;
	[dreg:$0x11] =	wrdreg s6  }
0x30: {  	s24 =	sadd.s32 s7, s5;
	s17 =	simm.s32 $0x100;
	s6 =	simm.s32 $0x1800  }
0x31: {  	s7 =	simm.s32 $0x9;
	[dreg:$0x12] =	wrdreg s24;
	s24 =	simm.s32 $0x6  }
.LBB2_1:
0x32: {  	[smem:$0x7F9] =	sst s23  }
0x33: {  	s0 =	rddreg [dreg:$0x14]  }
0x34: {  	s26 =	rddreg [dreg:$0x15];
	s0 =	sshrl.u32 s0, $0x3  }
0x35: {  	[smem:$0x7FA] =	sst s0  }
0x36: {  	[spmem:s0], [sflag:s12] =	dma.local [hbm:s26], $0xA00  }
0x37: {  	_ =	swait.ge [sflag:s11], $0xA00  }
0x38: {  	[sflag:s11] =	ssyncset.done $0x0  }
0x39: {  	[sflag:s11] =	ssyncadd.s32 $0xFFFFF600  }
0x3a: {  	[bflag:$0x0] =	sbarrier.arrive $0xFFFF  }
0x3b: {  	s11 =	rddreg [dreg:$0x16]  }
0x3c: {  	[tilespmem:s4], [sflag:$0x1] =	stream.linear.gather [hbm4b:s11+s4], $0x80, $0x38;
	[tilespmem:$0x9800] =	vst v63  }
0x3d: {  	s23 =	simm.s32 $0x1;
	s12 =	rddreg [dreg:$0x18]  }
0x3e: {  	[tilespmem:s14], [sflag:$0x1] =	stream.linear.gather [hbm4b:s12+s4], $0x80, $0x38;
	[tilespmem:$0x9800] =	vst v63  }
0x3f: {  	_ =	swait.ge [sflag:s23], $0x80  }
0x40: {  	[sflag:s23] =	ssyncset.done $0x0  }
0x41: {  	[sflag:s23] =	ssyncadd.s32 $0xFFFFFF80  }
0x42: {  	_ =	swait.ge [sflag:s23], $0x80  }
0x43: {  	[sflag:s23] =	ssyncset.done $0x0  }
0x44: {  	s26 =	rddreg [dreg:$0x19];
	[sflag:s23] =	ssyncadd.s32 $0xFFFFFF80  }
0x45: {  	[tilespmem:s25], [sflag:$0x2] =	stream.linear.gather [hbm4b:s26+s4], $0x80, $0x38;
	[tilespmem:$0x9800] =	vst v63  }
0x46: {  	s11 =	rddreg [dreg:$0x1a]  }
0x47: {  	[tilespmem:s16], [sflag:$0x2] =	stream.linear.gather [hbm4b:s11+s4], $0x80, $0x38;
	[tilespmem:$0x9800] =	vst v63  }
0x48: {  	s12 =	rddreg [dreg:$0x1b]  }
0x49: {  	[tilespmem:s17], [sflag:$0x3] =	stream.linear.gather [hbm4b:s12+s4], $0x80, $0x38;
	[tilespmem:$0x9800] =	vst v63  }
0x4a: {  	s23 =	rddreg [dreg:$0x1c]  }
0x4b: {  	[tilespmem:s20], [sflag:$0x3] =	stream.linear.gather [hbm4b:s23+s4], $0x80, $0x38;
	[tilespmem:$0x9800] =	vst v63  }
0x4c: {  	s26 =	rddreg [dreg:$0x1d]  }
0x4d: {  	[tilespmem:s28], [sflag:$0x4] =	stream.linear.gather [hbm4b:s26+s4], $0x80, $0x38;
	[tilespmem:$0x9800] =	vst v63  }
0x4e: {  	s11 =	rddreg [dreg:$0x1e]  }
0x4f: {  	[tilespmem:s29], [sflag:$0x4] =	stream.linear.gather [hbm4b:s11+s4], $0x80, $0x38;
	[tilespmem:$0x9800] =	vst v63  }
0x50: {  	_ = 	snop  }
0x51: {  	[tilespmem:s9], [sflag:$0x9] =	stream.indirect.gather [hbm4b:s2+s25], $0x20, s4, s25, $0xb8;
	[tilespmem:$0x9800] =	vst v63  }
0x52: {  	_ =	swait.ge [sflag:s1], $0x80  }
0x53: {  	[sflag:s1] =	ssyncset.done $0x0  }
0x54: {  	[sflag:s1] =	ssyncadd.s32 $0xFFFFFF80  }
0x55: {  	_ =	swait.ge [sflag:s1], $0x80  }
0x56: {  	p0 =	por $0x1, $0x1;
	[sflag:s1] =	ssyncset.done $0x0  }
0x57: {  	s11 =	simm.s32 @!p0 $0xE;
	[sflag:s1] =	ssyncadd.s32 $0xFFFFFF80  }
0x58: {  	_ =	swait.ge @!p0 [sflag:s11], $0x1000  }
0x59: {  	[sflag:s11] =	ssyncset.done @!p0 $0x0  }
0x5a: {  	[sflag:s11] =	ssyncadd.s32 @!p0 $0xFFFFF000  }
0x5b: {  	[tilespmem:s6], [sflag:$0xA] =	stream.indirect.gather [hbm4b:s2+s25], $0x20, s25, s25, $0xb8;
	[tilespmem:$0x9800] =	vst v63  }
0x5c: {  	_ =	swait.ge [sflag:s7], $0x1000  }
0x5d: {  	[sflag:s7] =	ssyncset.done $0x0;
	s12 =	rddreg [dreg:$0x7]  }
0x5e: {  	[sflag:s7] =	ssyncadd.s32 $0xFFFFF000;
	s11 =	sadd.s32 $0x0, s12  }
0x5f: {  	[spmem:s3] =	stream.indirect.scatter.add.f32 [tilespmem:s9], [sflag:$0xD], $0x20, s14, s25, $0xb8;
	[tilespmem:$0x9800] =	vst v63  }
0x60: {  	s14 =	sor.u32 $0x800, s11  }
0x61: {  	s0 =	simm.s32 $0x0;
	s26 =	rddreg [dreg:$0x8];
	s12 =	sadd.s32 s5, s14  }
0x62: {  	[tilespmem:s30], [sflag:$0x5] =	stream.linear.gather [hbm4b:s12+s0], $0x80, $0x38;
	[tilespmem:$0x9800] =	vst v63  }
0x63: {  	s4 =	simm.s32 $0x600;
	s23 =	sadd.s32 $0x0, s26  }
0x64: {  	[tilespmem:s4], [sflag:$0x5] =	stream.linear.gather [hbm4b:s23+s0], $0x80, $0x38;
	[tilespmem:$0x9800] =	vst v63  }
0x65: {  	_ =	swait.ge [sflag:s13], $0x80  }
0x66: {  	[sflag:s13] =	ssyncset.done $0x0  }
0x67: {  	[sflag:s13] =	ssyncadd.s32 $0xFFFFFF80  }
0x68: {  	_ =	swait.ge [sflag:s13], $0x80  }
0x69: {  	[sflag:s13] =	ssyncset.done $0x0  }
0x6a: {  	s12 =	simm.s32 @!p0 $0xF;
	[sflag:s13] =	ssyncadd.s32 $0xFFFFFF80  }
0x6b: {  	_ =	swait.ge @!p0 [sflag:s12], $0x1000  }
0x6c: {  	[sflag:s12] =	ssyncset.done @!p0 $0x0  }
0x6d: {  	[sflag:s12] =	ssyncadd.s32 @!p0 $0xFFFFF000  }
0x6e: {  	[tilespmem:s31], [sflag:$0xB] =	stream.indirect.gather [hbm4b:s2+s25], $0x20, s17, s25, $0xb8;
	[tilespmem:$0x9800] =	vst v63  }
0x6f: {  	_ =	swait.ge [sflag:s15], $0x1000  }
0x70: {  	[sflag:s15] =	ssyncset.done $0x0  }
0x71: {  	s11 =	sor.u32 $0xA00, s11;
	[sflag:s15] =	ssyncadd.s32 $0xFFFFF000  }
0x72: {  	[spmem:s3] =	stream.indirect.scatter.add.f32 [tilespmem:s6], [sflag:$0xE], $0x20, s16, s25, $0xb8;
	[tilespmem:$0x9800] =	vst v63  }
0x73: {  	s11 =	sadd.s32 s5, s11;
	s26 =	rddreg [dreg:$0x6]  }
0x74: {  	[tilespmem:s21], [sflag:$0x6] =	stream.linear.gather [hbm4b:s11+s0], $0x80, $0x38;
	[tilespmem:$0x9800] =	vst v63  }
0x75: {  	s14 =	sadd.s32 $0x0, s26  }
0x76: {  	[tilespmem:s18], [sflag:$0x6] =	stream.linear.gather [hbm4b:s14+s0], $0x80, $0x38;
	[tilespmem:$0x9800] =	vst v63  }
0x77: {  	_ =	swait.ge [sflag:s19], $0x80  }
0x78: {  	[sflag:s19] =	ssyncset.done $0x0  }
0x79: {  	[sflag:s19] =	ssyncadd.s32 $0xFFFFFF80  }
0x7a: {  	_ =	swait.ge [sflag:s19], $0x80  }
0x7b: {  	[sflag:s19] =	ssyncset.done $0x0  }
0x7c: {  	s11 =	simm.s32 @!p0 $0x10;
	[sflag:s19] =	ssyncadd.s32 $0xFFFFFF80  }
0x7d: {  	_ =	swait.ge @!p0 [sflag:s11], $0x1000  }
0x7e: {  	[sflag:s11] =	ssyncset.done @!p0 $0x0  }
0x7f: {  	s17 =	simm.s32 $0xB;
	[sflag:s11] =	ssyncadd.s32 @!p0 $0xFFFFF000  }
0x80: {  	[tilespmem:s22], [sflag:$0xC] =	stream.indirect.gather [hbm4b:s2+s25], $0x20, s28, s25, $0xb8;
	[tilespmem:$0x9800] =	vst v63  }
0x81: {  	_ =	swait.ge [sflag:s17], $0x1000  }
0x82: {  	p0 =	sle.u32 s8, $0x6;
	[sflag:s17] =	ssyncset.done $0x0  }
0x83: {  	s26 =	simm.s32 @!p0 $0x0;
	s11 =	rddreg [dreg:$0x10];
	[sflag:s17] =	ssyncadd.s32 $0xFFFFF000  }
0x84: {  	[spmem:s3] =	stream.indirect.scatter.add.f32 [tilespmem:s31], [sflag:$0xF], $0x20, s20, s25, $0xb8;
	[tilespmem:$0x9800] =	vst v63  }
0x85: {  	s28 =	simm.s32 @!p0 $0x300;
	s12 =	rddreg [dreg:$0xf];
	s11 =	sadd.s32 @!p0 $0x0, s11  }
0x86: {  	[tilespmem:s28], [sflag:$0x7] =	stream.linear.gather @!p0 [hbm4b:s11+s26], $0x80, $0x38;
	[tilespmem:$0x9800] =	vst v63  }
0x87: {  	s12 =	sadd.s32 @!p0 $0x0, s12;
	s11 =	simm.s32 @!p0 $0x700  }
0x88: {  	[tilespmem:s11], [sflag:$0x7] =	stream.linear.gather @!p0 [hbm4b:s12+s26], $0x80, $0x38;
	[tilespmem:$0x9800] =	vst v63  }
0x89: {  	_ =	swait.ge [sflag:s10], $0x80  }
0x8a: {  	[sflag:s10] =	ssyncset.done $0x0  }
0x8b: {  	[sflag:s10] =	ssyncadd.s32 $0xFFFFFF80  }
0x8c: {  	_ =	swait.ge [sflag:s10], $0x80  }
0x8d: {  	[sflag:s10] =	ssyncset.done $0x0  }
0x8e: {  	s22 =	simm.s32 $0xD;
	[sflag:s10] =	ssyncadd.s32 $0xFFFFFF80  }
0x8f: {  	_ =	swait.ge [sflag:s22], $0x1000  }
0x90: {  	[sflag:s22] =	ssyncset.done $0x0  }
0x91: {  	s23 =	simm.s32 $0xC;
	[sflag:s22] =	ssyncadd.s32 $0xFFFFF000  }
0x92: {  	[tilespmem:s9], [sflag:$0x9] =	stream.indirect.gather [hbm4b:s2+s25], $0x20, s30, s25, $0xb8;
	[tilespmem:$0x9800] =	vst v63  }
0x93: {  	_ =	swait.ge [sflag:s23], $0x1000  }
0x94: {  	s16 =	simm.s32 $0x3800;
	p0 =	sle.u32 s8, $0x7;
	[sflag:s23] =	ssyncset.done $0x0  }
0x95: {  	s26 =	simm.s32 @!p0 $0x0;
	s11 =	rddreg [dreg:$0xe];
	[sflag:s23] =	ssyncadd.s32 $0xFFFFF000  }
0x96: {  	[spmem:s3] =	stream.indirect.scatter.add.f32 [tilespmem:s16], [sflag:$0x10], $0x20, s29, s25, $0xb8;
	[tilespmem:$0x9800] =	vst v63  }
0x97: {  	s28 =	simm.s32 @!p0 $0x380;
	s12 =	rddreg [dreg:$0xd];
	s11 =	sadd.s32 @!p0 $0x0, s11  }
0x98: {  	[tilespmem:s28], [sflag:$0x8] =	stream.linear.gather @!p0 [hbm4b:s11+s26], $0x80, $0x38;
	[tilespmem:$0x9800] =	vst v63  }
0x99: {  	s12 =	sadd.s32 @!p0 $0x0, s12;
	s11 =	simm.s32 @!p0 $0x780  }
0x9a: {  	[tilespmem:s11], [sflag:$0x8] =	stream.linear.gather @!p0 [hbm4b:s12+s26], $0x80, $0x38;
	[tilespmem:$0x9800] =	vst v63  }
0x9b: {  	_ =	swait.ge [sflag:s24], $0x80  }
0x9c: {  	[sflag:s24] =	ssyncset.done $0x0  }
0x9d: {  	[sflag:s24] =	ssyncadd.s32 $0xFFFFFF80  }
0x9e: {  	_ =	swait.ge [sflag:s24], $0x80  }
0x9f: {  	[sflag:s24] =	ssyncset.done $0x0  }
0xa0: {  	s26 =	simm.s32 $0xE;
	[sflag:s24] =	ssyncadd.s32 $0xFFFFFF80  }
0xa1: {  	_ =	swait.ge [sflag:s26], $0x1000  }
0xa2: {  	[sflag:s26] =	ssyncset.done $0x0  }
0xa3: {  	[sflag:s26] =	ssyncadd.s32 $0xFFFFF000  }
0xa4: {  	[tilespmem:s6], [sflag:$0xA] =	stream.indirect.gather [hbm4b:s2+s25], $0x20, s21, s25, $0xb8;
	[tilespmem:$0x9800] =	vst v63  }
0xa5: {  	_ =	swait.ge [sflag:s7], $0x1000  }
0xa6: {  	[sflag:s7] =	ssyncset.done $0x0;
	s0 =	sld [smem:$0x7FD]  }
0xa7: {  	p1 =	sle.u32 s8, $0x8;
	[sflag:s7] =	ssyncadd.s32 $0xFFFFF000  }
0xa8: {  	[spmem:s3] =	stream.indirect.scatter.add.f32 [tilespmem:s9], [sflag:$0xD], $0x20, s4, s25, $0xb8;
	[tilespmem:$0x9800] =	vst v63  }
0xa9: {  	s28 =	simm.s32 @!p1 $0x0;
	s31 =	rddreg [dreg:$0x4];
	s12 =	sshrl.u32 @!p1 s0, $0x3  }
0xaa: {  	s26 =	rddreg [dreg:$0x11];
	p0 =	sle.u32 s31, $0x0;
	s12 =	sadd.s32 @!p1 s5, s12  }
0xab: {  	[tilespmem:s28], [sflag:$0x1] =	stream.linear.gather @!p1 [hbm4b:s12+s28], $0x80, $0x38;
	[tilespmem:$0x9800] =	vst v63  }
0xac: {  	s11 =	simm.s32 @!p0 $0x7;
	s12 =	sadd.s32 @!p1 $0x0, s26;
	s26 =	simm.s32 @!p1 $0x400  }
0xad: {  	[tilespmem:s26], [sflag:$0x1] =	stream.linear.gather @!p1 [hbm4b:s12+s28], $0x80, $0x38;
	[tilespmem:$0x9800] =	vst v63  }
0xae: {  	_ =	swait.ge @!p0 [sflag:s11], $0x80  }
0xaf: {  	[sflag:s11] =	ssyncset.done @!p0 $0x0  }
0xb0: {  	[sflag:s11] =	ssyncadd.s32 @!p0 $0xFFFFFF80  }
0xb1: {  	_ =	swait.ge @!p0 [sflag:s11], $0x80  }
0xb2: {  	[sflag:s11] =	ssyncset.done @!p0 $0x0  }
0xb3: {  	[sflag:s11] =	ssyncadd.s32 @!p0 $0xFFFFFF80;
	s11 =	simm.s32 @!p0 $0xF  }
0xb4: {  	_ =	swait.ge @!p0 [sflag:s11], $0x1000  }
0xb5: {  	s12 =	simm.s32 @!p0 $0x80;
	[sflag:s11] =	ssyncset.done @!p0 $0x0  }
0xb6: {  	s26 =	simm.s32 @!p0 $0x300;
	[sflag:s11] =	ssyncadd.s32 @!p0 $0xFFFFF000;
	s11 =	simm.s32 @!p0 $0x2800  }
0xb7: {  	[tilespmem:s11], [sflag:$0xB] =	stream.indirect.gather @!p0 [hbm4b:s2+s12], $0x20, s26, s12, $0xb8;
	[tilespmem:$0x9800] =	vst v63  }
0xb8: {  	p2 =	sle.u32 s8, $0x9;
	_ =	swait.ge [sflag:s15], $0x1000  }
0xb9: {  	s29 =	simm.s32 @!p2 $0x80;
	[sflag:s15] =	ssyncset.done $0x0;
	s22 =	sld [smem:$0x7FB]  }
0xba: {  	s28 =	simm.s32 @!p2 $0x0;
	s26 =	rddreg [dreg:$0x13];
	[sflag:s15] =	ssyncadd.s32 $0xFFFFF000  }
0xbb: {  	[spmem:s3] =	stream.indirect.scatter.add.f32 [tilespmem:s6], [sflag:$0xE], $0x20, s18, s25, $0xb8;
	[tilespmem:$0x9800] =	vst v63  }
0xbc: {  	s30 =	rddreg [dreg:$0x12];
	s26 =	sadd.s32 @!p2 $0x0, s26;
	p1 =	sle.u32 @!p0 s22, $0x0  }
0xbd: {  	[tilespmem:s29], [sflag:$0x2] =	stream.linear.gather @!p2 [hbm4b:s26+s28], $0x80, $0x38;
	[tilespmem:$0x9800] =	vst v63  }
0xbe: {  	s26 =	simm.s32 @!p2 $0x480;
	s29 =	sadd.s32 @!p2 $0x0, s30;
	p1 =	por p1, p0  }
0xbf: {  	[tilespmem:s26], [sflag:$0x2] =	stream.linear.gather @!p2 [hbm4b:s29+s28], $0x80, $0x38;
	[tilespmem:$0x9800] =	vst v63  }
0xc0: {  	s26 =	simm.s32 @!p1 $0x8  }
0xc1: {  	_ =	swait.ge @!p1 [sflag:s26], $0x80  }
0xc2: {  	[sflag:s26] =	ssyncset.done @!p1 $0x0  }
0xc3: {  	[sflag:s26] =	ssyncadd.s32 @!p1 $0xFFFFFF80  }
0xc4: {  	_ =	swait.ge @!p1 [sflag:s26], $0x80  }
0xc5: {  	[sflag:s26] =	ssyncset.done @!p1 $0x0  }
0xc6: {  	[sflag:s26] =	ssyncadd.s32 @!p1 $0xFFFFFF80;
	s26 =	simm.s32 @!p1 $0x10  }
0xc7: {  	_ =	swait.ge @!p1 [sflag:s26], $0x1000  }
0xc8: {  	s28 =	simm.s32 @!p1 $0x3800;
	[sflag:s26] =	ssyncset.done @!p1 $0x0  }
0xc9: {  	s29 =	simm.s32 @!p1 $0x380;
	[sflag:s26] =	ssyncadd.s32 @!p1 $0xFFFFF000;
	s26 =	simm.s32 @!p1 $0x80  }
0xca: {  	[tilespmem:s28], [sflag:$0xC] =	stream.indirect.gather @!p1 [hbm4b:s2+s26], $0x20, s29, s26, $0xb8;
	[tilespmem:$0x9800] =	vst v63  }
0xcb: {  	s26 =	simm.s32 @!p0 $0xB  }
0xcc: {  	s30 =	smov.u32 s0;
	_ =	swait.ge @!p0 [sflag:s26], $0x1000  }
0xcd: {  	p2 =	sle.u32 @!p0 s8, $0xA;
	[sflag:s26] =	ssyncset.done @!p0 $0x0;
	s28 =	rddreg [dreg:$0xc]  }
0xce: {  	s29 =	simm.s32 @!p0 $0x700;
	[sflag:s26] =	ssyncadd.s32 @!p0 $0xFFFFF000;
	s26 =	rddreg [dreg:$0x5]  }
0xcf: {  	[spmem:s3] =	stream.indirect.scatter.add.f32 @!p0 [tilespmem:s11], [sflag:$0xF], $0x20, s29, s12, $0xb8;
	[tilespmem:$0x9800] =	vst v63  }
0xd0: {  	p1 =	sle.u32 s22, $0x0;
	p0 =	por p2, p0;
	s11 =	rddreg [dreg:$0xb]  }
0xd1: {  	p2 =	sle.u32 @!p1 s26, $0x0;
	s12 =	simm.s32 @!p0 $0x0;
	s28 =	sadd.s32 @!p0 $0x0, s28  }
0xd2: {  	s29 =	simm.s32 @!p0 $0x100;
	s11 =	sadd.s32 @!p0 $0x0, s11;
	s26 =	simm.s32 @!p0 $0x500  }
0xd3: {  	[tilespmem:s29], [sflag:$0x3] =	stream.linear.gather @!p0 [hbm4b:s28+s12], $0x80, $0x38;
	[tilespmem:$0x9800] =	vst v63  }
0xd4: {  	p3 =	por p2, p1;
	p2 =	sle.u32 @!p1 s8, $0xB;
	s28 =	simm.s32 $0x1000  }
0xd5: {  	[tilespmem:s26], [sflag:$0x3] =	stream.linear.gather @!p0 [hbm4b:s11+s12], $0x80, $0x38;
	[tilespmem:$0x9800] =	vst v63  }
0xd6: {  	s29 =	simm.s32 $0x8;
	s11 =	simm.s32 @!p3 $0x1;
	s26 =	simm.s32 $0x0  }
.LBB2_2:
0xd7: {  	_ =	swait.ge @!p3 [sflag:s11], $0x80  }
0xd8: {  	[sflag:s11] =	ssyncset.done @!p3 $0x0  }
0xd9: {  	[sflag:s11] =	ssyncadd.s32 @!p3 $0xFFFFFF80  }
0xda: {  	_ =	swait.ge @!p3 [sflag:s11], $0x80  }
0xdb: {  	[sflag:s11] =	ssyncset.done @!p3 $0x0  }
0xdc: {  	s14 =	simm.s32 @!p3 $0xD;
	[sflag:s11] =	ssyncadd.s32 @!p3 $0xFFFFFF80  }
0xdd: {  	_ =	swait.ge @!p3 [sflag:s14], $0x1000  }
0xde: {  	s16 =	simm.s32 @!p3 $0x80;
	s17 =	simm.s32 @!p3 $0x0;
	[sflag:s14] =	ssyncset.done @!p3 $0x0  }
0xdf: {  	s11 =	simm.s32 @!p3 $0x800;
	[sflag:s14] =	ssyncadd.s32 @!p3 $0xFFFFF000;
	s14 =	simm.s32 @!p1 $0xC  }
0xe0: {  	[tilespmem:s11], [sflag:$0x9] =	stream.indirect.gather @!p3 [hbm4b:s2+s16], $0x20, s17, s16, $0xb8;
	[tilespmem:$0x9800] =	vst v63  }
0xe1: {  	p2 =	por p2, p1;
	s11 =	simm.s32 @!p1 $0x780;
	_ =	swait.ge @!p1 [sflag:s14], $0x1000  }
0xe2: {  	s16 =	simm.s32 @!p1 $0x3800;
	[sflag:s14] =	ssyncset.done @!p1 $0x0;
	s20 =	rddreg [dreg:$0xa]  }
0xe3: {  	s17 =	simm.s32 @!p1 $0x80;
	[sflag:s14] =	ssyncadd.s32 @!p1 $0xFFFFF000;
	s14 =	rddreg [dreg:$0x9]  }
0xe4: {  	[spmem:s3] =	stream.indirect.scatter.add.f32 @!p1 [tilespmem:s16], [sflag:$0x10], $0x20, s11, s17, $0xb8;
	[tilespmem:$0x9800] =	vst v63  }
0xe5: {  	s11 =	sadd.s32 @!p2 s26, s20;
	s16 =	simm.s32 @!p2 $0x0;
	s17 =	simm.s32 @!p2 $0x180  }
0xe6: {  	[tilespmem:s17], [sflag:$0x4] =	stream.linear.gather @!p2 [hbm4b:s11+s16], $0x80, $0x38;
	[tilespmem:$0x9800] =	vst v63  }
0xe7: {  	s11 =	sadd.s32 @!p2 s26, s14;
	s14 =	simm.s32 @!p2 $0x580  }
0xe8: {  	[tilespmem:s14], [sflag:$0x4] =	stream.linear.gather @!p2 [hbm4b:s11+s16], $0x80, $0x38;
	[tilespmem:$0x9800] =	vst v63  }
0xe9: {  	_ =	swait.ge [sflag:s1], $0x80  }
0xea: {  	[sflag:s1] =	ssyncset.done $0x0  }
0xeb: {  	s12 =	smov.u32 s28;
	[sflag:s1] =	ssyncadd.s32 $0xFFFFFF80  }
0xec: {  	s26 =	smov.u32 s12;
	_ =	swait.ge [sflag:s1], $0x80  }
0xed: {  	p1 =	seq.s32 s26, $0x0;
	[sflag:s1] =	ssyncset.done $0x0  }
0xee: {  	s11 =	simm.s32 @!p1 $0xE;
	[sflag:s1] =	ssyncadd.s32 $0xFFFFFF80  }
0xef: {  	_ =	swait.ge @!p1 [sflag:s11], $0x1000  }
0xf0: {  	[sflag:s11] =	ssyncset.done @!p1 $0x0  }
0xf1: {  	[sflag:s11] =	ssyncadd.s32 @!p1 $0xFFFFF000  }
0xf2: {  	[tilespmem:s6], [sflag:$0xA] =	stream.indirect.gather [hbm4b:s2+s25], $0x20, s25, s25, $0xb8;
	[tilespmem:$0x9800] =	vst v63  }
0xf3: {  	_ =	swait.ge [sflag:s7], $0x1000  }
0xf4: {  	s0 =	simm.s32 $0x400;
	[sflag:s7] =	ssyncset.done $0x0;
	s4 =	rddreg [dreg:$0x7]  }
0xf5: {  	s18 =	simm.s32 $0x800;
	[sflag:s7] =	ssyncadd.s32 $0xFFFFF000;
	s11 =	sadd.s32 s26, s4  }
0xf6: {  	[spmem:s3] =	stream.indirect.scatter.add.f32 [tilespmem:s18], [sflag:$0xD], $0x20, s0, s25, $0xb8;
	[tilespmem:$0x9800] =	vst v63  }
0xf7: {  	s21 =	simm.s32 $0x200;
	s6 =	sor.u32 $0x800, s11  }
0xf8: {  	s17 =	simm.s32 $0x0;
	s9 =	rddreg [dreg:$0x8];
	s12 =	sadd.s32 s5, s6  }
0xf9: {  	[tilespmem:s21], [sflag:$0x5] =	stream.linear.gather [hbm4b:s12+s17], $0x80, $0x38;
	[tilespmem:$0x9800] =	vst v63  }
0xfa: {  	s14 =	sadd.s32 s26, s9;
	s4 =	simm.s32 $0x600  }
0xfb: {  	[tilespmem:s4], [sflag:$0x5] =	stream.linear.gather [hbm4b:s14+s17], $0x80, $0x38;
	[tilespmem:$0x9800] =	vst v63  }
0xfc: {  	_ =	swait.ge [sflag:s13], $0x80  }
0xfd: {  	[sflag:s13] =	ssyncset.done $0x0  }
0xfe: {  	[sflag:s13] =	ssyncadd.s32 $0xFFFFFF80  }
0xff: {  	_ =	swait.ge [sflag:s13], $0x80  }
0x100: {  	[sflag:s13] =	ssyncset.done $0x0  }
0x101: {  	s16 =	simm.s32 @!p1 $0xF;
	[sflag:s13] =	ssyncadd.s32 $0xFFFFFF80  }
0x102: {  	_ =	swait.ge @!p1 [sflag:s16], $0x1000  }
0x103: {  	[sflag:s16] =	ssyncset.done @!p1 $0x0  }
0x104: {  	s20 =	simm.s32 $0x100;
	s6 =	simm.s32 $0x2800;
	[sflag:s16] =	ssyncadd.s32 @!p1 $0xFFFFF000  }
0x105: {  	[tilespmem:s6], [sflag:$0xB] =	stream.indirect.gather [hbm4b:s2+s25], $0x20, s20, s25, $0xb8;
	[tilespmem:$0x9800] =	vst v63  }
0x106: {  	_ =	swait.ge [sflag:s15], $0x1000  }
0x107: {  	s23 =	simm.s32 $0x1800;
	[sflag:s15] =	ssyncset.done $0x0  }
0x108: {  	s11 =	sor.u32 $0xA00, s11;
	s16 =	simm.s32 $0x480;
	[sflag:s15] =	ssyncadd.s32 $0xFFFFF000  }
0x109: {  	[spmem:s3] =	stream.indirect.scatter.add.f32 [tilespmem:s23], [sflag:$0xE], $0x20, s16, s25, $0xb8;
	[tilespmem:$0x9800] =	vst v63  }
0x10a: {  	s11 =	sadd.s32 s5, s11;
	s9 =	rddreg [dreg:$0x6];
	s23 =	simm.s32 $0x280  }
0x10b: {  	[tilespmem:s23], [sflag:$0x6] =	stream.linear.gather [hbm4b:s11+s17], $0x80, $0x38;
	[tilespmem:$0x9800] =	vst v63  }
0x10c: {  	s20 =	sadd.s32 s26, s9;
	s9 =	simm.s32 $0x680  }
0x10d: {  	[tilespmem:s9], [sflag:$0x6] =	stream.linear.gather [hbm4b:s20+s17], $0x80, $0x38;
	[tilespmem:$0x9800] =	vst v63  }
0x10e: {  	_ =	swait.ge [sflag:s19], $0x80  }
0x10f: {  	[sflag:s19] =	ssyncset.done $0x0  }
0x110: {  	[sflag:s19] =	ssyncadd.s32 $0xFFFFFF80  }
0x111: {  	_ =	swait.ge [sflag:s19], $0x80  }
0x112: {  	[sflag:s19] =	ssyncset.done $0x0  }
0x113: {  	s12 =	simm.s32 @!p1 $0x10;
	[sflag:s19] =	ssyncadd.s32 $0xFFFFFF80  }
0x114: {  	_ =	swait.ge @!p1 [sflag:s12], $0x1000  }
0x115: {  	s20 =	simm.s32 $0x3800;
	[sflag:s12] =	ssyncset.done @!p1 $0x0  }
0x116: {  	s17 =	simm.s32 $0xB;
	[sflag:s12] =	ssyncadd.s32 @!p1 $0xFFFFF000;
	s12 =	simm.s32 $0x180  }
0x117: {  	[tilespmem:s20], [sflag:$0xC] =	stream.indirect.gather [hbm4b:s2+s25], $0x20, s12, s25, $0xb8;
	[tilespmem:$0x9800] =	vst v63  }
0x118: {  	s0 =	sadd.s32 $0x6, s29;
	_ =	swait.ge [sflag:s17], $0x1000  }
0x119: {  	p2 =	sge.u32 s0, s8;
	s0 =	simm.s32 $0x500;
	[sflag:s17] =	ssyncset.done $0x0  }
0x11a: {  	s14 =	simm.s32 @!p2 $0x0;
	s12 =	rddreg [dreg:$0x10];
	[sflag:s17] =	ssyncadd.s32 $0xFFFFF000  }
0x11b: {  	[spmem:s3] =	stream.indirect.scatter.add.f32 [tilespmem:s6], [sflag:$0xF], $0x20, s0, s25, $0xb8;
	[tilespmem:$0x9800] =	vst v63  }
0x11c: {  	s16 =	simm.s32 @!p2 $0x300;
	s17 =	rddreg [dreg:$0xf];
	s12 =	sadd.s32 @!p2 s26, s12  }
0x11d: {  	[tilespmem:s16], [sflag:$0x7] =	stream.linear.gather @!p2 [hbm4b:s12+s14], $0x80, $0x38;
	[tilespmem:$0x9800] =	vst v63  }
0x11e: {  	s11 =	simm.s32 @!p2 $0x700;
	s12 =	sadd.s32 @!p2 s26, s17  }
0x11f: {  	[tilespmem:s11], [sflag:$0x7] =	stream.linear.gather @!p2 [hbm4b:s12+s14], $0x80, $0x38;
	[tilespmem:$0x9800] =	vst v63  }
0x120: {  	_ =	swait.ge [sflag:s10], $0x80  }
0x121: {  	[sflag:s10] =	ssyncset.done $0x0  }
0x122: {  	[sflag:s10] =	ssyncadd.s32 $0xFFFFFF80  }
0x123: {  	_ =	swait.ge [sflag:s10], $0x80  }
0x124: {  	[sflag:s10] =	ssyncset.done $0x0  }
0x125: {  	s16 =	simm.s32 $0xD;
	[sflag:s10] =	ssyncadd.s32 $0xFFFFFF80  }
0x126: {  	_ =	swait.ge [sflag:s16], $0x1000  }
0x127: {  	[sflag:s16] =	ssyncset.done $0x0  }
0x128: {  	s17 =	simm.s32 $0xC;
	s14 =	sadd.s32 $0x7, s29;
	[sflag:s16] =	ssyncadd.s32 $0xFFFFF000  }
0x129: {  	[tilespmem:s18], [sflag:$0x9] =	stream.indirect.gather [hbm4b:s2+s25], $0x20, s21, s25, $0xb8;
	[tilespmem:$0x9800] =	vst v63  }
0x12a: {  	p1 =	sge.u32 s14, s8;
	_ =	swait.ge [sflag:s17], $0x1000  }
0x12b: {  	s11 =	simm.s32 @!p1 $0x0;
	[sflag:s17] =	ssyncset.done $0x0  }
0x12c: {  	s21 =	simm.s32 $0x580;
	s16 =	rddreg [dreg:$0xe];
	[sflag:s17] =	ssyncadd.s32 $0xFFFFF000  }
0x12d: {  	[spmem:s3] =	stream.indirect.scatter.add.f32 [tilespmem:s20], [sflag:$0x10], $0x20, s21, s25, $0xb8;
	[tilespmem:$0x9800] =	vst v63  }
0x12e: {  	s12 =	simm.s32 @!p1 $0x380;
	s17 =	rddreg [dreg:$0xd];
	s16 =	sadd.s32 @!p1 s26, s16  }
0x12f: {  	[tilespmem:s12], [sflag:$0x8] =	stream.linear.gather @!p1 [hbm4b:s16+s11], $0x80, $0x38;
	[tilespmem:$0x9800] =	vst v63  }
0x130: {  	s14 =	simm.s32 @!p1 $0x780;
	s12 =	sadd.s32 @!p1 s26, s17  }
0x131: {  	[tilespmem:s14], [sflag:$0x8] =	stream.linear.gather @!p1 [hbm4b:s12+s11], $0x80, $0x38;
	[tilespmem:$0x9800] =	vst v63  }
0x132: {  	_ =	swait.ge [sflag:s24], $0x80  }
0x133: {  	[sflag:s24] =	ssyncset.done $0x0  }
0x134: {  	[sflag:s24] =	ssyncadd.s32 $0xFFFFFF80  }
0x135: {  	_ =	swait.ge [sflag:s24], $0x80  }
0x136: {  	[sflag:s24] =	ssyncset.done $0x0  }
0x137: {  	s20 =	simm.s32 $0xE;
	[sflag:s24] =	ssyncadd.s32 $0xFFFFFF80  }
0x138: {  	_ =	swait.ge [sflag:s20], $0x1000  }
0x139: {  	[sflag:s20] =	ssyncset.done $0x0  }
0x13a: {  	s6 =	simm.s32 $0x1800;
	[sflag:s20] =	ssyncadd.s32 $0xFFFFF000  }
0x13b: {  	[tilespmem:s6], [sflag:$0xA] =	stream.indirect.gather [hbm4b:s2+s25], $0x20, s23, s25, $0xb8;
	[tilespmem:$0x9800] =	vst v63  }
0x13c: {  	s31 =	smov.u32 s29;
	s29 =	sadd.s32 $0x8, s29;
	_ =	swait.ge [sflag:s7], $0x1000  }
0x13d: {  	s30 =	sadd.s32 $0x8000, s30;
	p1 =	sge.u32 s29, s8;
	[sflag:s7] =	ssyncset.done $0x0  }
0x13e: {  	s11 =	sshrl.u32 @!p1 s30, $0x3;
	s21 =	rddreg [dreg:$0x4];
	[sflag:s7] =	ssyncadd.s32 $0xFFFFF000  }
0x13f: {  	[spmem:s3] =	stream.indirect.scatter.add.f32 [tilespmem:s18], [sflag:$0xD], $0x20, s4, s25, $0xb8;
	[tilespmem:$0x9800] =	vst v63  }
0x140: {  	s12 =	simm.s32 @!p1 $0x0;
	s11 =	sadd.s32 @!p1 s5, s11;
	s16 =	rddreg [dreg:$0x11]  }
0x141: {  	[tilespmem:s12], [sflag:$0x1] =	stream.linear.gather @!p1 [hbm4b:s11+s12], $0x80, $0x38;
	[tilespmem:$0x9800] =	vst v63  }
0x142: {  	p2 =	sge.u32 s31, s21;
	s11 =	sadd.s32 @!p1 s26, s16;
	s16 =	simm.s32 @!p1 $0x400  }
0x143: {  	[tilespmem:s16], [sflag:$0x1] =	stream.linear.gather @!p1 [hbm4b:s11+s12], $0x80, $0x38;
	[tilespmem:$0x9800] =	vst v63  }
0x144: {  	s11 =	simm.s32 @!p2 $0x7  }
0x145: {  	_ =	swait.ge @!p2 [sflag:s11], $0x80  }
0x146: {  	[sflag:s11] =	ssyncset.done @!p2 $0x0  }
0x147: {  	[sflag:s11] =	ssyncadd.s32 @!p2 $0xFFFFFF80  }
0x148: {  	_ =	swait.ge @!p2 [sflag:s11], $0x80  }
0x149: {  	[sflag:s11] =	ssyncset.done @!p2 $0x0  }
0x14a: {  	[sflag:s11] =	ssyncadd.s32 @!p2 $0xFFFFFF80;
	s11 =	simm.s32 @!p2 $0xF  }
0x14b: {  	s23 =	sadd.s32 $0x9, s31;
	s12 =	sadd.s32 @!p2 $0xA, s31;
	_ =	swait.ge @!p2 [sflag:s11], $0x1000  }
0x14c: {  	s14 =	simm.s32 @!p2 $0x300;
	p3 =	sge.u32 @!p2 s12, s8;
	[sflag:s11] =	ssyncset.done @!p2 $0x0  }
0x14d: {  	s12 =	simm.s32 @!p2 $0x80;
	[sflag:s11] =	ssyncadd.s32 @!p2 $0xFFFFF000;
	s11 =	simm.s32 @!p2 $0x2800  }
0x14e: {  	[tilespmem:s11], [sflag:$0xB] =	stream.indirect.gather @!p2 [hbm4b:s2+s12], $0x20, s14, s12, $0xb8;
	[tilespmem:$0x9800] =	vst v63  }
0x14f: {  	p4 =	sge.u32 s23, s8;
	_ =	swait.ge [sflag:s15], $0x1000  }
0x150: {  	s17 =	simm.s32 @!p4 $0x80;
	[sflag:s15] =	ssyncset.done $0x0  }
0x151: {  	p1 =	sge.u32 @!p2 s31, s22;
	s14 =	rddreg [dreg:$0x13];
	[sflag:s15] =	ssyncadd.s32 $0xFFFFF000  }
0x152: {  	[spmem:s3] =	stream.indirect.scatter.add.f32 [tilespmem:s6], [sflag:$0xE], $0x20, s9, s25, $0xb8;
	[tilespmem:$0x9800] =	vst v63  }
0x153: {  	s16 =	simm.s32 @!p4 $0x0;
	s20 =	rddreg [dreg:$0x12];
	s14 =	sadd.s32 @!p4 s26, s14  }
0x154: {  	[tilespmem:s17], [sflag:$0x2] =	stream.linear.gather @!p4 [hbm4b:s14+s16], $0x80, $0x38;
	[tilespmem:$0x9800] =	vst v63  }
0x155: {  	s0 =	simm.s32 @!p4 $0x480;
	p1 =	por p1, p2;
	s14 =	sadd.s32 @!p4 s26, s20  }
0x156: {  	[tilespmem:s0], [sflag:$0x2] =	stream.linear.gather @!p4 [hbm4b:s14+s16], $0x80, $0x38;
	[tilespmem:$0x9800] =	vst v63  }
0x157: {  	s0 =	simm.s32 @!p1 $0x8  }
0x158: {  	_ =	swait.ge @!p1 [sflag:s0], $0x80  }
0x159: {  	[sflag:s0] =	ssyncset.done @!p1 $0x0  }
0x15a: {  	[sflag:s0] =	ssyncadd.s32 @!p1 $0xFFFFFF80  }
0x15b: {  	_ =	swait.ge @!p1 [sflag:s0], $0x80  }
0x15c: {  	[sflag:s0] =	ssyncset.done @!p1 $0x0  }
0x15d: {  	[sflag:s0] =	ssyncadd.s32 @!p1 $0xFFFFFF80;
	s0 =	simm.s32 @!p1 $0x10  }
0x15e: {  	_ =	swait.ge @!p1 [sflag:s0], $0x1000  }
0x15f: {  	s17 =	simm.s32 @!p1 $0x380;
	s14 =	simm.s32 @!p1 $0x3800;
	[sflag:s0] =	ssyncset.done @!p1 $0x0  }
0x160: {  	s16 =	simm.s32 @!p2 $0xB;
	[sflag:s0] =	ssyncadd.s32 @!p1 $0xFFFFF000;
	s0 =	simm.s32 @!p1 $0x80  }
0x161: {  	[tilespmem:s14], [sflag:$0xC] =	stream.indirect.gather @!p1 [hbm4b:s2+s0], $0x20, s17, s0, $0xb8;
	[tilespmem:$0x9800] =	vst v63  }
0x162: {  	s28 =	sadd.s32 $0x1000, s28;
	_ =	swait.ge @!p2 [sflag:s16], $0x1000  }
0x163: {  	p0 =	sne.s32 s28, $0xA000;
	s0 =	rddreg [dreg:$0xc]  }
0x164: {  	p4 =	por p3, p2;
	p1 =	sge.u32 s31, s22;
	s14 =	rddreg [dreg:$0x5]  }
0x165: {  	s17 =	simm.s32 @!p4 $0x0;
	[sflag:s16] =	ssyncset.done @!p2 $0x0;
	s20 =	rddreg [dreg:$0xb]  }
0x166: {  	[sflag:s16] =	ssyncadd.s32 @!p2 $0xFFFFF000;
	s16 =	simm.s32 @!p2 $0x700;
	s0 =	sadd.s32 @!p4 s26, s0  }
0x167: {  	[spmem:s3] =	stream.indirect.scatter.add.f32 @!p2 [tilespmem:s11], [sflag:$0xF], $0x20, s16, s12, $0xb8;
	[tilespmem:$0x9800] =	vst v63  }
.Ltmp0:
0x168: {  	s11 =	simm.s32 @!p4 $0x100;
	p2 =	sge.u32 @!p1 s31, s14;
	(pc) =	sbr.rel @p0 .LBB2_2-.Ltmp0, $4  }
0x169: {  	s12 =	sadd.s32 @!p1 $0xB, s31;
	s14 =	simm.s32 @!p4 $0x500;
	p3 =	por p2, p1  }
0x16a: {  	[tilespmem:s11], [sflag:$0x3] =	stream.linear.gather @!p4 [hbm4b:s0+s17], $0x80, $0x38;
	[tilespmem:$0x9800] =	vst v63  }
0x16b: {  	p2 =	sge.u32 @!p1 s12, s8;
	s0 =	sadd.s32 @!p4 s26, s20;
	s11 =	simm.s32 @!p3 $0x1  }
0x16c: {  	[tilespmem:s14], [sflag:$0x3] =	stream.linear.gather @!p4 [hbm4b:s0+s17], $0x80, $0x38;
	[tilespmem:$0x9800] =	vst v63  }
0x16d: {  	_ =	swait.ge @!p3 [sflag:s11], $0x80  }
0x16e: {  	[sflag:s11] =	ssyncset.done @!p3 $0x0  }
0x16f: {  	[sflag:s11] =	ssyncadd.s32 @!p3 $0xFFFFFF80  }
0x170: {  	_ =	swait.ge @!p3 [sflag:s11], $0x80  }
0x171: {  	[sflag:s11] =	ssyncset.done @!p3 $0x0  }
0x172: {  	s0 =	simm.s32 @!p3 $0xD;
	[sflag:s11] =	ssyncadd.s32 @!p3 $0xFFFFFF80  }
0x173: {  	_ =	swait.ge @!p3 [sflag:s0], $0x1000  }
0x174: {  	s12 =	simm.s32 @!p3 $0x80;
	s14 =	simm.s32 @!p3 $0x0;
	[sflag:s0] =	ssyncset.done @!p3 $0x0  }
0x175: {  	s11 =	simm.s32 @!p3 $0x800;
	[sflag:s0] =	ssyncadd.s32 @!p3 $0xFFFFF000;
	s0 =	simm.s32 @!p1 $0xC  }
0x176: {  	[tilespmem:s11], [sflag:$0x9] =	stream.indirect.gather @!p3 [hbm4b:s2+s12], $0x20, s14, s12, $0xb8;
	[tilespmem:$0x9800] =	vst v63  }
0x177: {  	p0 =	por p2, p1;
	s11 =	simm.s32 @!p1 $0x780;
	_ =	swait.ge @!p1 [sflag:s0], $0x1000  }
0x178: {  	s12 =	simm.s32 @!p1 $0x3800;
	[sflag:s0] =	ssyncset.done @!p1 $0x0;
	s16 =	rddreg [dreg:$0xa]  }
0x179: {  	s14 =	simm.s32 @!p1 $0x80;
	[sflag:s0] =	ssyncadd.s32 @!p1 $0xFFFFF000;
	s0 =	rddreg [dreg:$0x9]  }
0x17a: {  	[spmem:s3] =	stream.indirect.scatter.add.f32 @!p1 [tilespmem:s12], [sflag:$0x10], $0x20, s11, s14, $0xb8;
	[tilespmem:$0x9800] =	vst v63  }
0x17b: {  	s11 =	sadd.s32 @!p0 s26, s16;
	s12 =	simm.s32 @!p0 $0x0;
	s14 =	simm.s32 @!p0 $0x180  }
0x17c: {  	[tilespmem:s14], [sflag:$0x4] =	stream.linear.gather @!p0 [hbm4b:s11+s12], $0x80, $0x38;
	[tilespmem:$0x9800] =	vst v63  }
0x17d: {  	s18 =	simm.s32 $0xD;
	s0 =	sadd.s32 @!p0 s26, s0;
	s11 =	simm.s32 @!p0 $0x580  }
0x17e: {  	[tilespmem:s11], [sflag:$0x4] =	stream.linear.gather @!p0 [hbm4b:s0+s12], $0x80, $0x38;
	[tilespmem:$0x9800] =	vst v63  }
0x17f: {  	_ =	swait.ge [sflag:s18], $0x1000  }
0x180: {  	[sflag:s18] =	ssyncset.done $0x0  }
0x181: {  	s20 =	simm.s32 $0xE;
	[sflag:s18] =	ssyncadd.s32 $0xFFFFF000  }
0x182: {  	_ =	swait.ge [sflag:s20], $0x1000  }
0x183: {  	[sflag:s20] =	ssyncset.done $0x0  }
0x184: {  	s21 =	simm.s32 $0xF;
	[sflag:s20] =	ssyncadd.s32 $0xFFFFF000  }
0x185: {  	_ =	swait.ge [sflag:s21], $0x1000  }
0x186: {  	[sflag:s21] =	ssyncset.done $0x0  }
0x187: {  	s22 =	simm.s32 $0x10;
	[sflag:s21] =	ssyncadd.s32 $0xFFFFF000  }
0x188: {  	_ =	swait.ge [sflag:s22], $0x1000  }
0x189: {  	[sflag:s22] =	ssyncset.done $0x0  }
0x18a: {  	[sflag:s22] =	ssyncadd.s32 $0xFFFFF000  }
0x18b: {  	[bflag:$0x0] =	sbarrier.arrive $0xFFFF  }
0x18c: {  	s9 =	sld [smem:$0x7FA]  }
0x18d: {  	s12 =	rddreg [dreg:$0x17]  }
0x18e: {  	s11 =	simm.s32 $0x11;
	s23 =	rddreg [dreg:$0x1f]  }
0x18f: {  	[hbm:s23], [sflag:s12] =	dma.local [spmem:s9], $0xA00  }
0x190: {  	_ =	swait.ge [sflag:s11], $0xA00  }
0x191: {  	s23 =	sld [smem:$0x7F9]  }
0x192: {  	s26 =	sld [smem:$0x7FC];
	_ =	sdelay $0x1  }
0x193: {  	s23 =	sadd.s32 $0x1, s23  }
0x194: {  	s17 =	simm.s32 $0x100;
	p0 =	sne.s32 s23, s26  }
.Ltmp1:
0x195: {  	s28 =	simm.s32 $0x180;
	s29 =	simm.s32 $0x580;
	(pc) =	sbr.rel @p0 .LBB2_1-.Ltmp1, $4  }
0x196: {  	s30 =	simm.s32 $0x200;
	s31 =	simm.s32 $0x2800;
	s4 =	simm.s32 $0x0  }
0x197: {  	s16 =	simm.s32 $0x480;
	s14 =	simm.s32 $0x400;
	s18 =	simm.s32 $0x680  }
0x198: {  	s20 =	simm.s32 $0x500;
	s21 =	simm.s32 $0x280;
	[sflag:s11] =	ssyncset.done $0x0  }
0x199: {  	s22 =	simm.s32 $0x3800;
	s9 =	simm.s32 $0x800;
	[sflag:s11] =	ssyncadd.s32 $0xFFFFF600  }
0x19a: {  	_ =	sfence.sel $0x180000  }
0x19b: {  	[bflag:$0x0] =	sbarrier.arrive $0xFFFF  }
0x19c: {  	_ =	strace $0x9000004A  }
0x19d: {  	s0 =	stileid.u32;
	[bflag:$0x2] =	sbarrier.arrive $0xFFFF  }
0x19e: {  	p0 =	sne.s32 s0, $0x0;
	s0 =	rddreg [dreg:$0x3]  }
0x19f: {  	s0 =	sadd.s32 @!p0 $0x100000, s0  }
0x1a0: {  	[sflag:s0] =	ssyncadd.tile.s32 @!p0 $0x1;
	_ =	shalt  }
.Lfunc_end2:
_tile_overlayer_lowered:
.L_overlay_start_2:
0x1a1: {  	(tag) =	ssettag $0x2  }
0x1a2: {  	s0 =	rddreg [dreg:$0x0];
	s2 =	stileid.u32  }
0x1a3: {  	s1 =	rddreg [dreg:$0x1];
	p0 =	sne.s32 s2, $0x0  }
0x1a4: {  	s3 =	rddreg [dreg:$0x2];
	[bflag:$0x3] =	sbarrier.arrive $0xFFFF;
	s2 =	simm.s32 @!p0 $0x1C11  }
0x1a5: {  	[timem:s3], [sflag:s2] =	dma.local @!p0 [hbm:s0], s1  }
0x1a6: {  	s0 =	simm.s32 @!p0 $0x11  }
0x1a7: {  	_ =	swait.ge @!p0 [sflag:s0], s1  }
0x1a8: {  	s1 =	ssub.s32 @!p0 $0x0, s1;
	[sflag:s0] =	ssyncset.done @!p0 $0x0  }
0x1a9: {  	[sflag:s0] =	ssyncadd.s32 @!p0 s1  }
0x1aa: {  	[bflag:$0x3] =	sbarrier.arrive $0xFFFF  }
0x1ab: {  	_ =	shalt  }

// kernel: kernel.7.cloned.1.call-start
scs
__scs_entry_jumppad:
0x0: {  	(pc) =	sbr.rel $0x88, $3  }
0x1: {  	(tag) =	ssettag $0x0;
	lr =	simm.s32 $0x1  }
0x2: {  	[smem:$0x3F99] =	sst lr;
	_ =	strace $0xD0000000  }
0x3: {  	_ = 	snop  }
0x4: {  	_ = 	snop  }
0x5: {  	_ = 	snop  }
0x6: {  	_ = 	snop  }
0x7: {  	_ = 	snop  }
__scs_overlays_trampoline_lowered:
0x8: {  	[smem:$0x3FA8] =	sst s0  }
0x9: {  	[smem:$0x3FA9] =	sst s1  }
0xa: {  	[smem:$0x3FAA] =	sst s2  }
0xb: {  	[smem:$0x3FAB] =	sst s3  }
0xc: {  	[smem:$0x3FAC] =	sst s4  }
0xd: {  	[smem:$0x3FAD] =	sst s5  }
0xe: {  	[smem:$0x3FAE] =	sst s6  }
0xf: {  	[smem:$0x3FAF] =	sst s7  }
0x10: {  	[smem:$0x3FB0] =	sst s8  }
0x11: {  	[smem:$0x3FB1] =	sst s9;
	s0 =	simm.s32 @!p0 $0x0  }
0x12: {  	s1 =	sld [smem:$0x3F97];
	s0 =	simm.s32 @p0 $0x1  }
0x13: {  	[smem:$0x3FB2] =	sst s0;
	s0 =	simm.s32 @!p1 $0x0  }
0x14: {  	s2 =	sld [smem:$0x3F96];
	s0 =	simm.s32 @p1 $0x1  }
0x15: {  	[smem:$0x3FB3] =	sst s0;
	s0 =	simm.s32 @!p2 $0x0  }
0x16: {  	s3 =	sld [smem:$0x3FDB];
	s0 =	simm.s32 @p2 $0x1  }
0x17: {  	s4 =	simm.s32 $0x1BF5;
	[smem:$0x3FB5] =	sst s0  }
0x18: {  	s0 =	sld [smem:$0x3F98];
	_ =	swait.ge [sflag:s4], $0x0  }
0x19: {  	s7 =	sld [smem:$0x3F99]  }
0x1a: {  	s8 =	sadd.s32 $0xFFFFE003, lr  }
0x1b: {  	s9 =	sadd.s32 $0xFFFFFEF7, lr;
	s5 =	simm.s32 $0xFFFFFFFF;
	p2 =	slt.u32 s8, $0xFFFFF086  }
0x1c: {  	p1 =	slt.u32 s9, $0xF7A;
	s5 =	simm.s32 @!p2 $0x0  }
0x1d: {  	s5 =	simm.s32 @p1 $0x1;
	p0 =	seq.s32 s7, s2  }
0x1e: {  	s7 =	smul.u32 @!p0 $0xF7A, s2;
	p2 =	seq.s32 @!p0 s5, $0x0  }
0x1f: {  	s9 =	smul.u32 $0xF7A, s1;
	s8 =	simm.s32 @!p0 $0x1BF5;
	p2 =	por !p2, p0  }
0x20: {  	[sflag:s8] =	ssyncset.s32 @!p0 $0xFFFFF086;
	s6 =	sadd.s32 @!p0 s3, s7;
	s7 =	simm.s32 @!p0 $0x108  }
0x21: {  	s3 =	sadd.s32 s3, s9;
	s6 =	sadd.s32 @!p0 $0x88, s6;
	s7 =	simm.s32 @p2 $0x1082  }
0x22: {  	[simem:s7], [sflag:s8] =	dma.local @!p0 [hbm:s6], $0xF7A  }
0x23: {  	s9 =	sor.u32 $0xD0000000, s2;
	s6 =	simm.s32 $0x108;
	_ =	swait.ge @!p0 [sflag:s8], $0x0  }
0x24: {  	s3 =	sadd.s32 $0x88, s3;
	s6 =	simm.s32 @!p1 $0x1082;
	[sflag:s4] =	ssyncset.s32 $0xFFFFF086  }
0x25: {  	[simem:s6], [sflag:s4] =	dma.local [hbm:s3], $0xF7A  }
0x26: {  	[smem:$0x3F99] =	sst s1;
	(tag) =	ssettag s2;
	_ =	strace s9  }
0x27: {  	s1 =	sld [smem:$0x3FA9]  }
0x28: {  	s2 =	sld [smem:$0x3FAA]  }
0x29: {  	s4 =	sld [smem:$0x3FAC]  }
0x2a: {  	p0 =	seq.s32 s5, $0x0;
	s5 =	sld [smem:$0x3FAD]  }
0x2b: {  	s6 =	sld [smem:$0x3FAE]  }
0x2c: {  	s7 =	sld [smem:$0x3FAF]  }
0x2d: {  	s3 =	simm.s32 $0x108;
	s8 =	sld [smem:$0x3FB0]  }
0x2e: {  	s3 =	simm.s32 @!p0 $0x1082;
	s9 =	sld [smem:$0x3FB1]  }
0x2f: {  	lr =	sadd.s32 s0, s3;
	s0 =	sld [smem:$0x3FA8]  }
0x30: {  	s3 =	sld [smem:$0x3FAB]  }
0x31: {  	[smem:$0x3FB4] =	sst s10  }
0x32: {  	s10 =	sld [smem:$0x3FB2];
	_ =	sdelay $0x3  }
0x33: {  	p0 =	seq.s32 s10, $0x1;
	s10 =	sld [smem:$0x3FB4];
	_ =	sdelay $0x3  }
0x34: {  	[smem:$0x3FB4] =	sst s10  }
0x35: {  	s10 =	sld [smem:$0x3FB3];
	_ =	sdelay $0x3  }
0x36: {  	p1 =	seq.s32 s10, $0x1;
	s10 =	sld [smem:$0x3FB4];
	_ =	sdelay $0x3  }
0x37: {  	[smem:$0x3FB4] =	sst s10  }
0x38: {  	s10 =	sld [smem:$0x3FB5]  }
0x39: {  	_ = 	snop;
	(pc) =	sbr.ind lr, $3  }
0x3a: {  	_ = 	snop  }
0x3b: {  	_ = 	snop  }
0x3c: {  	p2 =	seq.s32 s10, $0x1;
	s10 =	sld [smem:$0x3FB4]  }
0x3d: {  	_ =	shalt  }
0x3e: {  	_ =	shalt  }
0x3f: {  	_ =	shalt  }
0x40: {  	_ =	shalt  }
0x41: {  	_ =	shalt  }
0x42: {  	_ =	shalt  }
0x43: {  	_ =	shalt  }
0x44: {  	_ =	shalt  }
0x45: {  	_ =	shalt  }
0x46: {  	_ =	shalt  }
0x47: {  	_ =	shalt  }
0x48: {  	_ =	shalt  }
0x49: {  	_ =	shalt  }
0x4a: {  	_ =	shalt  }
0x4b: {  	_ =	shalt  }
0x4c: {  	_ =	shalt  }
0x4d: {  	_ =	shalt  }
0x4e: {  	_ =	shalt  }
0x4f: {  	_ =	shalt  }
0x50: {  	_ =	shalt  }
0x51: {  	_ =	shalt  }
0x52: {  	_ =	shalt  }
0x53: {  	_ =	shalt  }
0x54: {  	_ =	shalt  }
0x55: {  	_ =	shalt  }
0x56: {  	_ =	shalt  }
0x57: {  	_ =	shalt  }
0x58: {  	_ =	shalt  }
0x59: {  	_ =	shalt  }
0x5a: {  	_ =	shalt  }
0x5b: {  	_ =	shalt  }
0x5c: {  	_ =	shalt  }
0x5d: {  	_ =	shalt  }
0x5e: {  	_ =	shalt  }
0x5f: {  	_ =	shalt  }
0x60: {  	_ =	shalt  }
0x61: {  	_ =	shalt  }
0x62: {  	_ =	shalt  }
0x63: {  	_ =	shalt  }
0x64: {  	_ =	shalt  }
0x65: {  	_ =	shalt  }
0x66: {  	_ =	shalt  }
0x67: {  	_ =	shalt  }
0x68: {  	_ =	shalt  }
0x69: {  	_ =	shalt  }
0x6a: {  	_ =	shalt  }
0x6b: {  	_ =	shalt  }
0x6c: {  	_ =	shalt  }
0x6d: {  	_ =	shalt  }
0x6e: {  	_ =	shalt  }
0x6f: {  	_ =	shalt  }
0x70: {  	_ =	shalt  }
0x71: {  	_ =	shalt  }
0x72: {  	_ =	shalt  }
0x73: {  	_ =	shalt  }
0x74: {  	_ =	shalt  }
0x75: {  	_ =	shalt  }
0x76: {  	_ =	shalt  }
0x77: {  	_ =	shalt  }
0x78: {  	_ =	shalt  }
0x79: {  	_ =	shalt  }
0x7a: {  	_ =	shalt  }
0x7b: {  	_ =	shalt  }
0x7c: {  	_ =	shalt  }
0x7d: {  	_ =	shalt  }
0x7e: {  	_ =	shalt  }
0x7f: {  	_ =	shalt  }
0x80: {  	_ =	shalt  }
0x81: {  	_ =	shalt  }
0x82: {  	_ =	shalt  }
0x83: {  	_ =	shalt  }
0x84: {  	_ =	shalt  }
0x85: {  	_ =	shalt  }
0x86: {  	_ =	shalt  }
0x87: {  	_ =	shalt  }
.Lfunc_end0:
.L_simem_size_0:
called_computation_lowered:
.L_overlay_start_0:
0x88: {  	s2 =	sld [smem:$0x3FD9]  }
0x89: {  	s3 =	sld [smem:$0x3FFE];
	_ =	sdelay $0x1  }
0x8a: {  	s1 =	srdreg.scid  }
0x8b: {  	s0 =	sand.u32 $0x1, s1  }
0x8c: {  	s17 =	sshll.u32 s0, $0xA;
	s2 =	sadd.s32 s3, s2  }
0x8d: {  	s2 =	sadd.s32 s2, s17  }
0x8e: {  	[smem:$0x3FC0] =	sst s2  }
0x8f: {  	_ = 	snop  }
0x90: {  	s2 =	sld [smem:$0x3FD0];
	(tm) =	ssettm $0x1  }
0x91: {  	s18 =	sld [smem:$0x3FFB];
	_ =	sdelay $0x3  }
0x92: {  	_ =	strace s18  }
0x93: {  	s3 =	sld [smem:$0x3FFC];
	_ =	sdelay $0x3  }
0x94: {  	_ =	strace s3  }
0x95: {  	s3 =	sld [smem:$0x3FFD];
	_ =	sdelay $0x3  }
0x96: {  	_ =	strace s3  }
0x97: {  	_ =	strace $0x8FFFFFFF  }
0x98: {  	s19 =	sld [smem:$0x3FDB];
	_ =	sdelay $0x1  }
0x99: {  	s4 =	simm.s32 $_scs_section_size  }
0x9a: {  	s5 =	simm.s32 $_size__tile_overlayer_lowered;
	s6 =	simm.s32 $_tile_overlayer_lowered  }
0x9b: {  	s22 =	simm.s32 $0x1BFF;
	s21 =	sshll.u32 s6, $0x1;
	s3 =	sadd.s32 s4, s19  }
0x9c: {  	s7 =	simm.s32 $0x0;
	s20 =	sshll.u32 s5, $0x1;
	s5 =	sadd.s32 s21, s3  }
0x9d: {  	[timem:s7], [sflag:s22] =	dma.local [hbm:s5], s20  }
0x9e: {  	_ =	swait.ge [sflag:s22], s20  }
0x9f: {  	s4 =	ssub.s32 $0x0, s20;
	[sflag:s22] =	ssyncset.done $0x0  }
0xa0: {  	[sflag:s22] =	ssyncadd.s32 s4;
	_ =	sdelay $0x1  }
0xa1: {  	s23 =	simm.s32 $0x1B8B  }
0xa2: {  	_ =	swait.ge [sflag:s23], $0x1  }
0xa3: {  	[sflag:s23] =	ssyncset.done $0x0  }
0xa4: {  	s25 =	simm.s32 $0x1B8E;
	s24 =	sld [smem:$0x3FFE];
	[sflag:s23] =	ssyncadd.s32 $0xFFFFFFFF  }
0xa5: {  	s26 =	simm.s32 $execute0_lowered;
	[smem:$0x3FD2] =	sst s25  }
0xa6: {  	s5 =	sshll.u32 s26, $0x1;
	_ =	strace $0x80000046;
	[dreg:$0x1] =	wrdreg $0xFFFFFFFF  }
0xa7: {  	s28 =	simm.s32 $_size_execute0_lowered;
	s3 =	sadd.s32 s3, s5;
	[dreg:$0x0] =	wrdreg $0x0  }
0xa8: {  	s5 =	sshll.u32 s28, $0x1;
	[dreg:$0x2] =	wrdreg s3  }
0xa9: {  	[dreg:$0x3] =	wrdreg s5  }
0xaa: {  	[dreg:$0x4] =	wrdreg $0xC0  }
0xab: {  	_ =	task [dreg:s7], $0x5FFFF  }
0xac: {  	[dreg:$0x1] =	wrdreg $0xFFFFFFFF  }
0xad: {  	[dreg:$0x0] =	wrdreg $0x60  }
0xae: {  	[dreg:$0x2] =	wrdreg s2  }
0xaf: {  	[dreg:$0x3] =	wrdreg s24  }
0xb0: {  	[dreg:$0x4] =	wrdreg $0x48000  }
0xb1: {  	[dreg:$0x5] =	wrdreg $0xC0000  }
0xb2: {  	[dreg:$0x6] =	wrdreg $0x9  }
0xb3: {  	_ =	task.clear_ibuf [dreg:s7], $0x7FFFF;
	_ =	strace $0x90000046  }
0xb4: {  	s29 =	simm.s32 $0x9;
	_ =	strace $0x80000048  }
0xb5: {  	_ =	swait.ge [sflag:s29], $0x1  }
0xb6: {  	[sflag:s29] =	ssyncadd.s32 $0xFFFFFFFF  }
0xb7: {  	_ =	strace $0x90000048  }
0xb8: {  	_ =	sfence  }
0xb9: {  	s30 =	sld [smem:$0x0];
	_ =	sdelay $0x2  }
0xba: {  	s31 =	sshll.u32 s1, $0xD;
	s1 =	sshrl.u32 s1, $0x2  }
0xbb: {  	s3 =	sand.u32 $0x4000, s31;
	s1 =	sadd.s32 s1, s30  }
0xbc: {  	s0 =	sor.u32 s3, s0;
	s1 =	sshll.u32 s1, $0x11  }
0xbd: {  	s0 =	sor.u32 s1, s0  }
0xbe: {  	s0 =	sadd.s32 $0x8F2B, s0  }
0xbf: {  	[sflag:s0] =	ssyncadd.remote.s32 $0x1  }
0xc0: {  	_ =	sfence.sel $0xFFFF  }
0xc1: {  	[dreg:$0x0] =	wrdreg $0xFFFFFFFF;
	(pc) =	sbr.abs _section_cstart, $3  }
0xc2: {  	[dreg:$0x1] =	wrdreg $0xFFFFFFFF  }
0xc3: {  	_ =	task.clear_ibuf [dreg:s7], $0x2FFFF;
	_ =	strace $0x9FFFFFFF  }
0xc4: {  	(tm) =	ssettm $0x7FFFFFFF  }
0xc5: {  	_ =	shalt  }
tec
execute0_lowered:
.L_overlay_start_1:
0x0: {  	(tag) =	ssettag $0x1  }
0x1: {  	s1 =	rddreg [dreg:$0x0]  }
0x2: {  	s2 =	rddreg [dreg:$0x1]  }
0x3: {  	s3 =	rddreg [dreg:$0x2]  }
0x4: {  	s9 =	rddreg [dreg:$0x3]  }
0x5: {  	s14 =	stileid.u32;
	s0 =	srdreg.scid;
	s4 =	simm.s32 $0x0  }
0x6: {  	s29 =	simm.s32 $0x80;
	s28 =	simm.s32 $0x5;
	s31 =	simm.s32 $0x6  }
0x7: {  	s30 =	simm.s32 $0x800;
	s7 =	smul.u32 $0x5000, s14;
	s10 =	sand.u32 $0x1, s0  }
0x8: {  	[smem:$0x7FF] =	sst s4;
	s11 =	smul.u32 $0x2800, s14;
	s5 =	sadd.s32 $0x1C00, s2  }
0x9: {  	s21 =	sshll.u32 s14, $0x6;
	s0 =	smul.u32 $0x50000, s10;
	_ =	strace $0x80000047  }
0xa: {  	s6 =	smul.u32 $0x28000, s10;
	s18 =	ssub.s32 $0x2, s10;
	s13 =	sshll.u32 s10, $0x4  }
0xb: {  	s16 =	sor.u32 $0x1C11, s21;
	s10 =	sshll.u32 s10, $0xB;
	s8 =	sshrl.u32 s7, $0x3  }
0xc: {  	s12 =	sshrl.u32 s18, $0x1;
	s19 =	sor.u32 s14, s13;
	s13 =	smul.u32 $0xA000, s14  }
0xd: {  	[dreg:$0x17] =	wrdreg s16;
	s0 =	sadd.s32 s7, s0;
	s8 =	sadd.s32 s8, s2  }
0xe: {  	s6 =	sadd.s32 s11, s6;
	s7 =	sadd.s32 s7, s3;
	p0 =	slt.u32 s19, $0x4  }
0xf: {  	s11 =	sshll.u32 s19, $0x4;
	s0 =	sshrl.u32 s0, $0x3;
	s6 =	sshrl.u32 s6, $0x3  }
0x10: {  	[dreg:$0x15] =	wrdreg s7;
	s20 =	sadd.s32 $0x15600, s8;
	s8 =	simm.s32 $0x4F  }
0x11: {  	s15 =	sadd.s32 s5, s11;
	s0 =	sadd.s32 s0, s2;
	[dreg:$0x16] =	wrdreg s20  }
0x12: {  	s6 =	sadd.s32 s6, s2;
	s22 =	sadd.s32 $0x9C40, s15;
	[dreg:$0x18] =	wrdreg s15  }
0x13: {  	s2 =	ssub.s32 s18, s12;
	s23 =	sadd.s32 $0x200, s15;
	[dreg:$0x19] =	wrdreg s22  }
0x14: {  	s8 =	simm.s32 @!p0 $0x4E;
	s24 =	sadd.s32 $0x9E40, s15;
	[dreg:$0x1a] =	wrdreg s23  }
0x15: {  	s25 =	sadd.s32 $0x400, s15;
	s26 =	sadd.s32 $0xA040, s15;
	[dreg:$0x1b] =	wrdreg s24  }
0x16: {  	s4 =	sadd.s32 $0x600, s15;
	s12 =	sshll.u32 s14, $0x7;
	[dreg:$0x1c] =	wrdreg s25  }
0x17: {  	s18 =	smul.u32 $0xA00, s14;
	s20 =	sshrl.u32 s13, $0x2;
	[dreg:$0x1d] =	wrdreg s26  }
0x18: {  	[dreg:$0x1e] =	wrdreg s4;
	s11 =	sadd.s32 $0xFFFFFFFA, s8;
	s7 =	sor.u32 s12, s10  }
0x19: {  	s17 =	sadd.s32 $0xFFFFFFF8, s8;
	s10 =	sadd.s32 s20, s9;
	[dreg:$0x5] =	wrdreg s11  }
0x1a: {  	s0 =	sadd.s32 $0x1F600, s0;
	s2 =	smax.u32 s2, $0x1;
	[dreg:$0x6] =	wrdreg s17  }
0x1b: {  	s19 =	sadd.s32 $0x53200, s7;
	[dreg:$0x1f] =	wrdreg s10;
	s22 =	sshrl.u32 s18, $0x2  }
0x1c: {  	s24 =	sadd.s32 $0x52200, s7;
	s25 =	sshrl.u32 s7, $0x3;
	s26 =	sadd.s32 $0x59200, s7  }
0x1d: {  	s12 =	sor.u32 $0xB000, s7;
	s14 =	sadd.s32 $0x58200, s7;
	[smem:$0x7F9] =	sst s0  }
0x1e: {  	s17 =	sor.u32 $0xA000, s7;
	[smem:$0x7FB] =	sst s2;
	s21 =	sshrl.u32 s19, $0x3  }
0x1f: {  	s18 =	sadd.s32 s22, s9;
	s9 =	sshrl.u32 s24, $0x3;
	[dreg:$0x8] =	wrdreg s25  }
0x20: {  	s4 =	sshrl.u32 s26, $0x3;
	s13 =	sshrl.u32 s12, $0x3;
	s10 =	sshrl.u32 s14, $0x3  }
0x21: {  	s20 =	sshrl.u32 s17, $0x3;
	s22 =	sadd.s32 $0x55200, s7;
	s24 =	sor.u32 $0x7000, s7  }
0x22: {  	s25 =	sadd.s32 $0x54200, s7;
	s12 =	sor.u32 $0x6000, s7;
	s14 =	sadd.s32 $0x56200, s7  }
0x23: {  	s17 =	sadd.s32 $0x57200, s7;
	s23 =	sadd.s32 s21, s5;
	[smem:$0x7FD] =	sst s18  }
0x24: {  	s9 =	sadd.s32 s9, s5;
	s11 =	sadd.s32 s4, s5;
	[dreg:$0x7] =	wrdreg s23  }
0x25: {  	s19 =	sadd.s32 s10, s5;
	s21 =	sadd.s32 s20, s5;
	[dreg:$0x9] =	wrdreg s9  }
0x26: {  	s10 =	sshrl.u32 s24, $0x3;
	s4 =	sshrl.u32 s25, $0x3;
	[dreg:$0xa] =	wrdreg s11  }
0x27: {  	s20 =	sshrl.u32 s17, $0x3;
	s24 =	sadd.s32 $0x33600, s6;
	[dreg:$0xc] =	wrdreg s19  }
0x28: {  	s17 =	simm.s32 $0x3;
	s9 =	sadd.s32 s13, s5;
	[dreg:$0xd] =	wrdreg s21  }
0x29: {  	s23 =	sshrl.u32 s22, $0x3;
	s26 =	sadd.s32 s10, s5;
	s11 =	sadd.s32 s4, s5  }
0x2a: {  	s13 =	sshrl.u32 s12, $0x3;
	s10 =	sshrl.u32 s14, $0x3;
	[smem:$0x7FA] =	sst s24  }
0x2b: {  	s21 =	sadd.s32 $0xA240, s15;
	s22 =	sadd.s32 s20, s5;
	[dreg:$0xb] =	wrdreg s9  }
0x2c: {  	s20 =	sadd.s32 $0xFFFFFFF9, s8;
	s4 =	simm.s32 $0x11;
	[dreg:$0xf] =	wrdreg s26  }
0x2d: {  	s15 =	simm.s32 $0x180;
	s12 =	simm.s32 $0x1800;
	[dreg:$0x10] =	wrdreg s11  }
0x2e: {  	s14 =	simm.s32 $0x9800;
	s24 =	simm.s32 $0x4;
	[smem:$0x7F8] =	sst s21  }
0x2f: {  	s9 =	sadd.s32 s23, s5;
	s19 =	sadd.s32 s10, s5;
	[dreg:$0x13] =	wrdreg s22  }
0x30: {  	s23 =	sor.u32 $0x9000, s7;
	s26 =	sor.u32 $0x8000, s7;
	s10 =	simm.s32 $0x400  }
0x31: {  	s22 =	simm.s32 $0x480;
	s7 =	simm.s32 $0x500;
	[dreg:$0xe] =	wrdreg s9  }
0x32: {  	s11 =	simm.s32 $0x2;
	s21 =	simm.s32 $0xA;
	[dreg:$0x12] =	wrdreg s19  }
0x33: {  	s9 =	sadd.s32 s13, s5;
	s25 =	sshrl.u32 s23, $0x3;
	[smem:$0x7FC] =	sst s26  }
0x34: {  	s23 =	simm.s32 $0x100;
	s19 =	simm.s32 $0x580;
	s13 =	simm.s32 $0x9  }
0x35: {  	s26 =	simm.s32 $0x680;
	[dreg:$0x11] =	wrdreg s9;
	s0 =	sadd.s32 s25, s5  }
0x36: {  	v0 =	vimm.f32 $0.0e+00;
	v1 =	vimm.f32 $1.000000000e+00;
	s25 =	simm.s32 $0x0;
	[dreg:$0x14] =	wrdreg s0;
	s0 =	simm.s32 $0x0  }
.LBB2_1:
0x37: {  	[smem:$0x7F6] =	sst s0  }
0x38: {  	s2 =	rddreg [dreg:$0x15]  }
0x39: {  	s18 =	rddreg [dreg:$0x16];
	s9 =	sshrl.u32 s2, $0x3  }
0x3a: {  	[smem:$0x7F7] =	sst s9  }
0x3b: {  	[spmem:s9], [sflag:s16] =	dma.local [hbm:s18], $0xA00  }
0x3c: {  	_ =	swait.ge [sflag:s4], $0xA00  }
0x3d: {  	[sflag:s4] =	ssyncset.done $0x0  }
0x3e: {  	s6 =	simm.s32 $0x0;
	s2 =	simm.s32 $0x40;
	[sflag:s4] =	ssyncadd.s32 $0xFFFFF600  }
.LBB2_2:
0x3f: {  	p0 =	sne.s32 s2, $0x9FC0;
	[tilespmem:s6+$0x9800] =	vst v0;
	s6 =	smov.u32 s2;
	s2 =	sadd.s32 $0x40, s2  }
.Ltmp0:
0x40: {  	(pc) =	sbr.rel @p0 .LBB2_2-.Ltmp0, $2  }
0x41: {  	_ =	sdelay $0x2  }
0x42: {  	s6 =	sshra.s32 s6, $0x2  }
0x43: {  	[tilespmem:s6+$0x9800] =	vst v0  }
0x44: {  	[bflag:$0x0] =	sbarrier.arrive $0xFFFF  }
0x45: {  	s2 =	simm.s32 $0x0;
	s4 =	rddreg [dreg:$0x18]  }
0x46: {  	[tilespmem:s2], [sflag:$0x1] =	stream.linear.gather [hbm4b:s4+s2], $0x80, $0x38;
	[tilespmem:$0x11510] =	vst v63  }
0x47: {  	s16 =	simm.s32 $0x1;
	s9 =	rddreg [dreg:$0x19]  }
0x48: {  	[tilespmem:s10], [sflag:$0x1] =	stream.linear.gather [hbm4b:s9+s2], $0x80, $0x38;
	[tilespmem:$0x11510] =	vst v63  }
0x49: {  	_ =	swait.ge [sflag:s16], $0x80  }
0x4a: {  	[sflag:s16] =	ssyncset.done $0x0  }
0x4b: {  	[sflag:s16] =	ssyncadd.s32 $0xFFFFFF80  }
0x4c: {  	_ =	swait.ge [sflag:s16], $0x80  }
0x4d: {  	[sflag:s16] =	ssyncset.done $0x0;
	s18 =	rddreg [dreg:$0x1a]  }
0x4e: {  	s0 =	rddreg [dreg:$0x1b];
	[sflag:s16] =	ssyncadd.s32 $0xFFFFFF80  }
0x4f: {  	[tilespmem:s29], [sflag:$0x2] =	stream.linear.gather [hbm4b:s18+s2], $0x80, $0x38;
	[tilespmem:$0x11510] =	vst v63  }
0x50: {  	s4 =	rddreg [dreg:$0x1c]  }
0x51: {  	[tilespmem:s22], [sflag:$0x2] =	stream.linear.gather [hbm4b:s0+s2], $0x80, $0x38;
	[tilespmem:$0x11510] =	vst v63  }
0x52: {  	s9 =	rddreg [dreg:$0x1d]  }
0x53: {  	[tilespmem:s23], [sflag:$0x3] =	stream.linear.gather [hbm4b:s4+s2], $0x80, $0x38;
	[tilespmem:$0x11510] =	vst v63  }
0x54: {  	s16 =	rddreg [dreg:$0x1e]  }
0x55: {  	[tilespmem:s7], [sflag:$0x3] =	stream.linear.gather [hbm4b:s9+s2], $0x80, $0x38;
	[tilespmem:$0x11510] =	vst v63  }
0x56: {  	s18 =	sld [smem:$0x7F8]  }
0x57: {  	[tilespmem:s15], [sflag:$0x4] =	stream.linear.gather [hbm4b:s16+s2], $0x80, $0x38;
	[tilespmem:$0x11510] =	vst v63  }
0x58: {  	_ = 	snop  }
0x59: {  	[tilespmem:s19], [sflag:$0x4] =	stream.linear.gather [hbm4b:s18+s2], $0x80, $0x38;
	[tilespmem:$0x11510] =	vst v63  }
0x5a: {  	s0 =	simm.s32 $0x800  }
0x5b: {  	[tilespmem:s0], [sflag:$0x9] =	stream.indirect.gather [hbm4b:s1+s29], $0x20, s2, s29, $0xb8;
	[tilespmem:$0x11510] =	vst v63  }
0x5c: {  	s6 =	sld [smem:$0x7FC];
	s18 =	simm.s32 $0x0;
	s0 =	simm.s32 $0xD  }
.LBB2_4:
0x5d: {  	_ =	swait.ge [sflag:s11], $0x80  }
0x5e: {  	[sflag:s11] =	ssyncset.done $0x0  }
0x5f: {  	[sflag:s11] =	ssyncadd.s32 $0xFFFFFF80  }
0x60: {  	_ =	swait.ge [sflag:s11], $0x80  }
0x61: {  	p0 =	seq.s32 s18, $0x0;
	[sflag:s11] =	ssyncset.done $0x0  }
0x62: {  	s15 =	simm.s32 @!p0 $0xE;
	[sflag:s11] =	ssyncadd.s32 $0xFFFFFF80  }
0x63: {  	_ =	swait.ge @!p0 [sflag:s15], $0x1000  }
0x64: {  	[sflag:s15] =	ssyncset.done @!p0 $0x0  }
0x65: {  	[sflag:s15] =	ssyncadd.s32 @!p0 $0xFFFFF000  }
0x66: {  	[tilespmem:s12], [sflag:$0xA] =	stream.indirect.gather [hbm4b:s1+s29], $0x20, s29, s29, $0xb8;
	[tilespmem:$0x11510] =	vst v63  }
0x67: {  	_ =	swait.ge [sflag:s13], $0x1000  }
0x68: {  	[sflag:s13] =	ssyncset.done $0x0  }
0x69: {  	[sflag:s13] =	ssyncadd.s32 $0xFFFFF000  }
0x6a: {  	[spmem:s3] =	stream.indirect.scatter.add.f32 [tilespmem:s30], [sflag:$0xD], $0x20, s10, s29, $0xb8;
	[tilespmem:$0x11510] =	vst v63  }
0x6b: {  	v2 =	vld [tilespmem:$0x400];
	_ =	sdelay $0x7  }
0x6c: {  	[tilespmem:v2+s14+$0x0] =	vst.idx.add.f32.msk $0xffff, v1  }
0x6d: {  	v2 =	vld [tilespmem:$0x410];
	_ =	sdelay $0x7  }
0x6e: {  	[tilespmem:v2+s14+$0x0] =	vst.idx.add.f32.msk $0xffff, v1  }
0x6f: {  	v2 =	vld [tilespmem:$0x420];
	_ =	sdelay $0x7  }
0x70: {  	[tilespmem:v2+s14+$0x0] =	vst.idx.add.f32.msk $0xffff, v1  }
0x71: {  	v2 =	vld [tilespmem:$0x430];
	_ =	sdelay $0x7  }
0x72: {  	[tilespmem:v2+s14+$0x0] =	vst.idx.add.f32.msk $0xffff, v1  }
0x73: {  	v2 =	vld [tilespmem:$0x440];
	_ =	sdelay $0x7  }
0x74: {  	[tilespmem:v2+s14+$0x0] =	vst.idx.add.f32.msk $0xffff, v1  }
0x75: {  	v2 =	vld [tilespmem:$0x450];
	_ =	sdelay $0x7  }
0x76: {  	[tilespmem:v2+s14+$0x0] =	vst.idx.add.f32.msk $0xffff, v1  }
0x77: {  	v2 =	vld [tilespmem:$0x460];
	_ =	sdelay $0x7  }
0x78: {  	[tilespmem:v2+s14+$0x0] =	vst.idx.add.f32.msk $0xffff, v1  }
0x79: {  	v2 =	vld [tilespmem:$0x470];
	_ =	sdelay $0x4  }
0x7a: {  	s16 =	rddreg [dreg:$0x8]  }
0x7b: {  	s15 =	sadd.s32 s18, s16  }
0x7c: {  	s16 =	sor.u32 $0x800, s15  }
0x7d: {  	s19 =	rddreg [dreg:$0x9];
	s10 =	simm.s32 $0x200;
	s16 =	sadd.s32 s5, s16;
	[tilespmem:v2+s14+$0x0] =	vst.idx.add.f32.msk $0xffff, v1  }
0x7e: {  	[tilespmem:s10], [sflag:$0x5] =	stream.linear.gather [hbm4b:s16+s25], $0x80, $0x38;
	[tilespmem:$0x11510] =	vst v63  }
0x7f: {  	s12 =	simm.s32 $0x600;
	s19 =	sadd.s32 s18, s19  }
0x80: {  	[tilespmem:s12], [sflag:$0x5] =	stream.linear.gather [hbm4b:s19+s25], $0x80, $0x38;
	[tilespmem:$0x11510] =	vst v63  }
0x81: {  	_ =	swait.ge [sflag:s17], $0x80  }
0x82: {  	[sflag:s17] =	ssyncset.done $0x0  }
0x83: {  	[sflag:s17] =	ssyncadd.s32 $0xFFFFFF80  }
0x84: {  	_ =	swait.ge [sflag:s17], $0x80  }
0x85: {  	[sflag:s17] =	ssyncset.done $0x0  }
0x86: {  	s16 =	simm.s32 @!p0 $0xF;
	[sflag:s17] =	ssyncadd.s32 $0xFFFFFF80  }
0x87: {  	_ =	swait.ge @!p0 [sflag:s16], $0x1000  }
0x88: {  	[sflag:s16] =	ssyncset.done @!p0 $0x0  }
0x89: {  	s19 =	simm.s32 $0x2800;
	[sflag:s16] =	ssyncadd.s32 @!p0 $0xFFFFF000  }
0x8a: {  	[tilespmem:s19], [sflag:$0xB] =	stream.indirect.gather [hbm4b:s1+s29], $0x20, s23, s29, $0xb8;
	[tilespmem:$0x11510] =	vst v63  }
0x8b: {  	_ =	swait.ge [sflag:s21], $0x1000  }
0x8c: {  	[sflag:s21] =	ssyncset.done $0x0  }
0x8d: {  	s9 =	simm.s32 $0x1800;
	[sflag:s21] =	ssyncadd.s32 $0xFFFFF000  }
0x8e: {  	[spmem:s3] =	stream.indirect.scatter.add.f32 [tilespmem:s9], [sflag:$0xE], $0x20, s22, s29, $0xb8;
	[tilespmem:$0x11510] =	vst v63  }
0x8f: {  	v2 =	vld [tilespmem:$0x480];
	_ =	sdelay $0x7  }
0x90: {  	[tilespmem:v2+s14+$0x0] =	vst.idx.add.f32.msk $0xffff, v1  }
0x91: {  	v2 =	vld [tilespmem:$0x490];
	_ =	sdelay $0x7  }
0x92: {  	[tilespmem:v2+s14+$0x0] =	vst.idx.add.f32.msk $0xffff, v1  }
0x93: {  	v2 =	vld [tilespmem:$0x4A0];
	_ =	sdelay $0x7  }
0x94: {  	[tilespmem:v2+s14+$0x0] =	vst.idx.add.f32.msk $0xffff, v1  }
0x95: {  	v2 =	vld [tilespmem:$0x4B0];
	_ =	sdelay $0x7  }
0x96: {  	[tilespmem:v2+s14+$0x0] =	vst.idx.add.f32.msk $0xffff, v1  }
0x97: {  	v2 =	vld [tilespmem:$0x4C0];
	_ =	sdelay $0x7  }
0x98: {  	[tilespmem:v2+s14+$0x0] =	vst.idx.add.f32.msk $0xffff, v1  }
0x99: {  	v2 =	vld [tilespmem:$0x4D0];
	_ =	sdelay $0x7  }
0x9a: {  	[tilespmem:v2+s14+$0x0] =	vst.idx.add.f32.msk $0xffff, v1  }
0x9b: {  	v2 =	vld [tilespmem:$0x4E0];
	_ =	sdelay $0x7  }
0x9c: {  	[tilespmem:v2+s14+$0x0] =	vst.idx.add.f32.msk $0xffff, v1  }
0x9d: {  	v2 =	vld [tilespmem:$0x4F0];
	_ =	sdelay $0x6  }
0x9e: {  	s15 =	sor.u32 $0xA00, s15  }
0x9f: {  	s15 =	sadd.s32 s5, s15;
	s23 =	simm.s32 $0x280;
	s4 =	rddreg [dreg:$0x7];
	[tilespmem:v2+s14+$0x0] =	vst.idx.add.f32.msk $0xffff, v1  }
0xa0: {  	[tilespmem:s23], [sflag:$0x6] =	stream.linear.gather [hbm4b:s15+s25], $0x80, $0x38;
	[tilespmem:$0x11510] =	vst v63  }
0xa1: {  	s7 =	sadd.s32 s18, s4  }
0xa2: {  	[tilespmem:s26], [sflag:$0x6] =	stream.linear.gather [hbm4b:s7+s25], $0x80, $0x38;
	[tilespmem:$0x11510] =	vst v63  }
0xa3: {  	_ =	swait.ge [sflag:s24], $0x80  }
0xa4: {  	[sflag:s24] =	ssyncset.done $0x0  }
0xa5: {  	[sflag:s24] =	ssyncadd.s32 $0xFFFFFF80  }
0xa6: {  	_ =	swait.ge [sflag:s24], $0x80  }
0xa7: {  	[sflag:s24] =	ssyncset.done $0x0  }
0xa8: {  	s15 =	simm.s32 @!p0 $0x10;
	[sflag:s24] =	ssyncadd.s32 $0xFFFFFF80  }
0xa9: {  	_ =	swait.ge @!p0 [sflag:s15], $0x1000  }
0xaa: {  	s16 =	simm.s32 $0xB;
	[sflag:s15] =	ssyncset.done @!p0 $0x0  }
0xab: {  	s4 =	simm.s32 $0x3800;
	s7 =	simm.s32 $0x180;
	[sflag:s15] =	ssyncadd.s32 @!p0 $0xFFFFF000  }
0xac: {  	[tilespmem:s4], [sflag:$0xC] =	stream.indirect.gather [hbm4b:s1+s29], $0x20, s7, s29, $0xb8;
	[tilespmem:$0x11510] =	vst v63  }
0xad: {  	_ =	swait.ge [sflag:s16], $0x1000  }
0xae: {  	[sflag:s16] =	ssyncset.done $0x0  }
0xaf: {  	s22 =	simm.s32 $0x500;
	[sflag:s16] =	ssyncadd.s32 $0xFFFFF000  }
0xb0: {  	[spmem:s3] =	stream.indirect.scatter.add.f32 [tilespmem:s19], [sflag:$0xF], $0x20, s22, s29, $0xb8;
	[tilespmem:$0x11510] =	vst v63  }
0xb1: {  	v2 =	vld [tilespmem:$0x500];
	_ =	sdelay $0x7  }
0xb2: {  	[tilespmem:v2+s14+$0x0] =	vst.idx.add.f32.msk $0xffff, v1  }
0xb3: {  	v2 =	vld [tilespmem:$0x510];
	_ =	sdelay $0x7  }
0xb4: {  	[tilespmem:v2+s14+$0x0] =	vst.idx.add.f32.msk $0xffff, v1  }
0xb5: {  	v2 =	vld [tilespmem:$0x520];
	_ =	sdelay $0x7  }
0xb6: {  	[tilespmem:v2+s14+$0x0] =	vst.idx.add.f32.msk $0xffff, v1  }
0xb7: {  	v2 =	vld [tilespmem:$0x530];
	_ =	sdelay $0x7  }
0xb8: {  	[tilespmem:v2+s14+$0x0] =	vst.idx.add.f32.msk $0xffff, v1  }
0xb9: {  	v2 =	vld [tilespmem:$0x540];
	_ =	sdelay $0x7  }
0xba: {  	[tilespmem:v2+s14+$0x0] =	vst.idx.add.f32.msk $0xffff, v1  }
0xbb: {  	v2 =	vld [tilespmem:$0x550];
	_ =	sdelay $0x7  }
0xbc: {  	[tilespmem:v2+s14+$0x0] =	vst.idx.add.f32.msk $0xffff, v1  }
0xbd: {  	v2 =	vld [tilespmem:$0x560];
	_ =	sdelay $0x7  }
0xbe: {  	[tilespmem:v2+s14+$0x0] =	vst.idx.add.f32.msk $0xffff, v1  }
0xbf: {  	v2 =	vld [tilespmem:$0x570];
	_ =	sdelay $0x5  }
0xc0: {  	s7 =	sadd.s32 $0x6, s2;
	s15 =	rddreg [dreg:$0x11]  }
0xc1: {  	p0 =	sge.u32 s7, s8;
	s16 =	rddreg [dreg:$0x10]  }
0xc2: {  	s15 =	sadd.s32 @!p0 s18, s15;
	s19 =	simm.s32 @!p0 $0x0;
	s22 =	simm.s32 @!p0 $0x300;
	[tilespmem:v2+s14+$0x0] =	vst.idx.add.f32.msk $0xffff, v1  }
0xc3: {  	[tilespmem:s22], [sflag:$0x7] =	stream.linear.gather @!p0 [hbm4b:s15+s19], $0x80, $0x38;
	[tilespmem:$0x11510] =	vst v63  }
0xc4: {  	s15 =	sadd.s32 @!p0 s18, s16;
	s16 =	simm.s32 @!p0 $0x700  }
0xc5: {  	[tilespmem:s16], [sflag:$0x7] =	stream.linear.gather @!p0 [hbm4b:s15+s19], $0x80, $0x38;
	[tilespmem:$0x11510] =	vst v63  }
0xc6: {  	_ =	swait.ge [sflag:s28], $0x80  }
0xc7: {  	[sflag:s28] =	ssyncset.done $0x0  }
0xc8: {  	[sflag:s28] =	ssyncadd.s32 $0xFFFFFF80  }
0xc9: {  	_ =	swait.ge [sflag:s28], $0x80  }
0xca: {  	[sflag:s28] =	ssyncset.done $0x0  }
0xcb: {  	[sflag:s28] =	ssyncadd.s32 $0xFFFFFF80  }
0xcc: {  	_ =	swait.ge [sflag:s0], $0x1000  }
0xcd: {  	[sflag:s0] =	ssyncset.done $0x0  }
0xce: {  	s15 =	simm.s32 $0xC;
	[sflag:s0] =	ssyncadd.s32 $0xFFFFF000  }
0xcf: {  	[tilespmem:s30], [sflag:$0x9] =	stream.indirect.gather [hbm4b:s1+s29], $0x20, s10, s29, $0xb8;
	[tilespmem:$0x11510] =	vst v63  }
0xd0: {  	_ =	swait.ge [sflag:s15], $0x1000  }
0xd1: {  	[sflag:s15] =	ssyncset.done $0x0  }
0xd2: {  	s16 =	simm.s32 $0x580;
	[sflag:s15] =	ssyncadd.s32 $0xFFFFF000  }
0xd3: {  	[spmem:s3] =	stream.indirect.scatter.add.f32 [tilespmem:s4], [sflag:$0x10], $0x20, s16, s29, $0xb8;
	[tilespmem:$0x11510] =	vst v63  }
0xd4: {  	v2 =	vld [tilespmem:$0x580];
	_ =	sdelay $0x7  }
0xd5: {  	[tilespmem:v2+s14+$0x0] =	vst.idx.add.f32.msk $0xffff, v1  }
0xd6: {  	v2 =	vld [tilespmem:$0x590];
	_ =	sdelay $0x7  }
0xd7: {  	[tilespmem:v2+s14+$0x0] =	vst.idx.add.f32.msk $0xffff, v1  }
0xd8: {  	v2 =	vld [tilespmem:$0x5A0];
	_ =	sdelay $0x7  }
0xd9: {  	[tilespmem:v2+s14+$0x0] =	vst.idx.add.f32.msk $0xffff, v1  }
0xda: {  	v2 =	vld [tilespmem:$0x5B0];
	_ =	sdelay $0x7  }
0xdb: {  	[tilespmem:v2+s14+$0x0] =	vst.idx.add.f32.msk $0xffff, v1  }
0xdc: {  	v2 =	vld [tilespmem:$0x5C0];
	_ =	sdelay $0x7  }
0xdd: {  	[tilespmem:v2+s14+$0x0] =	vst.idx.add.f32.msk $0xffff, v1  }
0xde: {  	v2 =	vld [tilespmem:$0x5D0];
	_ =	sdelay $0x7  }
0xdf: {  	[tilespmem:v2+s14+$0x0] =	vst.idx.add.f32.msk $0xffff, v1  }
0xe0: {  	v2 =	vld [tilespmem:$0x5E0];
	_ =	sdelay $0x7  }
0xe1: {  	[tilespmem:v2+s14+$0x0] =	vst.idx.add.f32.msk $0xffff, v1  }
0xe2: {  	v2 =	vld [tilespmem:$0x5F0];
	_ =	sdelay $0x4  }
0xe3: {  	s19 =	sadd.s32 $0x7, s2  }
0xe4: {  	p0 =	sge.u32 s19, s8  }
0xe5: {  	s19 =	simm.s32 @!p0 $0x0;
	s15 =	rddreg [dreg:$0xf]  }
0xe6: {  	s22 =	simm.s32 @!p0 $0x380;
	s16 =	rddreg [dreg:$0xe];
	s15 =	sadd.s32 @!p0 s18, s15;
	[tilespmem:v2+s14+$0x0] =	vst.idx.add.f32.msk $0xffff, v1  }
0xe7: {  	[tilespmem:s22], [sflag:$0x8] =	stream.linear.gather @!p0 [hbm4b:s15+s19], $0x80, $0x38;
	[tilespmem:$0x11510] =	vst v63  }
0xe8: {  	s15 =	sadd.s32 @!p0 s18, s16;
	s16 =	simm.s32 @!p0 $0x780  }
0xe9: {  	[tilespmem:s16], [sflag:$0x8] =	stream.linear.gather @!p0 [hbm4b:s15+s19], $0x80, $0x38;
	[tilespmem:$0x11510] =	vst v63  }
0xea: {  	_ =	swait.ge [sflag:s31], $0x80  }
0xeb: {  	[sflag:s31] =	ssyncset.done $0x0  }
0xec: {  	[sflag:s31] =	ssyncadd.s32 $0xFFFFFF80  }
0xed: {  	_ =	swait.ge [sflag:s31], $0x80  }
0xee: {  	[sflag:s31] =	ssyncset.done $0x0  }
0xef: {  	s22 =	simm.s32 $0xE;
	[sflag:s31] =	ssyncadd.s32 $0xFFFFFF80  }
0xf0: {  	_ =	swait.ge [sflag:s22], $0x1000  }
0xf1: {  	[sflag:s22] =	ssyncset.done $0x0  }
0xf2: {  	[sflag:s22] =	ssyncadd.s32 $0xFFFFF000  }
0xf3: {  	[tilespmem:s9], [sflag:$0xA] =	stream.indirect.gather [hbm4b:s1+s29], $0x20, s23, s29, $0xb8;
	[tilespmem:$0x11510] =	vst v63  }
0xf4: {  	_ =	swait.ge [sflag:s13], $0x1000  }
0xf5: {  	[sflag:s13] =	ssyncset.done $0x0  }
0xf6: {  	[sflag:s13] =	ssyncadd.s32 $0xFFFFF000  }
0xf7: {  	[spmem:s3] =	stream.indirect.scatter.add.f32 [tilespmem:s30], [sflag:$0xD], $0x20, s12, s29, $0xb8;
	[tilespmem:$0x11510] =	vst v63  }
0xf8: {  	v2 =	vld [tilespmem:$0x600];
	_ =	sdelay $0x7  }
0xf9: {  	[tilespmem:v2+s14+$0x0] =	vst.idx.add.f32.msk $0xffff, v1  }
0xfa: {  	v2 =	vld [tilespmem:$0x610];
	_ =	sdelay $0x7  }
0xfb: {  	[tilespmem:v2+s14+$0x0] =	vst.idx.add.f32.msk $0xffff, v1  }
0xfc: {  	v2 =	vld [tilespmem:$0x620];
	_ =	sdelay $0x7  }
0xfd: {  	[tilespmem:v2+s14+$0x0] =	vst.idx.add.f32.msk $0xffff, v1  }
0xfe: {  	v2 =	vld [tilespmem:$0x630];
	_ =	sdelay $0x7  }
0xff: {  	[tilespmem:v2+s14+$0x0] =	vst.idx.add.f32.msk $0xffff, v1  }
0x100: {  	v2 =	vld [tilespmem:$0x640];
	_ =	sdelay $0x7  }
0x101: {  	[tilespmem:v2+s14+$0x0] =	vst.idx.add.f32.msk $0xffff, v1  }
0x102: {  	v2 =	vld [tilespmem:$0x650];
	_ =	sdelay $0x7  }
0x103: {  	[tilespmem:v2+s14+$0x0] =	vst.idx.add.f32.msk $0xffff, v1  }
0x104: {  	v2 =	vld [tilespmem:$0x660];
	_ =	sdelay $0x7  }
0x105: {  	[tilespmem:v2+s14+$0x0] =	vst.idx.add.f32.msk $0xffff, v1  }
0x106: {  	v2 =	vld [tilespmem:$0x670];
	_ =	sdelay $0x4  }
0x107: {  	s4 =	sadd.s32 $0x8, s2  }
0x108: {  	p0 =	sge.u32 s4, s8  }
0x109: {  	s16 =	sshrl.u32 @!p0 s6, $0x3  }
0x10a: {  	s19 =	simm.s32 @!p0 $0x0;
	s16 =	sadd.s32 @!p0 s5, s16;
	s22 =	rddreg [dreg:$0x12];
	[tilespmem:v2+s14+$0x0] =	vst.idx.add.f32.msk $0xffff, v1  }
0x10b: {  	[tilespmem:s19], [sflag:$0x1] =	stream.linear.gather @!p0 [hbm4b:s16+s19], $0x80, $0x38;
	[tilespmem:$0x11510] =	vst v63  }
0x10c: {  	s23 =	simm.s32 @!p0 $0x400;
	s9 =	rddreg [dreg:$0x5];
	s22 =	sadd.s32 @!p0 s18, s22  }
0x10d: {  	[tilespmem:s23], [sflag:$0x1] =	stream.linear.gather @!p0 [hbm4b:s22+s19], $0x80, $0x38;
	[tilespmem:$0x11510] =	vst v63  }
0x10e: {  	p0 =	sge.u32 s2, s9  }
0x10f: {  	s16 =	simm.s32 @!p0 $0x7  }
0x110: {  	_ =	swait.ge @!p0 [sflag:s16], $0x80  }
0x111: {  	[sflag:s16] =	ssyncset.done @!p0 $0x0  }
0x112: {  	[sflag:s16] =	ssyncadd.s32 @!p0 $0xFFFFFF80  }
0x113: {  	_ =	swait.ge @!p0 [sflag:s16], $0x80  }
0x114: {  	[sflag:s16] =	ssyncset.done @!p0 $0x0  }
0x115: {  	[sflag:s16] =	ssyncadd.s32 @!p0 $0xFFFFFF80;
	s16 =	simm.s32 @!p0 $0xF  }
0x116: {  	_ =	swait.ge @!p0 [sflag:s16], $0x1000  }
0x117: {  	s19 =	simm.s32 @!p0 $0x300;
	[sflag:s16] =	ssyncset.done @!p0 $0x0  }
0x118: {  	s22 =	simm.s32 @!p0 $0x2800;
	[sflag:s16] =	ssyncadd.s32 @!p0 $0xFFFFF000;
	s16 =	simm.s32 @!p0 $0x80  }
0x119: {  	[tilespmem:s22], [sflag:$0xB] =	stream.indirect.gather @!p0 [hbm4b:s1+s16], $0x20, s19, s16, $0xb8;
	[tilespmem:$0x11510] =	vst v63  }
0x11a: {  	_ =	swait.ge [sflag:s21], $0x1000  }
0x11b: {  	[sflag:s21] =	ssyncset.done $0x0  }
0x11c: {  	s12 =	simm.s32 $0x1800;
	[sflag:s21] =	ssyncadd.s32 $0xFFFFF000  }
0x11d: {  	[spmem:s3] =	stream.indirect.scatter.add.f32 [tilespmem:s12], [sflag:$0xE], $0x20, s26, s29, $0xb8;
	[tilespmem:$0x11510] =	vst v63  }
0x11e: {  	v2 =	vld [tilespmem:$0x680];
	_ =	sdelay $0x7  }
0x11f: {  	[tilespmem:v2+s14+$0x0] =	vst.idx.add.f32.msk $0xffff, v1  }
0x120: {  	v2 =	vld [tilespmem:$0x690];
	_ =	sdelay $0x7  }
0x121: {  	[tilespmem:v2+s14+$0x0] =	vst.idx.add.f32.msk $0xffff, v1  }
0x122: {  	v2 =	vld [tilespmem:$0x6A0];
	_ =	sdelay $0x7  }
0x123: {  	[tilespmem:v2+s14+$0x0] =	vst.idx.add.f32.msk $0xffff, v1  }
0x124: {  	v2 =	vld [tilespmem:$0x6B0];
	_ =	sdelay $0x7  }
0x125: {  	[tilespmem:v2+s14+$0x0] =	vst.idx.add.f32.msk $0xffff, v1  }
0x126: {  	v2 =	vld [tilespmem:$0x6C0];
	_ =	sdelay $0x7  }
0x127: {  	[tilespmem:v2+s14+$0x0] =	vst.idx.add.f32.msk $0xffff, v1  }
0x128: {  	v2 =	vld [tilespmem:$0x6D0];
	_ =	sdelay $0x7  }
0x129: {  	[tilespmem:v2+s14+$0x0] =	vst.idx.add.f32.msk $0xffff, v1  }
0x12a: {  	v2 =	vld [tilespmem:$0x6E0];
	_ =	sdelay $0x7  }
0x12b: {  	[tilespmem:v2+s14+$0x0] =	vst.idx.add.f32.msk $0xffff, v1  }
0x12c: {  	v2 =	vld [tilespmem:$0x6F0];
	_ =	sdelay $0x4  }
0x12d: {  	s10 =	sadd.s32 $0x9, s2  }
0x12e: {  	p1 =	sge.u32 s10, s8  }
0x12f: {  	s10 =	simm.s32 @!p1 $0x0;
	s19 =	rddreg [dreg:$0x14]  }
0x130: {  	s7 =	simm.s32 @!p1 $0x80;
	s23 =	rddreg [dreg:$0x13];
	s19 =	sadd.s32 @!p1 s18, s19;
	[tilespmem:v2+s14+$0x0] =	vst.idx.add.f32.msk $0xffff, v1  }
0x131: {  	[tilespmem:s7], [sflag:$0x2] =	stream.linear.gather @!p1 [hbm4b:s19+s10], $0x80, $0x38;
	[tilespmem:$0x11510] =	vst v63  }
0x132: {  	s7 =	sadd.s32 @!p1 s18, s23;
	s19 =	simm.s32 @!p1 $0x480  }
0x133: {  	[tilespmem:s19], [sflag:$0x2] =	stream.linear.gather @!p1 [hbm4b:s7+s10], $0x80, $0x38;
	[tilespmem:$0x11510] =	vst v63  }
0x134: {  	p1 =	sge.u32 @!p0 s2, s20  }
0x135: {  	p1 =	por p1, p0  }
0x136: {  	s7 =	simm.s32 @!p1 $0x8  }
0x137: {  	_ =	swait.ge @!p1 [sflag:s7], $0x80  }
0x138: {  	[sflag:s7] =	ssyncset.done @!p1 $0x0  }
0x139: {  	[sflag:s7] =	ssyncadd.s32 @!p1 $0xFFFFFF80  }
0x13a: {  	_ =	swait.ge @!p1 [sflag:s7], $0x80  }
0x13b: {  	[sflag:s7] =	ssyncset.done @!p1 $0x0  }
0x13c: {  	[sflag:s7] =	ssyncadd.s32 @!p1 $0xFFFFFF80;
	s7 =	simm.s32 @!p1 $0x10  }
0x13d: {  	_ =	swait.ge @!p1 [sflag:s7], $0x1000  }
0x13e: {  	s10 =	simm.s32 @!p1 $0x380;
	[sflag:s7] =	ssyncset.done @!p1 $0x0  }
0x13f: {  	s19 =	simm.s32 @!p1 $0x3800;
	[sflag:s7] =	ssyncadd.s32 @!p1 $0xFFFFF000;
	s7 =	simm.s32 @!p1 $0x80  }
0x140: {  	[tilespmem:s19], [sflag:$0xC] =	stream.indirect.gather @!p1 [hbm4b:s1+s7], $0x20, s10, s7, $0xb8;
	[tilespmem:$0x11510] =	vst v63  }
0x141: {  	s7 =	simm.s32 @!p0 $0xB  }
0x142: {  	_ =	swait.ge @!p0 [sflag:s7], $0x1000  }
0x143: {  	[sflag:s7] =	ssyncset.done @!p0 $0x0  }
0x144: {  	[sflag:s7] =	ssyncadd.s32 @!p0 $0xFFFFF000;
	s7 =	simm.s32 @!p0 $0x700  }
0x145: {  	[spmem:s3] =	stream.indirect.scatter.add.f32 @!p0 [tilespmem:s22], [sflag:$0xF], $0x20, s7, s16, $0xb8;
	[tilespmem:$0x11510] =	vst v63  }
0x146: {  	v2 =	vld @!p0 [tilespmem:$0x700];
	_ =	sdelay $0x6  }
0x147: {  	v3 =	vimm.f32 @!p0 $1.000000000e+00;
	s7 =	simm.s32 @!p0 $0x9800  }
0x148: {  	[tilespmem:v2+s7+$0x0] =	vst.idx.add.f32.msk @!p0 $0xffff, v3  }
0x149: {  	v2 =	vld @!p0 [tilespmem:$0x710];
	_ =	sdelay $0x7  }
0x14a: {  	[tilespmem:v2+s7+$0x0] =	vst.idx.add.f32.msk @!p0 $0xffff, v3  }
0x14b: {  	v2 =	vld @!p0 [tilespmem:$0x720];
	_ =	sdelay $0x7  }
0x14c: {  	[tilespmem:v2+s7+$0x0] =	vst.idx.add.f32.msk @!p0 $0xffff, v3  }
0x14d: {  	v2 =	vld @!p0 [tilespmem:$0x730];
	_ =	sdelay $0x7  }
0x14e: {  	[tilespmem:v2+s7+$0x0] =	vst.idx.add.f32.msk @!p0 $0xffff, v3  }
0x14f: {  	v2 =	vld @!p0 [tilespmem:$0x740];
	_ =	sdelay $0x7  }
0x150: {  	[tilespmem:v2+s7+$0x0] =	vst.idx.add.f32.msk @!p0 $0xffff, v3  }
0x151: {  	v2 =	vld @!p0 [tilespmem:$0x750];
	_ =	sdelay $0x7  }
0x152: {  	[tilespmem:v2+s7+$0x0] =	vst.idx.add.f32.msk @!p0 $0xffff, v3  }
0x153: {  	v2 =	vld @!p0 [tilespmem:$0x760];
	_ =	sdelay $0x7  }
0x154: {  	[tilespmem:v2+s7+$0x0] =	vst.idx.add.f32.msk @!p0 $0xffff, v3  }
0x155: {  	v2 =	vld @!p0 [tilespmem:$0x770];
	_ =	sdelay $0x3  }
0x156: {  	s10 =	sadd.s32 @!p0 $0xA, s2  }
0x157: {  	p1 =	sge.u32 @!p0 s10, s8  }
0x158: {  	p1 =	por p1, p0;
	s10 =	rddreg [dreg:$0xc]  }
0x159: {  	s19 =	simm.s32 @!p1 $0x100;
	s16 =	rddreg [dreg:$0xd]  }
0x15a: {  	[tilespmem:v2+s7+$0x0] =	vst.idx.add.f32.msk @!p0 $0xffff, v3;
	s7 =	sadd.s32 @!p1 s18, s16;
	s16 =	simm.s32 @!p1 $0x0;
	p0 =	sge.u32 s2, s20  }
0x15b: {  	[tilespmem:s19], [sflag:$0x3] =	stream.linear.gather @!p1 [hbm4b:s7+s16], $0x80, $0x38;
	[tilespmem:$0x11510] =	vst v63  }
0x15c: {  	s7 =	sadd.s32 @!p1 s18, s10;
	s10 =	simm.s32 @!p1 $0x500;
	s19 =	rddreg [dreg:$0x6]  }
0x15d: {  	[tilespmem:s10], [sflag:$0x3] =	stream.linear.gather @!p1 [hbm4b:s7+s16], $0x80, $0x38;
	[tilespmem:$0x11510] =	vst v63  }
0x15e: {  	p1 =	sge.u32 @!p0 s2, s19  }
0x15f: {  	p1 =	por p1, p0  }
0x160: {  	s7 =	simm.s32 @!p1 $0x1  }
0x161: {  	_ =	swait.ge @!p1 [sflag:s7], $0x80  }
0x162: {  	[sflag:s7] =	ssyncset.done @!p1 $0x0  }
0x163: {  	[sflag:s7] =	ssyncadd.s32 @!p1 $0xFFFFFF80  }
0x164: {  	_ =	swait.ge @!p1 [sflag:s7], $0x80  }
0x165: {  	[sflag:s7] =	ssyncset.done @!p1 $0x0  }
0x166: {  	[sflag:s7] =	ssyncadd.s32 @!p1 $0xFFFFFF80;
	s7 =	simm.s32 @!p1 $0xD  }
0x167: {  	_ =	swait.ge @!p1 [sflag:s7], $0x1000  }
0x168: {  	s10 =	simm.s32 @!p1 $0x0;
	[sflag:s7] =	ssyncset.done @!p1 $0x0  }
0x169: {  	s16 =	simm.s32 @!p1 $0x800;
	[sflag:s7] =	ssyncadd.s32 @!p1 $0xFFFFF000;
	s7 =	simm.s32 @!p1 $0x80  }
0x16a: {  	[tilespmem:s16], [sflag:$0x9] =	stream.indirect.gather @!p1 [hbm4b:s1+s7], $0x20, s10, s7, $0xb8;
	[tilespmem:$0x11510] =	vst v63  }
0x16b: {  	s7 =	simm.s32 @!p0 $0xC  }
0x16c: {  	_ =	swait.ge @!p0 [sflag:s7], $0x1000  }
0x16d: {  	s10 =	simm.s32 @!p0 $0x780;
	[sflag:s7] =	ssyncset.done @!p0 $0x0  }
0x16e: {  	s16 =	simm.s32 @!p0 $0x3800;
	[sflag:s7] =	ssyncadd.s32 @!p0 $0xFFFFF000;
	s7 =	simm.s32 @!p0 $0x80  }
0x16f: {  	[spmem:s3] =	stream.indirect.scatter.add.f32 @!p0 [tilespmem:s16], [sflag:$0x10], $0x20, s10, s7, $0xb8;
	[tilespmem:$0x11510] =	vst v63  }
0x170: {  	v2 =	vld @!p0 [tilespmem:$0x780];
	_ =	sdelay $0x6  }
0x171: {  	v3 =	vimm.f32 @!p0 $1.000000000e+00;
	s7 =	simm.s32 @!p0 $0x9800  }
0x172: {  	[tilespmem:v2+s7+$0x0] =	vst.idx.add.f32.msk @!p0 $0xffff, v3  }
0x173: {  	v2 =	vld @!p0 [tilespmem:$0x790];
	_ =	sdelay $0x7  }
0x174: {  	[tilespmem:v2+s7+$0x0] =	vst.idx.add.f32.msk @!p0 $0xffff, v3  }
0x175: {  	v2 =	vld @!p0 [tilespmem:$0x7A0];
	_ =	sdelay $0x7  }
0x176: {  	[tilespmem:v2+s7+$0x0] =	vst.idx.add.f32.msk @!p0 $0xffff, v3  }
0x177: {  	v2 =	vld @!p0 [tilespmem:$0x7B0];
	_ =	sdelay $0x7  }
0x178: {  	[tilespmem:v2+s7+$0x0] =	vst.idx.add.f32.msk @!p0 $0xffff, v3  }
0x179: {  	v2 =	vld @!p0 [tilespmem:$0x7C0];
	_ =	sdelay $0x7  }
0x17a: {  	[tilespmem:v2+s7+$0x0] =	vst.idx.add.f32.msk @!p0 $0xffff, v3  }
0x17b: {  	v2 =	vld @!p0 [tilespmem:$0x7D0];
	_ =	sdelay $0x7  }
0x17c: {  	[tilespmem:v2+s7+$0x0] =	vst.idx.add.f32.msk @!p0 $0xffff, v3  }
0x17d: {  	v2 =	vld @!p0 [tilespmem:$0x7E0];
	_ =	sdelay $0x7  }
0x17e: {  	[tilespmem:v2+s7+$0x0] =	vst.idx.add.f32.msk @!p0 $0xffff, v3  }
0x17f: {  	v2 =	vld @!p0 [tilespmem:$0x7F0];
	_ =	sdelay $0x4  }
0x180: {  	s2 =	sadd.s32 @!p0 $0xB, s2  }
0x181: {  	p1 =	sge.u32 @!p0 s2, s8;
	s2 =	rddreg [dreg:$0xa]  }
0x182: {  	p1 =	por p1, p0;
	s10 =	rddreg [dreg:$0xb]  }
0x183: {  	s2 =	sadd.s32 @!p1 s18, s2;
	[tilespmem:v2+s7+$0x0] =	vst.idx.add.f32.msk @!p0 $0xffff, v3;
	s7 =	sadd.s32 @!p1 s18, s10;
	s18 =	sadd.s32 $0x1000, s18  }
0x184: {  	p0 =	sne.s32 s18, $0xA000  }
.Ltmp1:
0x185: {  	s16 =	simm.s32 @!p1 $0x180;
	s10 =	simm.s32 @!p1 $0x0;
	(pc) =	sbr.rel @p0 .LBB2_4-.Ltmp1, $4  }
0x186: {  	[tilespmem:s16], [sflag:$0x4] =	stream.linear.gather @!p1 [hbm4b:s7+s10], $0x80, $0x38;
	[tilespmem:$0x11510] =	vst v63  }
0x187: {  	s6 =	sadd.s32 $0x8000, s6;
	s23 =	simm.s32 $0x100;
	s7 =	simm.s32 @!p1 $0x580  }
0x188: {  	[tilespmem:s7], [sflag:$0x4] =	stream.linear.gather @!p1 [hbm4b:s2+s10], $0x80, $0x38;
	[tilespmem:$0x11510] =	vst v63  }
0x189: {  	s22 =	simm.s32 $0x480;
	s10 =	simm.s32 $0x400;
	s2 =	smov.u32 s4  }
0x18a: {  	_ =	swait.ge [sflag:s0], $0x1000  }
0x18b: {  	[sflag:s0] =	ssyncset.done $0x0  }
0x18c: {  	s6 =	simm.s32 $0xE;
	[sflag:s0] =	ssyncadd.s32 $0xFFFFF000  }
0x18d: {  	_ =	swait.ge [sflag:s6], $0x1000  }
0x18e: {  	[sflag:s6] =	ssyncset.done $0x0  }
0x18f: {  	s7 =	simm.s32 $0xF;
	[sflag:s6] =	ssyncadd.s32 $0xFFFFF000  }
0x190: {  	_ =	swait.ge [sflag:s7], $0x1000  }
0x191: {  	[sflag:s7] =	ssyncset.done $0x0  }
0x192: {  	s9 =	simm.s32 $0x10;
	[sflag:s7] =	ssyncadd.s32 $0xFFFFF000  }
0x193: {  	_ =	swait.ge [sflag:s9], $0x1000  }
0x194: {  	[sflag:s9] =	ssyncset.done $0x0  }
0x195: {  	[sflag:s9] =	ssyncadd.s32 $0xFFFFF000  }
0x196: {  	[bflag:$0x0] =	sbarrier.arrive $0xFFFF  }
0x197: {  	s2 =	sld [smem:$0x7F9]  }
0x198: {  	s15 =	sld [smem:$0x7F7];
	_ =	sdelay $0x1  }
0x199: {  	s4 =	simm.s32 $0x11;
	s16 =	rddreg [dreg:$0x17]  }
0x19a: {  	[hbm:s2], [sflag:s16] =	dma.local [spmem:s15], $0xA00  }
0x19b: {  	_ =	swait.ge [sflag:s4], $0xA00  }
0x19c: {  	[sflag:s4] =	ssyncset.done $0x0  }
0x19d: {  	s18 =	rddreg [dreg:$0x1f];
	[sflag:s4] =	ssyncadd.s32 $0xFFFFF600  }
0x19e: {  	[spmem:s18] =	stream.linear.scatter [tilespmem:s14], [sflag:$0x11], $0x2800, $0x38;
	[tilespmem:$0x11510] =	vst v63  }
0x19f: {  	_ =	swait.ge [sflag:s4], $0x2800  }
0x1a0: {  	[sflag:s4] =	ssyncset.done $0x0  }
0x1a1: {  	[sflag:s4] =	ssyncadd.s32 $0xFFFFD800  }
0x1a2: {  	[bflag:$0x0] =	sbarrier.arrive $0xFFFF  }
0x1a3: {  	s18 =	sld [smem:$0x7FD];
	_ =	sdelay $0x1  }
0x1a4: {  	s19 =	simm.s32 $0xE800  }
0x1a5: {  	[tilespmem:s19], [sflag:$0x11] =	stream.linear.gather [spmem:s18], $0x280, $0x38;
	[tilespmem:$0x11510] =	vst v63  }
0x1a6: {  	_ =	swait.ge [sflag:s4], $0x280  }
0x1a7: {  	s0 =	simm.s32 $0x0;
	s9 =	simm.s32 $0xEA90;
	[sflag:s4] =	ssyncset.done $0x0  }
0x1a8: {  	s2 =	simm.s32 $0x1;
	s19 =	simm.s32 $0x580;
	[sflag:s4] =	ssyncadd.s32 $0xFFFFFD80  }
.LBB2_6:
0x1a9: {  	s6 =	smul.u32 $0xA000, s2;
	_ =	sdelay $0x1  }
0x1aa: {  	s6 =	sshra.s32 s6, $0x2  }
0x1ab: {  	s6 =	sadd.s32 s6, s18  }
0x1ac: {  	[tilespmem:s9], [sflag:$0x11] =	stream.linear.gather [spmem:s6], $0x280, $0x38;
	[tilespmem:$0x11510] =	vst v63  }
0x1ad: {  	_ =	swait.ge [sflag:s4], $0x280  }
0x1ae: {  	[sflag:s4] =	ssyncset.done $0x0  }
0x1af: {  	s6 =	simm.s32 $0x0;
	[sflag:s4] =	ssyncadd.s32 $0xFFFFFD80  }
0x1b0: {  	s15 =	simm.s32 $0x40;
	v2 =	vld [tilespmem:s6+$0xEA90]  }
.LBB2_7:
0x1b1: {  	p0 =	sne.s32 s15, $0x9C0;
	v3 =	vld [tilespmem:s6+$0xE800];
	_ =	sdelay $0x2  }
.Ltmp2:
0x1b2: {  	(pc) =	sbr.rel @p0 .LBB2_7-.Ltmp2, $4  }
0x1b3: {  	_ = 	snop  }
0x1b4: {  	v3 =	vadd.f32 v2, v3  }
0x1b5: {  	s7 =	sshra.s32 s15, $0x2  }
0x1b6: {  	s15 =	sadd.s32 $0x40, s15;
	v2 =	vld [tilespmem:s7+$0xEA90];
	[tilespmem:s6+$0xE800] =	vst v3;
	s6 =	smov.u32 s7  }
0x1b7: {  	v3 =	vld [tilespmem:s6+$0xE800]  }
0x1b8: {  	s2 =	sadd.s32 $0x1, s2  }
0x1b9: {  	p0 =	sne.s32 s2, $0x10  }
.Ltmp3:
0x1ba: {  	_ = 	snop;
	(pc) =	sbr.rel @p0 .LBB2_6-.Ltmp3, $3  }
0x1bb: {  	_ = 	snop  }
0x1bc: {  	v2 =	vadd.f32 v2, v3;
	_ =	sdelay $0x1  }
0x1bd: {  	[tilespmem:s6+$0xE800] =	vst v2  }
0x1be: {  	s7 =	simm.s32 $0x0  }
0x1bf: {  	v2 =	vld [tilespmem:s7+$0xE800];
	_ =	sdelay $0x3  }
0x1c0: {  	s2 =	simm.s32 $0xED10;
	s6 =	simm.s32 $0x4  }
.LBB2_10:
0x1c1: {  	s7 =	sshra.s32 s6, $0x2;
	p0 =	sne.s32 s6, $0x9FC;
	s6 =	sadd.s32 $0x4, s6;
	[tilespmem:s2+$0x0] =	vst v2  }
.Ltmp4:
0x1c2: {  	v2 =	vld [tilespmem:s7+$0xE800];
	(pc) =	sbr.rel @p0 .LBB2_10-.Ltmp4, $2  }
0x1c3: {  	_ =	sdelay $0x2  }
0x1c4: {  	s2 =	sadd.s32 $0x10, s2  }
0x1c5: {  	s9 =	sld [smem:$0x7FA];
	_ =	sdelay $0x1  }
0x1c6: {  	[tilespmem:s2+$0x0] =	vst v2;
	s6 =	simm.s32 $0xED10  }
0x1c7: {  	[hbm4b:s9+s0] =	stream.linear.scatter [tilespmem:s6], [sflag:$0x11], $0x2800, $0x38;
	[tilespmem:$0x11510] =	vst v63  }
0x1c8: {  	_ =	swait.ge [sflag:s4], $0x2800  }
0x1c9: {  	s15 =	sld [smem:$0x7F6]  }
0x1ca: {  	s18 =	sld [smem:$0x7FB];
	_ =	sdelay $0x1  }
0x1cb: {  	s0 =	sadd.s32 $0x1, s15  }
0x1cc: {  	p0 =	sne.s32 s0, s18  }
.Ltmp5:
0x1cd: {  	_ = 	snop;
	(pc) =	sbr.rel @p0 .LBB2_1-.Ltmp5, $3  }
0x1ce: {  	_ =	sdelay $0x1  }
0x1cf: {  	[sflag:s4] =	ssyncset.done $0x0  }
0x1d0: {  	s7 =	simm.s32 $0x500;
	[sflag:s4] =	ssyncadd.s32 $0xFFFFD800;
	s15 =	simm.s32 $0x180  }
0x1d1: {  	_ =	sfence.sel $0x180000  }
0x1d2: {  	[bflag:$0x0] =	sbarrier.arrive $0xFFFF  }
0x1d3: {  	_ =	strace $0x90000047  }
0x1d4: {  	s0 =	stileid.u32;
	[bflag:$0x2] =	sbarrier.arrive $0xFFFF  }
0x1d5: {  	p0 =	sne.s32 s0, $0x0;
	s0 =	rddreg [dreg:$0x4]  }
0x1d6: {  	s0 =	sadd.s32 @!p0 $0x100000, s0  }
0x1d7: {  	[sflag:s0] =	ssyncadd.tile.s32 @!p0 $0x1;
	_ =	shalt  }
.Lfunc_end2:
_tile_overlayer_lowered:
.L_overlay_start_2:
0x1d8: {  	(tag) =	ssettag $0x2  }
0x1d9: {  	s0 =	rddreg [dreg:$0x0];
	s2 =	stileid.u32  }
0x1da: {  	s1 =	rddreg [dreg:$0x1];
	p0 =	sne.s32 s2, $0x0  }
0x1db: {  	s3 =	rddreg [dreg:$0x2];
	[bflag:$0x3] =	sbarrier.arrive $0xFFFF;
	s2 =	simm.s32 @!p0 $0x1C11  }
0x1dc: {  	[timem:s3], [sflag:s2] =	dma.local @!p0 [hbm:s0], s1  }
0x1dd: {  	s0 =	simm.s32 @!p0 $0x11  }
0x1de: {  	_ =	swait.ge @!p0 [sflag:s0], s1  }
0x1df: {  	s1 =	ssub.s32 @!p0 $0x0, s1;
	[sflag:s0] =	ssyncset.done @!p0 $0x0  }
0x1e0: {  	[sflag:s0] =	ssyncadd.s32 @!p0 s1  }
0x1e1: {  	[bflag:$0x3] =	sbarrier.arrive $0xFFFF  }
0x1e2: {  	_ =	shalt  }

</sc_bundles>
